<compile_context>
chip_gen: v7x
topology: tpu7x:2x2x1
jax: 0.10.2.dev20260603
libtpu: 0.0.44.dev20260713+nightly
codegen_flags: <defaults>
</compile_context>

<pallas_src>
import functools

import jax
import jax.numpy as jnp
from jax import lax
from jax.experimental import pallas as pl
from jax.experimental.pallas import tpu as pltpu
from jax.experimental.pallas import tpu_sc as plsc

B = 4096
FD = 512
GD = 64
NU = 1000000
NI = 100000
NS = 16
USPAN = NU // NS
ISPAN = NI // NS
USEG = 62720
USEG15 = 62464
UBASE15 = 937472
UTAIL0 = 999936
UTAILN = NU - UTAIL0
ISEG = 6400
ISEG15 = 6272
IBASE15 = 93696
ITAIL0 = 99968
ITAILN = NI - ITAIL0
CHUNK = 512
NCH = B // 16
NCC = 24


def _sc_gather(users, pos, neg, gut, git, tut, bitv, gutail, gitail, btail):
    info = plsc.get_sparse_core_info()
    nc = info.num_cores
    dpc = GD // nc

    mesh = plsc.VectorSubcoreMesh(core_axis_name="c", subcore_axis_name="s")
    out_type = (
        jax.ShapeDtypeStruct((GD, NS, B), jnp.float32),
        jax.ShapeDtypeStruct((GD, NS, B), jnp.float32),
        jax.ShapeDtypeStruct((GD, NS, B), jnp.float32),
        jax.ShapeDtypeStruct((GD, NS, B), jnp.float32),
        jax.ShapeDtypeStruct((NS, B), jnp.float32),
        jax.ShapeDtypeStruct((NS, B), jnp.float32),
    )

    @functools.partial(
        pl.kernel,
        mesh=mesh,
        out_type=out_type,
        compiler_params=pltpu.CompilerParams(needs_layout_passes=False),
        scratch_types=[
            pltpu.VMEM((B,), jnp.int32),
            pltpu.VMEM((B,), jnp.int32),
            pltpu.VMEM((B,), jnp.int32),
            pltpu.VMEM((B,), jnp.int32),
            pltpu.VMEM((B,), jnp.int32),
            pltpu.VMEM((NCC * 16,), jnp.int32),
            pltpu.VMEM((NCC * 16,), jnp.int32),
            pltpu.VMEM((NCC * 16,), jnp.int32),
            pltpu.VMEM((NCC * 16,), jnp.int32),
            pltpu.VMEM((B + 16,), jnp.float32),
            pltpu.VMEM((USEG + 64,), jnp.float32),
            pltpu.VMEM((ISEG + 32,), jnp.float32),
            pltpu.VMEM((GD, UTAILN), jnp.float32),
            pltpu.VMEM((GD, ITAILN), jnp.float32),
            pltpu.VMEM((1, ITAILN), jnp.float32),
            pltpu.SemaphoreType.DMA,
        ],
    )
    def k(users_h, pos_h, neg_h, gut_h, git_h, tut_h, bit_h,
          gutail_h, gitail_h, btail_h,
          xu1_h, xu2_h, xi1_h, xi2_h, xb1_h, xb2_h,
          idx_v, locA, mskA, locB, mskB, clocA, cslotA, clocB, cslotB,
          vals, useg, iseg,
          utail_v, itail_v, btail_v, sem):
        c = lax.axis_index("c")
        t = lax.axis_index("s")

        ulo = t * USPAN
        ubase = (ulo // 128) * 128
        ubase = pl.multiple_of(ubase, 128)
        ilo = t * ISPAN
        ibase = (ilo // 128) * 128
        ibase = pl.multiple_of(ibase, 128)

        pltpu.sync_copy(gutail_h, utail_v)
        pltpu.sync_copy(gitail_h, itail_v)
        pltpu.sync_copy(btail_h, btail_v)

        def zbody(ch, carry):
            z = idx_v[pl.ds(ch * 16, 16)] * 0
            vals[pl.ds(ch * 16, 16)] = z.astype(jnp.float32)
            return carry
        lax.fori_loop(0, NCH, zbody, None)


        def prep(src_h, loc_ref, msk_ref, span, base, tail0, segoff, lim):
            lo = t * span
            hi = lo + span
            pltpu.sync_copy(src_h, idx_v)

            def pbody(ch, carry):
                v = idx_v[pl.ds(ch * 16, 16)]
                r = v - lo
                oob = lax.shift_right_logical(r | (span - 1 - r), 31)
                msk_ref[pl.ds(ch * 16, 16)] = 1 - oob
                tind = 1 - lax.shift_right_logical(v - tail0, 31)
                lbase = v - base
                lbase = jnp.minimum(jnp.maximum(lbase, 0), lim)
                ltail = jnp.minimum(jnp.maximum(segoff + (v - tail0), 0), lim)
                loc_ref[pl.ds(ch * 16, 16)] = (
                    lbase * (1 - tind) + ltail * tind)
                return carry
            lax.fori_loop(0, NCH, pbody, None)

        def compact(loc_ref, msk_ref, cloc, cslot):
            def fbody(ch, carry):
                z16 = lax.iota(jnp.int32, 16) * 0
                cloc[pl.ds(ch * 16, 16)] = z16
                cslot[pl.ds(ch * 16, 16)] = z16 + B
                return carry
            lax.fori_loop(0, NCC, fbody, None)

            def cbody(ch, cnt):
                s = ch * 16
                mv = msk_ref[pl.ds(s, 16)]
                incl = plsc.cumsum(mv)
                pos = jnp.minimum(cnt + incl - 1, NCC * 16 - 1)
                mb = mv != 0
                plsc.store_scatter(cloc, [pos], loc_ref[pl.ds(s, 16)], mask=mb)
                slot = lax.iota(jnp.int32, 16) + s
                plsc.store_scatter(cslot, [pos], slot, mask=mb)
                return cnt + incl[15]
            lax.fori_loop(0, NCH, cbody, 0)

        def scan_write(seg_ref, cloc, cslot, out_slice):
            def sbody(ch, carry):
                s = ch * 16
                lv = cloc[pl.ds(s, 16)]
                g = plsc.load_gather(seg_ref, [lv])
                sv = cslot[pl.ds(s, 16)]
                plsc.store_scatter(vals, [sv], g)
                return carry
            lax.fori_loop(0, NCC, sbody, None)
            pltpu.sync_copy(vals.at[pl.ds(0, B)], out_slice)

        def user_phase(tab_h, x_h):
            def dbody(d, carry):
                dg = c * dpc + d

                @pl.when(t < NS - 1)
                def _():
                    pltpu.sync_copy(tab_h.at[dg, pl.ds(ubase, USEG)],
                                    useg.at[pl.ds(0, USEG)])

                @pl.when(t == NS - 1)
                def _():
                    pltpu.sync_copy(tab_h.at[dg, pl.ds(UBASE15, USEG15)],
                                    useg.at[pl.ds(0, USEG15)])

                for kk in range(UTAILN // 16):
                    useg[pl.ds(USEG + kk * 16, 16)] = utail_v[dg, pl.ds(kk * 16, 16)]
                scan_write(useg, clocA, cslotA, x_h.at[dg, t])
                return carry
            lax.fori_loop(0, dpc, dbody, None)

        def item_stage(tab_row):
            @pl.when(t < NS - 1)
            def _():
                pltpu.sync_copy(tab_row.at[pl.ds(ibase, ISEG)],
                                iseg.at[pl.ds(0, ISEG)])

            @pl.when(t == NS - 1)
            def _():
                pltpu.sync_copy(tab_row.at[pl.ds(IBASE15, ISEG15)],
                                iseg.at[pl.ds(0, ISEG15)])

        prep(users_h, locA, mskA, USPAN, ubase, UTAIL0, USEG, USEG + 63)
        compact(locA, mskA, clocA, cslotA)
        user_phase(gut_h, xu1_h)
        user_phase(tut_h, xu2_h)

        prep(pos_h, locA, mskA, ISPAN, ibase, ITAIL0, ISEG, ISEG + 31)
        compact(locA, mskA, clocA, cslotA)
        prep(neg_h, locB, mskB, ISPAN, ibase, ITAIL0, ISEG, ISEG + 31)
        compact(locB, mskB, clocB, cslotB)

        def ibody(d, carry):
            dg = c * dpc + d
            item_stage(git_h.at[dg])
            for kk in range(ITAILN // 16):
                iseg[pl.ds(ISEG + kk * 16, 16)] = itail_v[dg, pl.ds(kk * 16, 16)]
            scan_write(iseg, clocA, cslotA, xi1_h.at[dg, t])
            scan_write(iseg, clocB, cslotB, xi2_h.at[dg, t])
            return carry
        lax.fori_loop(0, dpc, ibody, None)

        @pl.when(c == 0)
        def _():
            item_stage(bit_h.at[0])
            for kk in range(ITAILN // 16):
                iseg[pl.ds(ISEG + kk * 16, 16)] = btail_v[0, pl.ds(kk * 16, 16)]
            scan_write(iseg, clocA, cslotA, xb1_h.at[t])
            scan_write(iseg, clocB, cslotB, xb2_h.at[t])

    return k(users, pos, neg, gut, git, tut, bitv, gutail, gitail, btail)


def _tc_merge_body(xu1_ref, xu2_ref, xi1_ref, xi2_ref, xb1_ref, xb2_ref,
                   tu_ref, tp_ref, tn_ref, pos_ref, neg_ref, e_ref, bpr_ref,
                   b_ref, a_ref):
    tu = tu_ref[...]
    tp = tp_ref[...]
    tn = tn_ref[...]
    zc = jnp.zeros((GD, CHUNK), jnp.float32)
    zb = jnp.zeros((1, CHUNK), jnp.float32)
    ug = zc
    ut = zc
    gid = zc
    bpv = zb
    bnv = zb
    for t in range(NS):
        ft = jnp.float32(t)
        ug = ug + jnp.where(tu == ft, xu1_ref[:, t, :], 0.0)
        ut = ut + jnp.where(tu == ft, xu2_ref[:, t, :], 0.0)
        gid = gid + jnp.where(tp == ft, xi1_ref[:, t, :], 0.0)
        gid = gid - jnp.where(tn == ft, xi2_ref[:, t, :], 0.0)
        bpv = bpv + jnp.where(tp == ft, xb1_ref[pl.ds(t, 1), :], 0.0)
        bnv = bnv + jnp.where(tn == ft, xb2_ref[pl.ds(t, 1), :], 0.0)
    fd = pos_ref[...] - neg_ref[...]
    tid = jnp.dot(fd, e_ref[...], preferred_element_type=jnp.float32)
    s2 = jnp.sum(ut * jnp.transpose(tid), axis=0)
    s1 = jnp.sum(ug * gid, axis=0)
    b_ref[...] = s1 + s2
    a_ref[...] = (jnp.dot(fd, bpr_ref[...], preferred_element_type=jnp.float32)
                  + jnp.transpose(bpv) - jnp.transpose(bnv))


def _tc_merge(xu1, xu2, xi1, xi2, xb1, xb2, tu, tp, tn, pos_f, neg_f, e, bpr):
    grid = B // CHUNK
    x3 = pl.BlockSpec((GD, NS, CHUNK), lambda i: (0, 0, i))
    x2 = pl.BlockSpec((NS, CHUNK), lambda i: (0, i))
    tmap = pl.BlockSpec((1, CHUNK), lambda i: (0, i))
    feat = pl.BlockSpec((CHUNK, FD), lambda i: (i, 0))
    return pl.pallas_call(
        _tc_merge_body,
        grid=(grid,),
        in_specs=[x3, x3, x3, x3, x2, x2, tmap, tmap, tmap, feat, feat,
                  pl.BlockSpec((FD, GD), lambda i: (0, 0)),
                  pl.BlockSpec((FD, 1), lambda i: (0, 0))],
        out_specs=(pl.BlockSpec((CHUNK,), lambda i: (i,)),
                   pl.BlockSpec((CHUNK, 1), lambda i: (i, 0))),
        out_shape=(jax.ShapeDtypeStruct((B,), jnp.float32),
                   jax.ShapeDtypeStruct((B, 1), jnp.float32)),
    )(xu1, xu2, xi1, xi2, xb1, xb2, tu, tp, tn, pos_f, neg_f, e, bpr)


def _tc_bcast_body(a_ref, b_ref, out_ref):
    out_ref[...] = a_ref[...] + b_ref[...][None, :]


def _tc_bcast(a, b):
    grid = B // CHUNK
    return pl.pallas_call(
        _tc_bcast_body,
        grid=(grid,),
        in_specs=[pl.BlockSpec((CHUNK, 1), lambda i: (i, 0)),
                  pl.BlockSpec((B,), lambda i: (0,))],
        out_specs=pl.BlockSpec((CHUNK, B), lambda i: (i, 0)),
        out_shape=jax.ShapeDtypeStruct((B, B), jnp.float32),
    )(a, b)


def kernel(users, pos_items, neg_items, pos_items_features, neg_items_features,
           gamma_users, gamma_items, theta_users, E, beta_items, beta_prime):
    users = users.astype(jnp.int32)
    pos_items = pos_items.astype(jnp.int32)
    neg_items = neg_items.astype(jnp.int32)
    gut = gamma_users.T
    tut = theta_users.T
    git = gamma_items.T
    bitv = beta_items.T
    gutail = gut[:, UTAIL0:]
    gitail = git[:, ITAIL0:]
    btail = bitv[:, ITAIL0:]
    xu1, xu2, xi1, xi2, xb1, xb2 = _sc_gather(
        users, pos_items, neg_items, gut, git, tut, bitv,
        gutail, gitail, btail)
    tu = (users // USPAN).astype(jnp.float32).reshape(1, B)
    tp = (pos_items // ISPAN).astype(jnp.float32).reshape(1, B)
    tn = (neg_items // ISPAN).astype(jnp.float32).reshape(1, B)
    b, a = _tc_merge(xu1, xu2, xi1, xi2, xb1, xb2, tu, tp, tn,
                     pos_items_features, neg_items_features, E, beta_prime)
    return _tc_bcast(a, b)

# --- scband reference (transcript-rebuilt; emitter-appended) ---
"""Pipeline reference for scband-vbprnetwork-77154792505699 (READ-ONLY COPY).

The authoritative reference and input builder live on the scoring server;
editing this copy changes nothing except your own understanding.
"""

import jax, jax.numpy as jnp
import numpy as np

N_USERS = 1000000
N_ITEMS = 100000
FEATURES_DIM = 512
GAMMA_DIM = 64
THETA_DIM = 64
BATCH = 4096


def _xavier(key, shape):
    fan_in, fan_out = shape[0], shape[1]
    limit = float(np.sqrt(6.0 / (fan_in + fan_out)))
    return jax.random.uniform(key, shape, dtype=jnp.float32, minval=-limit, maxval=limit)


def setup_inputs(seed: int = 0) -> dict:
    key = jax.random.key(seed)
    ks = jax.random.split(key, 12)
    users = jax.random.randint(ks[0], (BATCH,), 0, N_USERS, dtype=jnp.int64 if jax.config.jax_enable_x64 else jnp.int32)
    pos_items = jax.random.randint(ks[1], (BATCH,), 0, N_ITEMS, dtype=jnp.int32)
    neg_items = jax.random.randint(ks[2], (BATCH,), 0, N_ITEMS, dtype=jnp.int32)
    pos_items_features = jax.random.normal(ks[3], (BATCH, FEATURES_DIM), dtype=jnp.float32)
    neg_items_features = jax.random.normal(ks[4], (BATCH, FEATURES_DIM), dtype=jnp.float32)
    gamma_users = _xavier(ks[5], (N_USERS, GAMMA_DIM))
    gamma_items = _xavier(ks[6], (N_ITEMS, GAMMA_DIM))
    theta_users = _xavier(ks[7], (N_USERS, THETA_DIM))
    E = _xavier(ks[8], (FEATURES_DIM, THETA_DIM))
    beta_items = jnp.zeros((N_ITEMS, 1), dtype=jnp.float32)
    beta_prime = _xavier(ks[9], (FEATURES_DIM, 1))
    return {
        "users": users,
        "pos_items": pos_items,
        "neg_items": neg_items,
        "pos_items_features": pos_items_features,
        "neg_items_features": neg_items_features,
        "gamma_users": gamma_users,
        "gamma_items": gamma_items,
        "theta_users": theta_users,
        "E": E,
        "beta_items": beta_items,
        "beta_prime": beta_prime,
    }


def reference(users, pos_items, neg_items, pos_items_features, neg_items_features,
              gamma_users, gamma_items, theta_users, E, beta_items, beta_prime):
    feature_diff = pos_items_features - neg_items_features
    beta_diff = jnp.take(beta_items, pos_items, axis=0) - jnp.take(beta_items, neg_items, axis=0)  # [B, 1]
    user_gamma = jnp.take(gamma_users, users, axis=0)
    user_theta = jnp.take(theta_users, users, axis=0)
    gamma_item_diff = jnp.take(gamma_items, pos_items, axis=0) - jnp.take(gamma_items, neg_items, axis=0)
    theta_item_diff = jnp.matmul(feature_diff, E)
    # NOTE: beta_diff is [B,1] and the sums are [B]; broadcasting yields [B,B],
    # exactly matching the torch module's behavior.
    x_uij = (beta_diff
             + jnp.sum(user_gamma * gamma_item_diff, axis=1)
             + jnp.sum(user_theta * theta_item_diff, axis=1)
             + jnp.matmul(feature_diff, beta_prime))
    return x_uij


if False:  # reference __main__ guard neutralized (emitter)
    out = reference(**setup_inputs())
    print(out.shape, out.dtype)

if __name__ == "__main__":
    import jax
    _d = setup_inputs()
    print(jax.jit(kernel)(*tuple(_d.values())))

</pallas_src>

<mosaic_0001>
#map = affine_map<(d0, d1) -> (0)>
#map1 = affine_map<(d0, d1) -> (0, 0)>
#map2 = affine_map<(d0, d1) -> (0, 0, 0)>
module attributes {stable_mosaic.version = 14 : i64} {
  func.func @k(%arg0: i32, %arg1: i32, %arg2: memref<4096xi32, #tpu.memory_space<hbm>>, %arg3: memref<4096xi32, #tpu.memory_space<hbm>>, %arg4: memref<4096xi32, #tpu.memory_space<hbm>>, %arg5: memref<64x1000000xf32, #tpu.memory_space<hbm>>, %arg6: memref<64x100000xf32, #tpu.memory_space<hbm>>, %arg7: memref<64x1000000xf32, #tpu.memory_space<hbm>>, %arg8: memref<1x100000xf32, #tpu.memory_space<hbm>>, %arg9: memref<64x64xf32, #tpu.memory_space<hbm>>, %arg10: memref<64x32xf32, #tpu.memory_space<hbm>>, %arg11: memref<1x32xf32, #tpu.memory_space<hbm>>, %arg12: memref<64x16x4096xf32, #tpu.memory_space<hbm>>, %arg13: memref<64x16x4096xf32, #tpu.memory_space<hbm>>, %arg14: memref<64x16x4096xf32, #tpu.memory_space<hbm>>, %arg15: memref<64x16x4096xf32, #tpu.memory_space<hbm>>, %arg16: memref<16x4096xf32, #tpu.memory_space<hbm>>, %arg17: memref<16x4096xf32, #tpu.memory_space<hbm>>, %arg18: memref<4096xi32, #tpu.memory_space<vmem>>, %arg19: memref<4096xi32, #tpu.memory_space<vmem>>, %arg20: memref<4096xi32, #tpu.memory_space<vmem>>, %arg21: memref<4096xi32, #tpu.memory_space<vmem>>, %arg22: memref<4096xi32, #tpu.memory_space<vmem>>, %arg23: memref<384xi32, #tpu.memory_space<vmem>>, %arg24: memref<384xi32, #tpu.memory_space<vmem>>, %arg25: memref<384xi32, #tpu.memory_space<vmem>>, %arg26: memref<384xi32, #tpu.memory_space<vmem>>, %arg27: memref<4112xf32, #tpu.memory_space<vmem>>, %arg28: memref<62784xf32, #tpu.memory_space<vmem>>, %arg29: memref<6432xf32, #tpu.memory_space<vmem>>, %arg30: memref<64x64xf32, #tpu.memory_space<vmem>>, %arg31: memref<64x32xf32, #tpu.memory_space<vmem>>, %arg32: memref<1x32xf32, #tpu.memory_space<vmem>>, %arg33: memref<!tpu.dma_semaphore, #tpu.memory_space<semaphore_mem>>) attributes {dimension_semantics = [#tpu.dimension_semantics<core_parallel>, #tpu.dimension_semantics<subcore_parallel>], iteration_bounds = array<i64: 2, 16>, scalar_prefetch = 0 : i64, scratch_operands = 16 : i64, tpu.core_type = #tpu.core_type<sc_vector_subcore>, window_params = [{transform_indices = #map}, {transform_indices = #map}, {transform_indices = #map}, {transform_indices = #map1}, {transform_indices = #map1}, {transform_indices = #map1}, {transform_indices = #map1}, {transform_indices = #map1}, {transform_indices = #map1}, {transform_indices = #map1}, {transform_indices = #map2}, {transform_indices = #map2}, {transform_indices = #map2}, {transform_indices = #map2}, {transform_indices = #map1}, {transform_indices = #map1}]} {
    %mul3A = arith.constant 62500 : i32
    %mul3A_0 = arith.muli %arg1, %mul3A : i32
    %jit3A = arith.constant 128 : i32
    %div3A = arith.divsi %mul3A_0, %jit3A : i32
    %sign3A = arith.constant 0 : i32
    %sign3A_1 = arith.cmpi sgt, %mul3A_0, %sign3A : i32
    %sign3A_2 = arith.extui %sign3A_1 : i1 to i32
    %sign3A_3 = arith.constant 0 : i32
    %sign3A_4 = arith.cmpi slt, %mul3A_0, %sign3A_3 : i32
    %sign3A_5 = arith.extui %sign3A_4 : i1 to i32
    %sign3A_6 = arith.subi %sign3A_2, %sign3A_5 : i32
    %sign3A_7 = arith.constant 0 : i32
    %sign3A_8 = arith.cmpi sgt, %jit3A, %sign3A_7 : i32
    %sign3A_9 = arith.extui %sign3A_8 : i1 to i32
    %sign3A_10 = arith.constant 0 : i32
    %sign3A_11 = arith.cmpi slt, %jit3A, %sign3A_10 : i32
    %sign3A_12 = arith.extui %sign3A_11 : i1 to i32
    %sign3A_13 = arith.subi %sign3A_9, %sign3A_12 : i32
    %ne3A = arith.cmpi ne, %sign3A_6, %sign3A_13 : i32
    %rem3A = arith.remsi %mul3A_0, %jit3A : i32
    %ne3A_14 = arith.constant 0 : i32
    %ne3A_15 = arith.cmpi ne, %rem3A, %ne3A_14 : i32
    %and3A = arith.andi %ne3A, %ne3A_15 : i1
    %sub3A = arith.constant 1 : i32
    %sub3A_16 = arith.subi %div3A, %sub3A : i32
    %select_n3A = arith.select %and3A, %sub3A_16, %div3A : i32
    %mul3A_17 = arith.constant 128 : i32
    %mul3A_18 = arith.muli %select_n3A, %mul3A_17 : i32
    %multiple_of3A = tpu.assume_multiple %mul3A_18, 128 : i32
    %mul3A_19 = arith.constant 6250 : i32
    %mul3A_20 = arith.muli %arg1, %mul3A_19 : i32
    %jit3A_21 = arith.constant 128 : i32
    %div3A_22 = arith.divsi %mul3A_20, %jit3A_21 : i32
    %sign3A_23 = arith.constant 0 : i32
    %sign3A_24 = arith.cmpi sgt, %mul3A_20, %sign3A_23 : i32
    %sign3A_25 = arith.extui %sign3A_24 : i1 to i32
    %sign3A_26 = arith.constant 0 : i32
    %sign3A_27 = arith.cmpi slt, %mul3A_20, %sign3A_26 : i32
    %sign3A_28 = arith.extui %sign3A_27 : i1 to i32
    %sign3A_29 = arith.subi %sign3A_25, %sign3A_28 : i32
    %sign3A_30 = arith.constant 0 : i32
    %sign3A_31 = arith.cmpi sgt, %jit3A_21, %sign3A_30 : i32
    %sign3A_32 = arith.extui %sign3A_31 : i1 to i32
    %sign3A_33 = arith.constant 0 : i32
    %sign3A_34 = arith.cmpi slt, %jit3A_21, %sign3A_33 : i32
    %sign3A_35 = arith.extui %sign3A_34 : i1 to i32
    %sign3A_36 = arith.subi %sign3A_32, %sign3A_35 : i32
    %ne3A_37 = arith.cmpi ne, %sign3A_29, %sign3A_36 : i32
    %rem3A_38 = arith.remsi %mul3A_20, %jit3A_21 : i32
    %ne3A_39 = arith.constant 0 : i32
    %ne3A_40 = arith.cmpi ne, %rem3A_38, %ne3A_39 : i32
    %and3A_41 = arith.andi %ne3A_37, %ne3A_40 : i1
    %sub3A_42 = arith.constant 1 : i32
    %sub3A_43 = arith.subi %div3A_22, %sub3A_42 : i32
    %select_n3A_44 = arith.select %and3A_41, %sub3A_43, %div3A_22 : i32
    %mul3A_45 = arith.constant 128 : i32
    %mul3A_46 = arith.muli %select_n3A_44, %mul3A_45 : i32
    %multiple_of3A_47 = tpu.assume_multiple %mul3A_46, 128 : i32
    "tpu.region"() ({
      %run_scoped3A = tpu.sem_alloc : memref<!tpu.dma_semaphore, #tpu.memory_space<semaphore_mem>>
      tpu.enqueue_dma source(%arg9 : memref<64x64xf32, #tpu.memory_space<hbm>>) target(%arg30 : memref<64x64xf32, #tpu.memory_space<vmem>>) target_semaphore(%run_scoped3A : memref<!tpu.dma_semaphore, #tpu.memory_space<semaphore_mem>>)
      tpu.wait_dma2 semaphore(%run_scoped3A : memref<!tpu.dma_semaphore, #tpu.memory_space<semaphore_mem>>) src(%arg9 : memref<64x64xf32, #tpu.memory_space<hbm>>) dst(%arg30 : memref<64x64xf32, #tpu.memory_space<vmem>>)
      tpu.yield
    }) : () -> ()
    "tpu.region"() ({
      %run_scoped3A = tpu.sem_alloc : memref<!tpu.dma_semaphore, #tpu.memory_space<semaphore_mem>>
      tpu.enqueue_dma source(%arg10 : memref<64x32xf32, #tpu.memory_space<hbm>>) target(%arg31 : memref<64x32xf32, #tpu.memory_space<vmem>>) target_semaphore(%run_scoped3A : memref<!tpu.dma_semaphore, #tpu.memory_space<semaphore_mem>>)
      tpu.wait_dma2 semaphore(%run_scoped3A : memref<!tpu.dma_semaphore, #tpu.memory_space<semaphore_mem>>) src(%arg10 : memref<64x32xf32, #tpu.memory_space<hbm>>) dst(%arg31 : memref<64x32xf32, #tpu.memory_space<vmem>>)
      tpu.yield
    }) : () -> ()
    "tpu.region"() ({
      %run_scoped3A = tpu.sem_alloc : memref<!tpu.dma_semaphore, #tpu.memory_space<semaphore_mem>>
      tpu.enqueue_dma source(%arg11 : memref<1x32xf32, #tpu.memory_space<hbm>>) target(%arg32 : memref<1x32xf32, #tpu.memory_space<vmem>>) target_semaphore(%run_scoped3A : memref<!tpu.dma_semaphore, #tpu.memory_space<semaphore_mem>>)
      tpu.wait_dma2 semaphore(%run_scoped3A : memref<!tpu.dma_semaphore, #tpu.memory_space<semaphore_mem>>) src(%arg11 : memref<1x32xf32, #tpu.memory_space<hbm>>) dst(%arg32 : memref<1x32xf32, #tpu.memory_space<vmem>>)
      tpu.yield
    }) : () -> ()
    %scan3A = arith.constant 0 : i32
    %scan3A_48 = arith.constant 256 : i32
    %scan3A_49 = arith.addi %scan3A, %scan3A_48 : i32
    %scan3A_50 = arith.constant 1 : i32
    scf.for %scan3A_131 = %scan3A to %scan3A_49 step %scan3A_50  : i32 {
      %mul3A_132 = arith.constant 16 : i32
      %mul3A_133 = arith.muli %scan3A_131, %mul3A_132 : i32
      %get3A = arith.index_cast %mul3A_133 : i32 to index
      %get3A_134 = tpu.vector_load %arg18[%get3A] {strides = array<i32>} : memref<4096xi32, #tpu.memory_space<vmem>>, vector<16xi32>,
      %mul3A_135 = arith.constant 0 : i32
      %mul3A_136 = vector.broadcast %mul3A_135 : i32 to vector<16xi32>
      %mul3A_137 = arith.muli %get3A_134, %mul3A_136 : vector<16xi32>
      %convert_element_type3A_138 = arith.sitofp %mul3A_137 : vector<16xi32> to vector<16xf32>
      %mul3A_139 = arith.constant 16 : i32
      %mul3A_140 = arith.muli %scan3A_131, %mul3A_139 : i32
      %swap3A = arith.index_cast %mul3A_140 : i32 to index
      %swap3A_141 = tpu.vector_load %arg27[%swap3A] {strides = array<i32>} : memref<4112xf32, #tpu.memory_space<vmem>>, vector<16xf32>,
      tpu.vector_store %arg27[%swap3A], %convert_element_type3A_138 {strides = array<i32>} : memref<4112xf32, #tpu.memory_space<vmem>>, vector<16xf32>,
    }
    %scan3A_51 = arith.constant 256 : i32
    %mul3A_52 = arith.constant 62500 : i32
    %mul3A_53 = arith.muli %arg1, %mul3A_52 : i32
    %add3A = arith.constant 62500 : i32
    %add3A_54 = arith.addi %mul3A_53, %add3A : i32
    "tpu.region"() ({
      %run_scoped3A = tpu.sem_alloc : memref<!tpu.dma_semaphore, #tpu.memory_space<semaphore_mem>>
      tpu.enqueue_dma source(%arg2 : memref<4096xi32, #tpu.memory_space<hbm>>) target(%arg18 : memref<4096xi32, #tpu.memory_space<vmem>>) target_semaphore(%run_scoped3A : memref<!tpu.dma_semaphore, #tpu.memory_space<semaphore_mem>>)
      tpu.wait_dma2 semaphore(%run_scoped3A : memref<!tpu.dma_semaphore, #tpu.memory_space<semaphore_mem>>) src(%arg2 : memref<4096xi32, #tpu.memory_space<hbm>>) dst(%arg18 : memref<4096xi32, #tpu.memory_space<vmem>>)
      tpu.yield
    }) : () -> ()
    %scan3A_55 = arith.constant 0 : i32
    %scan3A_56 = arith.constant 256 : i32
    %scan3A_57 = arith.addi %scan3A_55, %scan3A_56 : i32
    %scan3A_58 = arith.constant 1 : i32
    scf.for %scan3A_131 = %scan3A_55 to %scan3A_57 step %scan3A_58  : i32 {
      %mul3A_132 = arith.constant 16 : i32
      %mul3A_133 = arith.muli %scan3A_131, %mul3A_132 : i32
      %get3A = arith.index_cast %mul3A_133 : i32 to index
      %get3A_134 = tpu.vector_load %arg18[%get3A] {strides = array<i32>} : memref<4096xi32, #tpu.memory_space<vmem>>, vector<16xi32>,
      %sub3A_135 = vector.broadcast %mul3A_53 : i32 to vector<16xi32>
      %sub3A_136 = arith.subi %get3A_134, %sub3A_135 : vector<16xi32>
      %sub3A_137 = arith.constant 62499 : i32
      %sub3A_138 = vector.broadcast %sub3A_137 : i32 to vector<16xi32>
      %sub3A_139 = arith.subi %sub3A_138, %sub3A_136 : vector<16xi32>
      %or3A = arith.ori %sub3A_136, %sub3A_139 : vector<16xi32>
      %shift_right_logical3A = arith.constant 31 : i32
      %shift_right_logical3A_140 = vector.broadcast %shift_right_logical3A : i32 to vector<16xi32>
      %shift_right_logical3A_141 = arith.shrui %or3A, %shift_right_logical3A_140 : vector<16xi32>
      %sub3A_142 = arith.constant 1 : i32
      %sub3A_143 = vector.broadcast %sub3A_142 : i32 to vector<16xi32>
      %sub3A_144 = arith.subi %sub3A_143, %shift_right_logical3A_141 : vector<16xi32>
      %mul3A_145 = arith.constant 16 : i32
      %mul3A_146 = arith.muli %scan3A_131, %mul3A_145 : i32
      %swap3A = arith.index_cast %mul3A_146 : i32 to index
      %swap3A_147 = tpu.vector_load %arg20[%swap3A] {strides = array<i32>} : memref<4096xi32, #tpu.memory_space<vmem>>, vector<16xi32>,
      tpu.vector_store %arg20[%swap3A], %sub3A_144 {strides = array<i32>} : memref<4096xi32, #tpu.memory_space<vmem>>, vector<16xi32>,
      %sub3A_148 = arith.constant 999936 : i32
      %sub3A_149 = vector.broadcast %sub3A_148 : i32 to vector<16xi32>
      %sub3A_150 = arith.subi %get3A_134, %sub3A_149 : vector<16xi32>
      %shift_right_logical3A_151 = arith.constant 31 : i32
      %shift_right_logical3A_152 = vector.broadcast %shift_right_logical3A_151 : i32 to vector<16xi32>
      %shift_right_logical3A_153 = arith.shrui %sub3A_150, %shift_right_logical3A_152 : vector<16xi32>
      %sub3A_154 = arith.constant 1 : i32
      %sub3A_155 = vector.broadcast %sub3A_154 : i32 to vector<16xi32>
      %sub3A_156 = arith.subi %sub3A_155, %shift_right_logical3A_153 : vector<16xi32>
      %sub3A_157 = vector.broadcast %multiple_of3A : i32 to vector<16xi32>
      %sub3A_158 = arith.subi %get3A_134, %sub3A_157 : vector<16xi32>
      %max3A = arith.constant 0 : i32
      %max3A_159 = vector.broadcast %max3A : i32 to vector<16xi32>
      %max3A_160 = arith.maxsi %sub3A_158, %max3A_159 : vector<16xi32>
      %min3A = arith.constant 62783 : i32
      %min3A_161 = vector.broadcast %min3A : i32 to vector<16xi32>
      %min3A_162 = arith.minsi %max3A_160, %min3A_161 : vector<16xi32>
      %sub3A_163 = arith.constant 999936 : i32
      %sub3A_164 = vector.broadcast %sub3A_163 : i32 to vector<16xi32>
      %sub3A_165 = arith.subi %get3A_134, %sub3A_164 : vector<16xi32>
      %add3A_166 = arith.constant 62720 : i32
      %add3A_167 = vector.broadcast %add3A_166 : i32 to vector<16xi32>
      %add3A_168 = arith.addi %add3A_167, %sub3A_165 : vector<16xi32>
      %max3A_169 = arith.constant 0 : i32
      %max3A_170 = vector.broadcast %max3A_169 : i32 to vector<16xi32>
      %max3A_171 = arith.maxsi %add3A_168, %max3A_170 : vector<16xi32>
      %min3A_172 = arith.constant 62783 : i32
      %min3A_173 = vector.broadcast %min3A_172 : i32 to vector<16xi32>
      %min3A_174 = arith.minsi %max3A_171, %min3A_173 : vector<16xi32>
      %sub3A_175 = arith.constant 1 : i32
      %sub3A_176 = vector.broadcast %sub3A_175 : i32 to vector<16xi32>
      %sub3A_177 = arith.subi %sub3A_176, %sub3A_156 : vector<16xi32>
      %mul3A_178 = arith.muli %min3A_162, %sub3A_177 : vector<16xi32>
      %mul3A_179 = arith.muli %min3A_174, %sub3A_156 : vector<16xi32>
      %add3A_180 = arith.addi %mul3A_178, %mul3A_179 : vector<16xi32>
      %mul3A_181 = arith.constant 16 : i32
      %mul3A_182 = arith.muli %scan3A_131, %mul3A_181 : i32
      %swap3A_183 = arith.index_cast %mul3A_182 : i32 to index
      %swap3A_184 = tpu.vector_load %arg19[%swap3A_183] {strides = array<i32>} : memref<4096xi32, #tpu.memory_space<vmem>>, vector<16xi32>,
      tpu.vector_store %arg19[%swap3A_183], %add3A_180 {strides = array<i32>} : memref<4096xi32, #tpu.memory_space<vmem>>, vector<16xi32>,
    }
    %scan3A_59 = arith.constant 256 : i32
    %scan3A_60 = arith.constant 0 : i32
    %scan3A_61 = arith.constant 24 : i32
    %scan3A_62 = arith.addi %scan3A_60, %scan3A_61 : i32
    %scan3A_63 = arith.constant 1 : i32
    scf.for %scan3A_131 = %scan3A_60 to %scan3A_62 step %scan3A_63  : i32 {
      %iota3A = tpu.iota {dimensions = array<i32: 0>} : vector<16xi32>
      %mul3A_132 = arith.constant 0 : i32
      %mul3A_133 = vector.broadcast %mul3A_132 : i32 to vector<16xi32>
      %mul3A_134 = arith.muli %iota3A, %mul3A_133 : vector<16xi32>
      %mul3A_135 = arith.constant 16 : i32
      %mul3A_136 = arith.muli %scan3A_131, %mul3A_135 : i32
      %swap3A = arith.index_cast %mul3A_136 : i32 to index
      %swap3A_137 = tpu.vector_load %arg23[%swap3A] {strides = array<i32>} : memref<384xi32, #tpu.memory_space<vmem>>, vector<16xi32>,
      tpu.vector_store %arg23[%swap3A], %mul3A_134 {strides = array<i32>} : memref<384xi32, #tpu.memory_space<vmem>>, vector<16xi32>,
      %add3A_138 = arith.constant 4096 : i32
      %add3A_139 = vector.broadcast %add3A_138 : i32 to vector<16xi32>
      %add3A_140 = arith.addi %mul3A_134, %add3A_139 : vector<16xi32>
      %mul3A_141 = arith.constant 16 : i32
      %mul3A_142 = arith.muli %scan3A_131, %mul3A_141 : i32
      %swap3A_143 = arith.index_cast %mul3A_142 : i32 to index
      %swap3A_144 = tpu.vector_load %arg24[%swap3A_143] {strides = array<i32>} : memref<384xi32, #tpu.memory_space<vmem>>, vector<16xi32>,
      tpu.vector_store %arg24[%swap3A_143], %add3A_140 {strides = array<i32>} : memref<384xi32, #tpu.memory_space<vmem>>, vector<16xi32>,
    }
    %scan3A_64 = arith.constant 24 : i32
    %scan3A_65 = arith.constant 0 : i32
    %scan3A_66 = arith.constant 0 : i32
    %scan3A_67 = arith.constant 256 : i32
    %scan3A_68 = arith.addi %scan3A_66, %scan3A_67 : i32
    %scan3A_69 = arith.constant 1 : i32
    %scan3A_70 = scf.for %scan3A_131 = %scan3A_66 to %scan3A_68 step %scan3A_69 iter_args(%scan3A_132 = %scan3A_65) -> (i32)  : i32 {
      %mul3A_133 = arith.constant 16 : i32
      %mul3A_134 = arith.muli %scan3A_131, %mul3A_133 : i32
      %get3A = arith.index_cast %mul3A_134 : i32 to index
      %get3A_135 = tpu.vector_load %arg20[%get3A] {strides = array<i32>} : memref<4096xi32, #tpu.memory_space<vmem>>, vector<16xi32>,
      %broadcast_in_dim3A = arith.constant true
      %broadcast_in_dim3A_136 = vector.broadcast %broadcast_in_dim3A : i1 to vector<16xi1>
      %masked_cumsum3A = tpu.scan <sum>, %get3A_135 masked %broadcast_in_dim3A_136 : vector<16xi32>, vector<16xi1> -> vector<16xi32>
      %add3A_137 = vector.broadcast %scan3A_132 : i32 to vector<16xi32>
      %add3A_138 = arith.addi %add3A_137, %masked_cumsum3A : vector<16xi32>
      %sub3A_139 = arith.constant 1 : i32
      %sub3A_140 = vector.broadcast %sub3A_139 : i32 to vector<16xi32>
      %sub3A_141 = arith.subi %add3A_138, %sub3A_140 : vector<16xi32>
      %min3A = arith.constant 383 : i32
      %min3A_142 = vector.broadcast %min3A : i32 to vector<16xi32>
      %min3A_143 = arith.minsi %sub3A_141, %min3A_142 : vector<16xi32>
      %ne3A_144 = arith.constant 0 : i32
      %ne3A_145 = vector.broadcast %ne3A_144 : i32 to vector<16xi32>
      %ne3A_146 = arith.cmpi ne, %get3A_135, %ne3A_145 : vector<16xi32>
      %get3A_147 = arith.index_cast %mul3A_134 : i32 to index
      %get3A_148 = tpu.vector_load %arg19[%get3A_147] {strides = array<i32>} : memref<4096xi32, #tpu.memory_space<vmem>>, vector<16xi32>,
      tpu.vector_store_idx %arg23[%min3A_143], %get3A_148 masked %ne3A_146 : memref<384xi32, #tpu.memory_space<vmem>>[vector<16xi32>], vector<16xi32>, vector<16xi1>
      %iota3A = tpu.iota {dimensions = array<i32: 0>} : vector<16xi32>
      %add3A_149 = vector.broadcast %mul3A_134 : i32 to vector<16xi32>
      %add3A_150 = arith.addi %iota3A, %add3A_149 : vector<16xi32>
      tpu.vector_store_idx %arg24[%min3A_143], %add3A_150 masked %ne3A_146 : memref<384xi32, #tpu.memory_space<vmem>>[vector<16xi32>], vector<16xi32>, vector<16xi1>
      %slice3A = vector.extract_strided_slice %masked_cumsum3A {offsets = [15], sizes = [1], strides = [1]} : vector<16xi32> to vector<1xi32>
      %squeeze3A = vector.extract %slice3A[0] : i32 from vector<1xi32>
      %add3A_151 = arith.addi %scan3A_132, %squeeze3A : i32
      scf.yield %add3A_151 : i32
    }
    %scan3A_71 = arith.constant 256 : i32
    %scan3A_72 = arith.constant 0 : i32
    %scan3A_73 = arith.constant 32 : i32
    %scan3A_74 = arith.addi %scan3A_72, %scan3A_73 : i32
    %scan3A_75 = arith.constant 1 : i32
    scf.for %scan3A_131 = %scan3A_72 to %scan3A_74 step %scan3A_75  : i32 {
      %mul3A_132 = arith.constant 32 : i32
      %mul3A_133 = arith.muli %arg0, %mul3A_132 : i32
      %add3A_134 = arith.addi %mul3A_133, %scan3A_131 : i32
      %lt3A = arith.constant 15 : i32
      %lt3A_135 = arith.cmpi slt, %arg1, %lt3A : i32
      %convert_element_type3A_136 = arith.extui %lt3A_135 : i1 to i32
      %cond3A_137 = arith.constant 0 : i32
      %cond3A_138 = arith.cmpi ne, %convert_element_type3A_136, %cond3A_137 : i32
      scf.if %cond3A_138 {
        "tpu.region"() ({
          %run_scoped3A = tpu.sem_alloc : memref<!tpu.dma_semaphore, #tpu.memory_space<semaphore_mem>>
          %dma_start3A = arith.constant 0 : i32
          %dma_start3A_167 = tpu.memref_slice %arg28[%dma_start3A] : memref<62784xf32, #tpu.memory_space<vmem>> -> memref<62720xf32, #tpu.memory_space<vmem>>
          %dma_start3A_168 = tpu.memref_slice %arg5[%add3A_134, %multiple_of3A] : memref<64x1000000xf32, #tpu.memory_space<hbm>> -> memref<1x62720xf32, #tpu.memory_space<hbm>>
          %dma_start3A_169 = tpu.memref_squeeze %dma_start3A_168 : memref<1x62720xf32, #tpu.memory_space<hbm>> -> memref<62720xf32, #tpu.memory_space<hbm>>
          %dma_start3A_170 = arith.constant 0 : i32
          %dma_start3A_171 = tpu.memref_slice %arg28[%dma_start3A_170] : memref<62784xf32, #tpu.memory_space<vmem>> -> memref<62720xf32, #tpu.memory_space<vmem>>
          %dma_start3A_172 = tpu.memref_slice %arg5[%add3A_134, %multiple_of3A] : memref<64x1000000xf32, #tpu.memory_space<hbm>> -> memref<1x62720xf32, #tpu.memory_space<hbm>>
          %dma_start3A_173 = tpu.memref_squeeze %dma_start3A_172 : memref<1x62720xf32, #tpu.memory_space<hbm>> -> memref<62720xf32, #tpu.memory_space<hbm>>
          tpu.enqueue_dma source(%dma_start3A_173 : memref<62720xf32, #tpu.memory_space<hbm>>) target(%dma_start3A_171 : memref<62720xf32, #tpu.memory_space<vmem>>) target_semaphore(%run_scoped3A : memref<!tpu.dma_semaphore, #tpu.memory_space<semaphore_mem>>)
          %dma_wait3A = arith.constant 0 : i32
          %dma_wait3A_174 = tpu.memref_slice %arg28[%dma_wait3A] : memref<62784xf32, #tpu.memory_space<vmem>> -> memref<62720xf32, #tpu.memory_space<vmem>>
          %dma_wait3A_175 = tpu.memref_slice %arg5[%add3A_134, %multiple_of3A] : memref<64x1000000xf32, #tpu.memory_space<hbm>> -> memref<1x62720xf32, #tpu.memory_space<hbm>>
          %dma_wait3A_176 = tpu.memref_squeeze %dma_wait3A_175 : memref<1x62720xf32, #tpu.memory_space<hbm>> -> memref<62720xf32, #tpu.memory_space<hbm>>
          %dma_wait3A_177 = arith.constant 0 : i32
          %dma_wait3A_178 = tpu.memref_slice %arg28[%dma_wait3A_177] : memref<62784xf32, #tpu.memory_space<vmem>> -> memref<62720xf32, #tpu.memory_space<vmem>>
          %dma_wait3A_179 = tpu.memref_slice %arg5[%add3A_134, %multiple_of3A] : memref<64x1000000xf32, #tpu.memory_space<hbm>> -> memref<1x62720xf32, #tpu.memory_space<hbm>>
          %dma_wait3A_180 = tpu.memref_squeeze %dma_wait3A_179 : memref<1x62720xf32, #tpu.memory_space<hbm>> -> memref<62720xf32, #tpu.memory_space<hbm>>
          tpu.wait_dma2 semaphore(%run_scoped3A : memref<!tpu.dma_semaphore, #tpu.memory_space<semaphore_mem>>) src(%dma_wait3A_180 : memref<62720xf32, #tpu.memory_space<hbm>>) dst(%dma_wait3A_178 : memref<62720xf32, #tpu.memory_space<vmem>>)
          tpu.yield
        }) : () -> ()
      } else {
      }
      %eq3A_139 = arith.constant 15 : i32
      %eq3A_140 = arith.cmpi eq, %arg1, %eq3A_139 : i32
      %convert_element_type3A_141 = arith.extui %eq3A_140 : i1 to i32
      %cond3A_142 = arith.constant 0 : i32
      %cond3A_143 = arith.cmpi ne, %convert_element_type3A_141, %cond3A_142 : i32
      scf.if %cond3A_143 {
        "tpu.region"() ({
          %run_scoped3A = tpu.sem_alloc : memref<!tpu.dma_semaphore, #tpu.memory_space<semaphore_mem>>
          %dma_start3A = arith.constant 0 : i32
          %dma_start3A_167 = tpu.memref_slice %arg28[%dma_start3A] : memref<62784xf32, #tpu.memory_space<vmem>> -> memref<62464xf32, #tpu.memory_space<vmem>>
          %dma_start3A_168 = arith.constant 937472 : i32
          %dma_start3A_169 = tpu.memref_slice %arg5[%add3A_134, %dma_start3A_168] : memref<64x1000000xf32, #tpu.memory_space<hbm>> -> memref<1x62464xf32, #tpu.memory_space<hbm>>
          %dma_start3A_170 = tpu.memref_squeeze %dma_start3A_169 : memref<1x62464xf32, #tpu.memory_space<hbm>> -> memref<62464xf32, #tpu.memory_space<hbm>>
          %dma_start3A_171 = arith.constant 0 : i32
          %dma_start3A_172 = tpu.memref_slice %arg28[%dma_start3A_171] : memref<62784xf32, #tpu.memory_space<vmem>> -> memref<62464xf32, #tpu.memory_space<vmem>>
          %dma_start3A_173 = arith.constant 937472 : i32
          %dma_start3A_174 = tpu.memref_slice %arg5[%add3A_134, %dma_start3A_173] : memref<64x1000000xf32, #tpu.memory_space<hbm>> -> memref<1x62464xf32, #tpu.memory_space<hbm>>
          %dma_start3A_175 = tpu.memref_squeeze %dma_start3A_174 : memref<1x62464xf32, #tpu.memory_space<hbm>> -> memref<62464xf32, #tpu.memory_space<hbm>>
          tpu.enqueue_dma source(%dma_start3A_175 : memref<62464xf32, #tpu.memory_space<hbm>>) target(%dma_start3A_172 : memref<62464xf32, #tpu.memory_space<vmem>>) target_semaphore(%run_scoped3A : memref<!tpu.dma_semaphore, #tpu.memory_space<semaphore_mem>>)
          %dma_wait3A = arith.constant 0 : i32
          %dma_wait3A_176 = tpu.memref_slice %arg28[%dma_wait3A] : memref<62784xf32, #tpu.memory_space<vmem>> -> memref<62464xf32, #tpu.memory_space<vmem>>
          %dma_wait3A_177 = arith.constant 937472 : i32
          %dma_wait3A_178 = tpu.memref_slice %arg5[%add3A_134, %dma_wait3A_177] : memref<64x1000000xf32, #tpu.memory_space<hbm>> -> memref<1x62464xf32, #tpu.memory_space<hbm>>
          %dma_wait3A_179 = tpu.memref_squeeze %dma_wait3A_178 : memref<1x62464xf32, #tpu.memory_space<hbm>> -> memref<62464xf32, #tpu.memory_space<hbm>>
          %dma_wait3A_180 = arith.constant 0 : i32
          %dma_wait3A_181 = tpu.memref_slice %arg28[%dma_wait3A_180] : memref<62784xf32, #tpu.memory_space<vmem>> -> memref<62464xf32, #tpu.memory_space<vmem>>
          %dma_wait3A_182 = arith.constant 937472 : i32
          %dma_wait3A_183 = tpu.memref_slice %arg5[%add3A_134, %dma_wait3A_182] : memref<64x1000000xf32, #tpu.memory_space<hbm>> -> memref<1x62464xf32, #tpu.memory_space<hbm>>
          %dma_wait3A_184 = tpu.memref_squeeze %dma_wait3A_183 : memref<1x62464xf32, #tpu.memory_space<hbm>> -> memref<62464xf32, #tpu.memory_space<hbm>>
          tpu.wait_dma2 semaphore(%run_scoped3A : memref<!tpu.dma_semaphore, #tpu.memory_space<semaphore_mem>>) src(%dma_wait3A_184 : memref<62464xf32, #tpu.memory_space<hbm>>) dst(%dma_wait3A_181 : memref<62464xf32, #tpu.memory_space<vmem>>)
          tpu.yield
        }) : () -> ()
      } else {
      }
      %get3A = arith.index_cast %add3A_134 : i32 to index
      %get3A_144 = arith.constant 0 : index
      %get3A_145 = tpu.vector_load %arg30[%get3A, %get3A_144] {strides = array<i32>} : memref<64x64xf32, #tpu.memory_space<vmem>>, vector<16xf32>,
      %swap3A = arith.constant 62720 : index
      %swap3A_146 = tpu.vector_load %arg28[%swap3A] {strides = array<i32>} : memref<62784xf32, #tpu.memory_space<vmem>>, vector<16xf32>,
      tpu.vector_store %arg28[%swap3A], %get3A_145 {strides = array<i32>} : memref<62784xf32, #tpu.memory_space<vmem>>, vector<16xf32>,
      %get3A_147 = arith.index_cast %add3A_134 : i32 to index
      %get3A_148 = arith.constant 16 : index
      %get3A_149 = tpu.vector_load %arg30[%get3A_147, %get3A_148] {strides = array<i32>} : memref<64x64xf32, #tpu.memory_space<vmem>>, vector<16xf32>,
      %swap3A_150 = arith.constant 62736 : index
      %swap3A_151 = tpu.vector_load %arg28[%swap3A_150] {strides = array<i32>} : memref<62784xf32, #tpu.memory_space<vmem>>, vector<16xf32>,
      tpu.vector_store %arg28[%swap3A_150], %get3A_149 {strides = array<i32>} : memref<62784xf32, #tpu.memory_space<vmem>>, vector<16xf32>,
      %get3A_152 = arith.index_cast %add3A_134 : i32 to index
      %get3A_153 = arith.constant 32 : index
      %get3A_154 = tpu.vector_load %arg30[%get3A_152, %get3A_153] {strides = array<i32>} : memref<64x64xf32, #tpu.memory_space<vmem>>, vector<16xf32>,
      %swap3A_155 = arith.constant 62752 : index
      %swap3A_156 = tpu.vector_load %arg28[%swap3A_155] {strides = array<i32>} : memref<62784xf32, #tpu.memory_space<vmem>>, vector<16xf32>,
      tpu.vector_store %arg28[%swap3A_155], %get3A_154 {strides = array<i32>} : memref<62784xf32, #tpu.memory_space<vmem>>, vector<16xf32>,
      %get3A_157 = arith.index_cast %add3A_134 : i32 to index
      %get3A_158 = arith.constant 48 : index
      %get3A_159 = tpu.vector_load %arg30[%get3A_157, %get3A_158] {strides = array<i32>} : memref<64x64xf32, #tpu.memory_space<vmem>>, vector<16xf32>,
      %swap3A_160 = arith.constant 62768 : index
      %swap3A_161 = tpu.vector_load %arg28[%swap3A_160] {strides = array<i32>} : memref<62784xf32, #tpu.memory_space<vmem>>, vector<16xf32>,
      tpu.vector_store %arg28[%swap3A_160], %get3A_159 {strides = array<i32>} : memref<62784xf32, #tpu.memory_space<vmem>>, vector<16xf32>,
      %scan3A_162 = arith.constant 0 : i32
      %scan3A_163 = arith.constant 24 : i32
      %scan3A_164 = arith.addi %scan3A_162, %scan3A_163 : i32
      %scan3A_165 = arith.constant 1 : i32
      scf.for %scan3A_167 = %scan3A_162 to %scan3A_164 step %scan3A_165  : i32 {
        %mul3A_168 = arith.constant 16 : i32
        %mul3A_169 = arith.muli %scan3A_167, %mul3A_168 : i32
        %get3A_170 = arith.index_cast %mul3A_169 : i32 to index
        %get3A_171 = tpu.vector_load %arg23[%get3A_170] {strides = array<i32>} : memref<384xi32, #tpu.memory_space<vmem>>, vector<16xi32>,
        %gather3A = tpu.vector_load_idx %arg28[%get3A_171] : memref<62784xf32, #tpu.memory_space<vmem>>[vector<16xi32>], vector<16xf32>,
        %get3A_172 = arith.index_cast %mul3A_169 : i32 to index
        %get3A_173 = tpu.vector_load %arg24[%get3A_172] {strides = array<i32>} : memref<384xi32, #tpu.memory_space<vmem>>, vector<16xi32>,
        tpu.vector_store_idx %arg27[%get3A_173], %gather3A : memref<4112xf32, #tpu.memory_space<vmem>>[vector<16xi32>], vector<16xf32>,
      }
      %scan3A_166 = arith.constant 24 : i32
      "tpu.region"() ({
        %run_scoped3A = tpu.sem_alloc : memref<!tpu.dma_semaphore, #tpu.memory_space<semaphore_mem>>
        %dma_start3A = arith.constant 0 : i32
        %dma_start3A_167 = tpu.memref_slice %arg27[%dma_start3A] : memref<4112xf32, #tpu.memory_space<vmem>> -> memref<4096xf32, #tpu.memory_space<vmem>>
        %dma_start3A_168 = arith.constant 0 : i32
        %dma_start3A_169 = tpu.memref_slice %arg12[%add3A_134, %arg1, %dma_start3A_168] : memref<64x16x4096xf32, #tpu.memory_space<hbm>> -> memref<1x1x4096xf32, #tpu.memory_space<hbm>>
        %dma_start3A_170 = tpu.memref_squeeze %dma_start3A_169 : memref<1x1x4096xf32, #tpu.memory_space<hbm>> -> memref<4096xf32, #tpu.memory_space<hbm>>
        %dma_start3A_171 = arith.constant 0 : i32
        %dma_start3A_172 = tpu.memref_slice %arg12[%add3A_134, %arg1, %dma_start3A_171] : memref<64x16x4096xf32, #tpu.memory_space<hbm>> -> memref<1x1x4096xf32, #tpu.memory_space<hbm>>
        %dma_start3A_173 = tpu.memref_squeeze %dma_start3A_172 : memref<1x1x4096xf32, #tpu.memory_space<hbm>> -> memref<4096xf32, #tpu.memory_space<hbm>>
        %dma_start3A_174 = arith.constant 0 : i32
        %dma_start3A_175 = tpu.memref_slice %arg27[%dma_start3A_174] : memref<4112xf32, #tpu.memory_space<vmem>> -> memref<4096xf32, #tpu.memory_space<vmem>>
        tpu.enqueue_dma source(%dma_start3A_175 : memref<4096xf32, #tpu.memory_space<vmem>>) target(%dma_start3A_173 : memref<4096xf32, #tpu.memory_space<hbm>>) target_semaphore(%run_scoped3A : memref<!tpu.dma_semaphore, #tpu.memory_space<semaphore_mem>>)
        %dma_wait3A = arith.constant 0 : i32
        %dma_wait3A_176 = tpu.memref_slice %arg27[%dma_wait3A] : memref<4112xf32, #tpu.memory_space<vmem>> -> memref<4096xf32, #tpu.memory_space<vmem>>
        %dma_wait3A_177 = arith.constant 0 : i32
        %dma_wait3A_178 = tpu.memref_slice %arg12[%add3A_134, %arg1, %dma_wait3A_177] : memref<64x16x4096xf32, #tpu.memory_space<hbm>> -> memref<1x1x4096xf32, #tpu.memory_space<hbm>>
        %dma_wait3A_179 = tpu.memref_squeeze %dma_wait3A_178 : memref<1x1x4096xf32, #tpu.memory_space<hbm>> -> memref<4096xf32, #tpu.memory_space<hbm>>
        %dma_wait3A_180 = arith.constant 0 : i32
        %dma_wait3A_181 = tpu.memref_slice %arg12[%add3A_134, %arg1, %dma_wait3A_180] : memref<64x16x4096xf32, #tpu.memory_space<hbm>> -> memref<1x1x4096xf32, #tpu.memory_space<hbm>>
        %dma_wait3A_182 = tpu.memref_squeeze %dma_wait3A_181 : memref<1x1x4096xf32, #tpu.memory_space<hbm>> -> memref<4096xf32, #tpu.memory_space<hbm>>
        %dma_wait3A_183 = arith.constant 0 : i32
        %dma_wait3A_184 = tpu.memref_slice %arg27[%dma_wait3A_183] : memref<4112xf32, #tpu.memory_space<vmem>> -> memref<4096xf32, #tpu.memory_space<vmem>>
        tpu.wait_dma2 semaphore(%run_scoped3A : memref<!tpu.dma_semaphore, #tpu.memory_space<semaphore_mem>>) src(%dma_wait3A_184 : memref<4096xf32, #tpu.memory_space<vmem>>) dst(%dma_wait3A_182 : memref<4096xf32, #tpu.memory_space<hbm>>)
        tpu.yield
      }) : () -> ()
    }
    %scan3A_76 = arith.constant 32 : i32
    %scan3A_77 = arith.constant 0 : i32
    %scan3A_78 = arith.constant 32 : i32
    %scan3A_79 = arith.addi %scan3A_77, %scan3A_78 : i32
    %scan3A_80 = arith.constant 1 : i32
    scf.for %scan3A_131 = %scan3A_77 to %scan3A_79 step %scan3A_80  : i32 {
      %mul3A_132 = arith.constant 32 : i32
      %mul3A_133 = arith.muli %arg0, %mul3A_132 : i32
      %add3A_134 = arith.addi %mul3A_133, %scan3A_131 : i32
      %lt3A = arith.constant 15 : i32
      %lt3A_135 = arith.cmpi slt, %arg1, %lt3A : i32
      %convert_element_type3A_136 = arith.extui %lt3A_135 : i1 to i32
      %cond3A_137 = arith.constant 0 : i32
      %cond3A_138 = arith.cmpi ne, %convert_element_type3A_136, %cond3A_137 : i32
      scf.if %cond3A_138 {
        "tpu.region"() ({
          %run_scoped3A = tpu.sem_alloc : memref<!tpu.dma_semaphore, #tpu.memory_space<semaphore_mem>>
          %dma_start3A = arith.constant 0 : i32
          %dma_start3A_167 = tpu.memref_slice %arg28[%dma_start3A] : memref<62784xf32, #tpu.memory_space<vmem>> -> memref<62720xf32, #tpu.memory_space<vmem>>
          %dma_start3A_168 = tpu.memref_slice %arg7[%add3A_134, %multiple_of3A] : memref<64x1000000xf32, #tpu.memory_space<hbm>> -> memref<1x62720xf32, #tpu.memory_space<hbm>>
          %dma_start3A_169 = tpu.memref_squeeze %dma_start3A_168 : memref<1x62720xf32, #tpu.memory_space<hbm>> -> memref<62720xf32, #tpu.memory_space<hbm>>
          %dma_start3A_170 = arith.constant 0 : i32
          %dma_start3A_171 = tpu.memref_slice %arg28[%dma_start3A_170] : memref<62784xf32, #tpu.memory_space<vmem>> -> memref<62720xf32, #tpu.memory_space<vmem>>
          %dma_start3A_172 = tpu.memref_slice %arg7[%add3A_134, %multiple_of3A] : memref<64x1000000xf32, #tpu.memory_space<hbm>> -> memref<1x62720xf32, #tpu.memory_space<hbm>>
          %dma_start3A_173 = tpu.memref_squeeze %dma_start3A_172 : memref<1x62720xf32, #tpu.memory_space<hbm>> -> memref<62720xf32, #tpu.memory_space<hbm>>
          tpu.enqueue_dma source(%dma_start3A_173 : memref<62720xf32, #tpu.memory_space<hbm>>) target(%dma_start3A_171 : memref<62720xf32, #tpu.memory_space<vmem>>) target_semaphore(%run_scoped3A : memref<!tpu.dma_semaphore, #tpu.memory_space<semaphore_mem>>)
          %dma_wait3A = arith.constant 0 : i32
          %dma_wait3A_174 = tpu.memref_slice %arg28[%dma_wait3A] : memref<62784xf32, #tpu.memory_space<vmem>> -> memref<62720xf32, #tpu.memory_space<vmem>>
          %dma_wait3A_175 = tpu.memref_slice %arg7[%add3A_134, %multiple_of3A] : memref<64x1000000xf32, #tpu.memory_space<hbm>> -> memref<1x62720xf32, #tpu.memory_space<hbm>>
          %dma_wait3A_176 = tpu.memref_squeeze %dma_wait3A_175 : memref<1x62720xf32, #tpu.memory_space<hbm>> -> memref<62720xf32, #tpu.memory_space<hbm>>
          %dma_wait3A_177 = arith.constant 0 : i32
          %dma_wait3A_178 = tpu.memref_slice %arg28[%dma_wait3A_177] : memref<62784xf32, #tpu.memory_space<vmem>> -> memref<62720xf32, #tpu.memory_space<vmem>>
          %dma_wait3A_179 = tpu.memref_slice %arg7[%add3A_134, %multiple_of3A] : memref<64x1000000xf32, #tpu.memory_space<hbm>> -> memref<1x62720xf32, #tpu.memory_space<hbm>>
          %dma_wait3A_180 = tpu.memref_squeeze %dma_wait3A_179 : memref<1x62720xf32, #tpu.memory_space<hbm>> -> memref<62720xf32, #tpu.memory_space<hbm>>
          tpu.wait_dma2 semaphore(%run_scoped3A : memref<!tpu.dma_semaphore, #tpu.memory_space<semaphore_mem>>) src(%dma_wait3A_180 : memref<62720xf32, #tpu.memory_space<hbm>>) dst(%dma_wait3A_178 : memref<62720xf32, #tpu.memory_space<vmem>>)
          tpu.yield
        }) : () -> ()
      } else {
      }
      %eq3A_139 = arith.constant 15 : i32
      %eq3A_140 = arith.cmpi eq, %arg1, %eq3A_139 : i32
      %convert_element_type3A_141 = arith.extui %eq3A_140 : i1 to i32
      %cond3A_142 = arith.constant 0 : i32
      %cond3A_143 = arith.cmpi ne, %convert_element_type3A_141, %cond3A_142 : i32
      scf.if %cond3A_143 {
        "tpu.region"() ({
          %run_scoped3A = tpu.sem_alloc : memref<!tpu.dma_semaphore, #tpu.memory_space<semaphore_mem>>
          %dma_start3A = arith.constant 0 : i32
          %dma_start3A_167 = tpu.memref_slice %arg28[%dma_start3A] : memref<62784xf32, #tpu.memory_space<vmem>> -> memref<62464xf32, #tpu.memory_space<vmem>>
          %dma_start3A_168 = arith.constant 937472 : i32
          %dma_start3A_169 = tpu.memref_slice %arg7[%add3A_134, %dma_start3A_168] : memref<64x1000000xf32, #tpu.memory_space<hbm>> -> memref<1x62464xf32, #tpu.memory_space<hbm>>
          %dma_start3A_170 = tpu.memref_squeeze %dma_start3A_169 : memref<1x62464xf32, #tpu.memory_space<hbm>> -> memref<62464xf32, #tpu.memory_space<hbm>>
          %dma_start3A_171 = arith.constant 0 : i32
          %dma_start3A_172 = tpu.memref_slice %arg28[%dma_start3A_171] : memref<62784xf32, #tpu.memory_space<vmem>> -> memref<62464xf32, #tpu.memory_space<vmem>>
          %dma_start3A_173 = arith.constant 937472 : i32
          %dma_start3A_174 = tpu.memref_slice %arg7[%add3A_134, %dma_start3A_173] : memref<64x1000000xf32, #tpu.memory_space<hbm>> -> memref<1x62464xf32, #tpu.memory_space<hbm>>
          %dma_start3A_175 = tpu.memref_squeeze %dma_start3A_174 : memref<1x62464xf32, #tpu.memory_space<hbm>> -> memref<62464xf32, #tpu.memory_space<hbm>>
          tpu.enqueue_dma source(%dma_start3A_175 : memref<62464xf32, #tpu.memory_space<hbm>>) target(%dma_start3A_172 : memref<62464xf32, #tpu.memory_space<vmem>>) target_semaphore(%run_scoped3A : memref<!tpu.dma_semaphore, #tpu.memory_space<semaphore_mem>>)
          %dma_wait3A = arith.constant 0 : i32
          %dma_wait3A_176 = tpu.memref_slice %arg28[%dma_wait3A] : memref<62784xf32, #tpu.memory_space<vmem>> -> memref<62464xf32, #tpu.memory_space<vmem>>
          %dma_wait3A_177 = arith.constant 937472 : i32
          %dma_wait3A_178 = tpu.memref_slice %arg7[%add3A_134, %dma_wait3A_177] : memref<64x1000000xf32, #tpu.memory_space<hbm>> -> memref<1x62464xf32, #tpu.memory_space<hbm>>
          %dma_wait3A_179 = tpu.memref_squeeze %dma_wait3A_178 : memref<1x62464xf32, #tpu.memory_space<hbm>> -> memref<62464xf32, #tpu.memory_space<hbm>>
          %dma_wait3A_180 = arith.constant 0 : i32
          %dma_wait3A_181 = tpu.memref_slice %arg28[%dma_wait3A_180] : memref<62784xf32, #tpu.memory_space<vmem>> -> memref<62464xf32, #tpu.memory_space<vmem>>
          %dma_wait3A_182 = arith.constant 937472 : i32
          %dma_wait3A_183 = tpu.memref_slice %arg7[%add3A_134, %dma_wait3A_182] : memref<64x1000000xf32, #tpu.memory_space<hbm>> -> memref<1x62464xf32, #tpu.memory_space<hbm>>
          %dma_wait3A_184 = tpu.memref_squeeze %dma_wait3A_183 : memref<1x62464xf32, #tpu.memory_space<hbm>> -> memref<62464xf32, #tpu.memory_space<hbm>>
          tpu.wait_dma2 semaphore(%run_scoped3A : memref<!tpu.dma_semaphore, #tpu.memory_space<semaphore_mem>>) src(%dma_wait3A_184 : memref<62464xf32, #tpu.memory_space<hbm>>) dst(%dma_wait3A_181 : memref<62464xf32, #tpu.memory_space<vmem>>)
          tpu.yield
        }) : () -> ()
      } else {
      }
      %get3A = arith.index_cast %add3A_134 : i32 to index
      %get3A_144 = arith.constant 0 : index
      %get3A_145 = tpu.vector_load %arg30[%get3A, %get3A_144] {strides = array<i32>} : memref<64x64xf32, #tpu.memory_space<vmem>>, vector<16xf32>,
      %swap3A = arith.constant 62720 : index
      %swap3A_146 = tpu.vector_load %arg28[%swap3A] {strides = array<i32>} : memref<62784xf32, #tpu.memory_space<vmem>>, vector<16xf32>,
      tpu.vector_store %arg28[%swap3A], %get3A_145 {strides = array<i32>} : memref<62784xf32, #tpu.memory_space<vmem>>, vector<16xf32>,
      %get3A_147 = arith.index_cast %add3A_134 : i32 to index
      %get3A_148 = arith.constant 16 : index
      %get3A_149 = tpu.vector_load %arg30[%get3A_147, %get3A_148] {strides = array<i32>} : memref<64x64xf32, #tpu.memory_space<vmem>>, vector<16xf32>,
      %swap3A_150 = arith.constant 62736 : index
      %swap3A_151 = tpu.vector_load %arg28[%swap3A_150] {strides = array<i32>} : memref<62784xf32, #tpu.memory_space<vmem>>, vector<16xf32>,
      tpu.vector_store %arg28[%swap3A_150], %get3A_149 {strides = array<i32>} : memref<62784xf32, #tpu.memory_space<vmem>>, vector<16xf32>,
      %get3A_152 = arith.index_cast %add3A_134 : i32 to index
      %get3A_153 = arith.constant 32 : index
      %get3A_154 = tpu.vector_load %arg30[%get3A_152, %get3A_153] {strides = array<i32>} : memref<64x64xf32, #tpu.memory_space<vmem>>, vector<16xf32>,
      %swap3A_155 = arith.constant 62752 : index
      %swap3A_156 = tpu.vector_load %arg28[%swap3A_155] {strides = array<i32>} : memref<62784xf32, #tpu.memory_space<vmem>>, vector<16xf32>,
      tpu.vector_store %arg28[%swap3A_155], %get3A_154 {strides = array<i32>} : memref<62784xf32, #tpu.memory_space<vmem>>, vector<16xf32>,
      %get3A_157 = arith.index_cast %add3A_134 : i32 to index
      %get3A_158 = arith.constant 48 : index
      %get3A_159 = tpu.vector_load %arg30[%get3A_157, %get3A_158] {strides = array<i32>} : memref<64x64xf32, #tpu.memory_space<vmem>>, vector<16xf32>,
      %swap3A_160 = arith.constant 62768 : index
      %swap3A_161 = tpu.vector_load %arg28[%swap3A_160] {strides = array<i32>} : memref<62784xf32, #tpu.memory_space<vmem>>, vector<16xf32>,
      tpu.vector_store %arg28[%swap3A_160], %get3A_159 {strides = array<i32>} : memref<62784xf32, #tpu.memory_space<vmem>>, vector<16xf32>,
      %scan3A_162 = arith.constant 0 : i32
      %scan3A_163 = arith.constant 24 : i32
      %scan3A_164 = arith.addi %scan3A_162, %scan3A_163 : i32
      %scan3A_165 = arith.constant 1 : i32
      scf.for %scan3A_167 = %scan3A_162 to %scan3A_164 step %scan3A_165  : i32 {
        %mul3A_168 = arith.constant 16 : i32
        %mul3A_169 = arith.muli %scan3A_167, %mul3A_168 : i32
        %get3A_170 = arith.index_cast %mul3A_169 : i32 to index
        %get3A_171 = tpu.vector_load %arg23[%get3A_170] {strides = array<i32>} : memref<384xi32, #tpu.memory_space<vmem>>, vector<16xi32>,
        %gather3A = tpu.vector_load_idx %arg28[%get3A_171] : memref<62784xf32, #tpu.memory_space<vmem>>[vector<16xi32>], vector<16xf32>,
        %get3A_172 = arith.index_cast %mul3A_169 : i32 to index
        %get3A_173 = tpu.vector_load %arg24[%get3A_172] {strides = array<i32>} : memref<384xi32, #tpu.memory_space<vmem>>, vector<16xi32>,
        tpu.vector_store_idx %arg27[%get3A_173], %gather3A : memref<4112xf32, #tpu.memory_space<vmem>>[vector<16xi32>], vector<16xf32>,
      }
      %scan3A_166 = arith.constant 24 : i32
      "tpu.region"() ({
        %run_scoped3A = tpu.sem_alloc : memref<!tpu.dma_semaphore, #tpu.memory_space<semaphore_mem>>
        %dma_start3A = arith.constant 0 : i32
        %dma_start3A_167 = tpu.memref_slice %arg27[%dma_start3A] : memref<4112xf32, #tpu.memory_space<vmem>> -> memref<4096xf32, #tpu.memory_space<vmem>>
        %dma_start3A_168 = arith.constant 0 : i32
        %dma_start3A_169 = tpu.memref_slice %arg13[%add3A_134, %arg1, %dma_start3A_168] : memref<64x16x4096xf32, #tpu.memory_space<hbm>> -> memref<1x1x4096xf32, #tpu.memory_space<hbm>>
        %dma_start3A_170 = tpu.memref_squeeze %dma_start3A_169 : memref<1x1x4096xf32, #tpu.memory_space<hbm>> -> memref<4096xf32, #tpu.memory_space<hbm>>
        %dma_start3A_171 = arith.constant 0 : i32
        %dma_start3A_172 = tpu.memref_slice %arg13[%add3A_134, %arg1, %dma_start3A_171] : memref<64x16x4096xf32, #tpu.memory_space<hbm>> -> memref<1x1x4096xf32, #tpu.memory_space<hbm>>
        %dma_start3A_173 = tpu.memref_squeeze %dma_start3A_172 : memref<1x1x4096xf32, #tpu.memory_space<hbm>> -> memref<4096xf32, #tpu.memory_space<hbm>>
        %dma_start3A_174 = arith.constant 0 : i32
        %dma_start3A_175 = tpu.memref_slice %arg27[%dma_start3A_174] : memref<4112xf32, #tpu.memory_space<vmem>> -> memref<4096xf32, #tpu.memory_space<vmem>>
        tpu.enqueue_dma source(%dma_start3A_175 : memref<4096xf32, #tpu.memory_space<vmem>>) target(%dma_start3A_173 : memref<4096xf32, #tpu.memory_space<hbm>>) target_semaphore(%run_scoped3A : memref<!tpu.dma_semaphore, #tpu.memory_space<semaphore_mem>>)
        %dma_wait3A = arith.constant 0 : i32
        %dma_wait3A_176 = tpu.memref_slice %arg27[%dma_wait3A] : memref<4112xf32, #tpu.memory_space<vmem>> -> memref<4096xf32, #tpu.memory_space<vmem>>
        %dma_wait3A_177 = arith.constant 0 : i32
        %dma_wait3A_178 = tpu.memref_slice %arg13[%add3A_134, %arg1, %dma_wait3A_177] : memref<64x16x4096xf32, #tpu.memory_space<hbm>> -> memref<1x1x4096xf32, #tpu.memory_space<hbm>>
        %dma_wait3A_179 = tpu.memref_squeeze %dma_wait3A_178 : memref<1x1x4096xf32, #tpu.memory_space<hbm>> -> memref<4096xf32, #tpu.memory_space<hbm>>
        %dma_wait3A_180 = arith.constant 0 : i32
        %dma_wait3A_181 = tpu.memref_slice %arg13[%add3A_134, %arg1, %dma_wait3A_180] : memref<64x16x4096xf32, #tpu.memory_space<hbm>> -> memref<1x1x4096xf32, #tpu.memory_space<hbm>>
        %dma_wait3A_182 = tpu.memref_squeeze %dma_wait3A_181 : memref<1x1x4096xf32, #tpu.memory_space<hbm>> -> memref<4096xf32, #tpu.memory_space<hbm>>
        %dma_wait3A_183 = arith.constant 0 : i32
        %dma_wait3A_184 = tpu.memref_slice %arg27[%dma_wait3A_183] : memref<4112xf32, #tpu.memory_space<vmem>> -> memref<4096xf32, #tpu.memory_space<vmem>>
        tpu.wait_dma2 semaphore(%run_scoped3A : memref<!tpu.dma_semaphore, #tpu.memory_space<semaphore_mem>>) src(%dma_wait3A_184 : memref<4096xf32, #tpu.memory_space<vmem>>) dst(%dma_wait3A_182 : memref<4096xf32, #tpu.memory_space<hbm>>)
        tpu.yield
      }) : () -> ()
    }
    %scan3A_81 = arith.constant 32 : i32
    %mul3A_82 = arith.constant 6250 : i32
    %mul3A_83 = arith.muli %arg1, %mul3A_82 : i32
    %add3A_84 = arith.constant 6250 : i32
    %add3A_85 = arith.addi %mul3A_83, %add3A_84 : i32
    "tpu.region"() ({
      %run_scoped3A = tpu.sem_alloc : memref<!tpu.dma_semaphore, #tpu.memory_space<semaphore_mem>>
      tpu.enqueue_dma source(%arg3 : memref<4096xi32, #tpu.memory_space<hbm>>) target(%arg18 : memref<4096xi32, #tpu.memory_space<vmem>>) target_semaphore(%run_scoped3A : memref<!tpu.dma_semaphore, #tpu.memory_space<semaphore_mem>>)
      tpu.wait_dma2 semaphore(%run_scoped3A : memref<!tpu.dma_semaphore, #tpu.memory_space<semaphore_mem>>) src(%arg3 : memref<4096xi32, #tpu.memory_space<hbm>>) dst(%arg18 : memref<4096xi32, #tpu.memory_space<vmem>>)
      tpu.yield
    }) : () -> ()
    %scan3A_86 = arith.constant 0 : i32
    %scan3A_87 = arith.constant 256 : i32
    %scan3A_88 = arith.addi %scan3A_86, %scan3A_87 : i32
    %scan3A_89 = arith.constant 1 : i32
    scf.for %scan3A_131 = %scan3A_86 to %scan3A_88 step %scan3A_89  : i32 {
      %mul3A_132 = arith.constant 16 : i32
      %mul3A_133 = arith.muli %scan3A_131, %mul3A_132 : i32
      %get3A = arith.index_cast %mul3A_133 : i32 to index
      %get3A_134 = tpu.vector_load %arg18[%get3A] {strides = array<i32>} : memref<4096xi32, #tpu.memory_space<vmem>>, vector<16xi32>,
      %sub3A_135 = vector.broadcast %mul3A_83 : i32 to vector<16xi32>
      %sub3A_136 = arith.subi %get3A_134, %sub3A_135 : vector<16xi32>
      %sub3A_137 = arith.constant 6249 : i32
      %sub3A_138 = vector.broadcast %sub3A_137 : i32 to vector<16xi32>
      %sub3A_139 = arith.subi %sub3A_138, %sub3A_136 : vector<16xi32>
      %or3A = arith.ori %sub3A_136, %sub3A_139 : vector<16xi32>
      %shift_right_logical3A = arith.constant 31 : i32
      %shift_right_logical3A_140 = vector.broadcast %shift_right_logical3A : i32 to vector<16xi32>
      %shift_right_logical3A_141 = arith.shrui %or3A, %shift_right_logical3A_140 : vector<16xi32>
      %sub3A_142 = arith.constant 1 : i32
      %sub3A_143 = vector.broadcast %sub3A_142 : i32 to vector<16xi32>
      %sub3A_144 = arith.subi %sub3A_143, %shift_right_logical3A_141 : vector<16xi32>
      %mul3A_145 = arith.constant 16 : i32
      %mul3A_146 = arith.muli %scan3A_131, %mul3A_145 : i32
      %swap3A = arith.index_cast %mul3A_146 : i32 to index
      %swap3A_147 = tpu.vector_load %arg20[%swap3A] {strides = array<i32>} : memref<4096xi32, #tpu.memory_space<vmem>>, vector<16xi32>,
      tpu.vector_store %arg20[%swap3A], %sub3A_144 {strides = array<i32>} : memref<4096xi32, #tpu.memory_space<vmem>>, vector<16xi32>,
      %sub3A_148 = arith.constant 99968 : i32
      %sub3A_149 = vector.broadcast %sub3A_148 : i32 to vector<16xi32>
      %sub3A_150 = arith.subi %get3A_134, %sub3A_149 : vector<16xi32>
      %shift_right_logical3A_151 = arith.constant 31 : i32
      %shift_right_logical3A_152 = vector.broadcast %shift_right_logical3A_151 : i32 to vector<16xi32>
      %shift_right_logical3A_153 = arith.shrui %sub3A_150, %shift_right_logical3A_152 : vector<16xi32>
      %sub3A_154 = arith.constant 1 : i32
      %sub3A_155 = vector.broadcast %sub3A_154 : i32 to vector<16xi32>
      %sub3A_156 = arith.subi %sub3A_155, %shift_right_logical3A_153 : vector<16xi32>
      %sub3A_157 = vector.broadcast %multiple_of3A_47 : i32 to vector<16xi32>
      %sub3A_158 = arith.subi %get3A_134, %sub3A_157 : vector<16xi32>
      %max3A = arith.constant 0 : i32
      %max3A_159 = vector.broadcast %max3A : i32 to vector<16xi32>
      %max3A_160 = arith.maxsi %sub3A_158, %max3A_159 : vector<16xi32>
      %min3A = arith.constant 6431 : i32
      %min3A_161 = vector.broadcast %min3A : i32 to vector<16xi32>
      %min3A_162 = arith.minsi %max3A_160, %min3A_161 : vector<16xi32>
      %sub3A_163 = arith.constant 99968 : i32
      %sub3A_164 = vector.broadcast %sub3A_163 : i32 to vector<16xi32>
      %sub3A_165 = arith.subi %get3A_134, %sub3A_164 : vector<16xi32>
      %add3A_166 = arith.constant 6400 : i32
      %add3A_167 = vector.broadcast %add3A_166 : i32 to vector<16xi32>
      %add3A_168 = arith.addi %add3A_167, %sub3A_165 : vector<16xi32>
      %max3A_169 = arith.constant 0 : i32
      %max3A_170 = vector.broadcast %max3A_169 : i32 to vector<16xi32>
      %max3A_171 = arith.maxsi %add3A_168, %max3A_170 : vector<16xi32>
      %min3A_172 = arith.constant 6431 : i32
      %min3A_173 = vector.broadcast %min3A_172 : i32 to vector<16xi32>
      %min3A_174 = arith.minsi %max3A_171, %min3A_173 : vector<16xi32>
      %sub3A_175 = arith.constant 1 : i32
      %sub3A_176 = vector.broadcast %sub3A_175 : i32 to vector<16xi32>
      %sub3A_177 = arith.subi %sub3A_176, %sub3A_156 : vector<16xi32>
      %mul3A_178 = arith.muli %min3A_162, %sub3A_177 : vector<16xi32>
      %mul3A_179 = arith.muli %min3A_174, %sub3A_156 : vector<16xi32>
      %add3A_180 = arith.addi %mul3A_178, %mul3A_179 : vector<16xi32>
      %mul3A_181 = arith.constant 16 : i32
      %mul3A_182 = arith.muli %scan3A_131, %mul3A_181 : i32
      %swap3A_183 = arith.index_cast %mul3A_182 : i32 to index
      %swap3A_184 = tpu.vector_load %arg19[%swap3A_183] {strides = array<i32>} : memref<4096xi32, #tpu.memory_space<vmem>>, vector<16xi32>,
      tpu.vector_store %arg19[%swap3A_183], %add3A_180 {strides = array<i32>} : memref<4096xi32, #tpu.memory_space<vmem>>, vector<16xi32>,
    }
    %scan3A_90 = arith.constant 256 : i32
    %scan3A_91 = arith.constant 0 : i32
    %scan3A_92 = arith.constant 24 : i32
    %scan3A_93 = arith.addi %scan3A_91, %scan3A_92 : i32
    %scan3A_94 = arith.constant 1 : i32
    scf.for %scan3A_131 = %scan3A_91 to %scan3A_93 step %scan3A_94  : i32 {
      %iota3A = tpu.iota {dimensions = array<i32: 0>} : vector<16xi32>
      %mul3A_132 = arith.constant 0 : i32
      %mul3A_133 = vector.broadcast %mul3A_132 : i32 to vector<16xi32>
      %mul3A_134 = arith.muli %iota3A, %mul3A_133 : vector<16xi32>
      %mul3A_135 = arith.constant 16 : i32
      %mul3A_136 = arith.muli %scan3A_131, %mul3A_135 : i32
      %swap3A = arith.index_cast %mul3A_136 : i32 to index
      %swap3A_137 = tpu.vector_load %arg23[%swap3A] {strides = array<i32>} : memref<384xi32, #tpu.memory_space<vmem>>, vector<16xi32>,
      tpu.vector_store %arg23[%swap3A], %mul3A_134 {strides = array<i32>} : memref<384xi32, #tpu.memory_space<vmem>>, vector<16xi32>,
      %add3A_138 = arith.constant 4096 : i32
      %add3A_139 = vector.broadcast %add3A_138 : i32 to vector<16xi32>
      %add3A_140 = arith.addi %mul3A_134, %add3A_139 : vector<16xi32>
      %mul3A_141 = arith.constant 16 : i32
      %mul3A_142 = arith.muli %scan3A_131, %mul3A_141 : i32
      %swap3A_143 = arith.index_cast %mul3A_142 : i32 to index
      %swap3A_144 = tpu.vector_load %arg24[%swap3A_143] {strides = array<i32>} : memref<384xi32, #tpu.memory_space<vmem>>, vector<16xi32>,
      tpu.vector_store %arg24[%swap3A_143], %add3A_140 {strides = array<i32>} : memref<384xi32, #tpu.memory_space<vmem>>, vector<16xi32>,
    }
    %scan3A_95 = arith.constant 24 : i32
    %scan3A_96 = arith.constant 0 : i32
    %scan3A_97 = arith.constant 0 : i32
    %scan3A_98 = arith.constant 256 : i32
    %scan3A_99 = arith.addi %scan3A_97, %scan3A_98 : i32
    %scan3A_100 = arith.constant 1 : i32
    %scan3A_101 = scf.for %scan3A_131 = %scan3A_97 to %scan3A_99 step %scan3A_100 iter_args(%scan3A_132 = %scan3A_96) -> (i32)  : i32 {
      %mul3A_133 = arith.constant 16 : i32
      %mul3A_134 = arith.muli %scan3A_131, %mul3A_133 : i32
      %get3A = arith.index_cast %mul3A_134 : i32 to index
      %get3A_135 = tpu.vector_load %arg20[%get3A] {strides = array<i32>} : memref<4096xi32, #tpu.memory_space<vmem>>, vector<16xi32>,
      %broadcast_in_dim3A = arith.constant true
      %broadcast_in_dim3A_136 = vector.broadcast %broadcast_in_dim3A : i1 to vector<16xi1>
      %masked_cumsum3A = tpu.scan <sum>, %get3A_135 masked %broadcast_in_dim3A_136 : vector<16xi32>, vector<16xi1> -> vector<16xi32>
      %add3A_137 = vector.broadcast %scan3A_132 : i32 to vector<16xi32>
      %add3A_138 = arith.addi %add3A_137, %masked_cumsum3A : vector<16xi32>
      %sub3A_139 = arith.constant 1 : i32
      %sub3A_140 = vector.broadcast %sub3A_139 : i32 to vector<16xi32>
      %sub3A_141 = arith.subi %add3A_138, %sub3A_140 : vector<16xi32>
      %min3A = arith.constant 383 : i32
      %min3A_142 = vector.broadcast %min3A : i32 to vector<16xi32>
      %min3A_143 = arith.minsi %sub3A_141, %min3A_142 : vector<16xi32>
      %ne3A_144 = arith.constant 0 : i32
      %ne3A_145 = vector.broadcast %ne3A_144 : i32 to vector<16xi32>
      %ne3A_146 = arith.cmpi ne, %get3A_135, %ne3A_145 : vector<16xi32>
      %get3A_147 = arith.index_cast %mul3A_134 : i32 to index
      %get3A_148 = tpu.vector_load %arg19[%get3A_147] {strides = array<i32>} : memref<4096xi32, #tpu.memory_space<vmem>>, vector<16xi32>,
      tpu.vector_store_idx %arg23[%min3A_143], %get3A_148 masked %ne3A_146 : memref<384xi32, #tpu.memory_space<vmem>>[vector<16xi32>], vector<16xi32>, vector<16xi1>
      %iota3A = tpu.iota {dimensions = array<i32: 0>} : vector<16xi32>
      %add3A_149 = vector.broadcast %mul3A_134 : i32 to vector<16xi32>
      %add3A_150 = arith.addi %iota3A, %add3A_149 : vector<16xi32>
      tpu.vector_store_idx %arg24[%min3A_143], %add3A_150 masked %ne3A_146 : memref<384xi32, #tpu.memory_space<vmem>>[vector<16xi32>], vector<16xi32>, vector<16xi1>
      %slice3A = vector.extract_strided_slice %masked_cumsum3A {offsets = [15], sizes = [1], strides = [1]} : vector<16xi32> to vector<1xi32>
      %squeeze3A = vector.extract %slice3A[0] : i32 from vector<1xi32>
      %add3A_151 = arith.addi %scan3A_132, %squeeze3A : i32
      scf.yield %add3A_151 : i32
    }
    %scan3A_102 = arith.constant 256 : i32
    %mul3A_103 = arith.constant 6250 : i32
    %mul3A_104 = arith.muli %arg1, %mul3A_103 : i32
    %add3A_105 = arith.constant 6250 : i32
    %add3A_106 = arith.addi %mul3A_104, %add3A_105 : i32
    "tpu.region"() ({
      %run_scoped3A = tpu.sem_alloc : memref<!tpu.dma_semaphore, #tpu.memory_space<semaphore_mem>>
      tpu.enqueue_dma source(%arg4 : memref<4096xi32, #tpu.memory_space<hbm>>) target(%arg18 : memref<4096xi32, #tpu.memory_space<vmem>>) target_semaphore(%run_scoped3A : memref<!tpu.dma_semaphore, #tpu.memory_space<semaphore_mem>>)
      tpu.wait_dma2 semaphore(%run_scoped3A : memref<!tpu.dma_semaphore, #tpu.memory_space<semaphore_mem>>) src(%arg4 : memref<4096xi32, #tpu.memory_space<hbm>>) dst(%arg18 : memref<4096xi32, #tpu.memory_space<vmem>>)
      tpu.yield
    }) : () -> ()
    %scan3A_107 = arith.constant 0 : i32
    %scan3A_108 = arith.constant 256 : i32
    %scan3A_109 = arith.addi %scan3A_107, %scan3A_108 : i32
    %scan3A_110 = arith.constant 1 : i32
    scf.for %scan3A_131 = %scan3A_107 to %scan3A_109 step %scan3A_110  : i32 {
      %mul3A_132 = arith.constant 16 : i32
      %mul3A_133 = arith.muli %scan3A_131, %mul3A_132 : i32
      %get3A = arith.index_cast %mul3A_133 : i32 to index
      %get3A_134 = tpu.vector_load %arg18[%get3A] {strides = array<i32>} : memref<4096xi32, #tpu.memory_space<vmem>>, vector<16xi32>,
      %sub3A_135 = vector.broadcast %mul3A_104 : i32 to vector<16xi32>
      %sub3A_136 = arith.subi %get3A_134, %sub3A_135 : vector<16xi32>
      %sub3A_137 = arith.constant 6249 : i32
      %sub3A_138 = vector.broadcast %sub3A_137 : i32 to vector<16xi32>
      %sub3A_139 = arith.subi %sub3A_138, %sub3A_136 : vector<16xi32>
      %or3A = arith.ori %sub3A_136, %sub3A_139 : vector<16xi32>
      %shift_right_logical3A = arith.constant 31 : i32
      %shift_right_logical3A_140 = vector.broadcast %shift_right_logical3A : i32 to vector<16xi32>
      %shift_right_logical3A_141 = arith.shrui %or3A, %shift_right_logical3A_140 : vector<16xi32>
      %sub3A_142 = arith.constant 1 : i32
      %sub3A_143 = vector.broadcast %sub3A_142 : i32 to vector<16xi32>
      %sub3A_144 = arith.subi %sub3A_143, %shift_right_logical3A_141 : vector<16xi32>
      %mul3A_145 = arith.constant 16 : i32
      %mul3A_146 = arith.muli %scan3A_131, %mul3A_145 : i32
      %swap3A = arith.index_cast %mul3A_146 : i32 to index
      %swap3A_147 = tpu.vector_load %arg22[%swap3A] {strides = array<i32>} : memref<4096xi32, #tpu.memory_space<vmem>>, vector<16xi32>,
      tpu.vector_store %arg22[%swap3A], %sub3A_144 {strides = array<i32>} : memref<4096xi32, #tpu.memory_space<vmem>>, vector<16xi32>,
      %sub3A_148 = arith.constant 99968 : i32
      %sub3A_149 = vector.broadcast %sub3A_148 : i32 to vector<16xi32>
      %sub3A_150 = arith.subi %get3A_134, %sub3A_149 : vector<16xi32>
      %shift_right_logical3A_151 = arith.constant 31 : i32
      %shift_right_logical3A_152 = vector.broadcast %shift_right_logical3A_151 : i32 to vector<16xi32>
      %shift_right_logical3A_153 = arith.shrui %sub3A_150, %shift_right_logical3A_152 : vector<16xi32>
      %sub3A_154 = arith.constant 1 : i32
      %sub3A_155 = vector.broadcast %sub3A_154 : i32 to vector<16xi32>
      %sub3A_156 = arith.subi %sub3A_155, %shift_right_logical3A_153 : vector<16xi32>
      %sub3A_157 = vector.broadcast %multiple_of3A_47 : i32 to vector<16xi32>
      %sub3A_158 = arith.subi %get3A_134, %sub3A_157 : vector<16xi32>
      %max3A = arith.constant 0 : i32
      %max3A_159 = vector.broadcast %max3A : i32 to vector<16xi32>
      %max3A_160 = arith.maxsi %sub3A_158, %max3A_159 : vector<16xi32>
      %min3A = arith.constant 6431 : i32
      %min3A_161 = vector.broadcast %min3A : i32 to vector<16xi32>
      %min3A_162 = arith.minsi %max3A_160, %min3A_161 : vector<16xi32>
      %sub3A_163 = arith.constant 99968 : i32
      %sub3A_164 = vector.broadcast %sub3A_163 : i32 to vector<16xi32>
      %sub3A_165 = arith.subi %get3A_134, %sub3A_164 : vector<16xi32>
      %add3A_166 = arith.constant 6400 : i32
      %add3A_167 = vector.broadcast %add3A_166 : i32 to vector<16xi32>
      %add3A_168 = arith.addi %add3A_167, %sub3A_165 : vector<16xi32>
      %max3A_169 = arith.constant 0 : i32
      %max3A_170 = vector.broadcast %max3A_169 : i32 to vector<16xi32>
      %max3A_171 = arith.maxsi %add3A_168, %max3A_170 : vector<16xi32>
      %min3A_172 = arith.constant 6431 : i32
      %min3A_173 = vector.broadcast %min3A_172 : i32 to vector<16xi32>
      %min3A_174 = arith.minsi %max3A_171, %min3A_173 : vector<16xi32>
      %sub3A_175 = arith.constant 1 : i32
      %sub3A_176 = vector.broadcast %sub3A_175 : i32 to vector<16xi32>
      %sub3A_177 = arith.subi %sub3A_176, %sub3A_156 : vector<16xi32>
      %mul3A_178 = arith.muli %min3A_162, %sub3A_177 : vector<16xi32>
      %mul3A_179 = arith.muli %min3A_174, %sub3A_156 : vector<16xi32>
      %add3A_180 = arith.addi %mul3A_178, %mul3A_179 : vector<16xi32>
      %mul3A_181 = arith.constant 16 : i32
      %mul3A_182 = arith.muli %scan3A_131, %mul3A_181 : i32
      %swap3A_183 = arith.index_cast %mul3A_182 : i32 to index
      %swap3A_184 = tpu.vector_load %arg21[%swap3A_183] {strides = array<i32>} : memref<4096xi32, #tpu.memory_space<vmem>>, vector<16xi32>,
      tpu.vector_store %arg21[%swap3A_183], %add3A_180 {strides = array<i32>} : memref<4096xi32, #tpu.memory_space<vmem>>, vector<16xi32>,
    }
    %scan3A_111 = arith.constant 256 : i32
    %scan3A_112 = arith.constant 0 : i32
    %scan3A_113 = arith.constant 24 : i32
    %scan3A_114 = arith.addi %scan3A_112, %scan3A_113 : i32
    %scan3A_115 = arith.constant 1 : i32
    scf.for %scan3A_131 = %scan3A_112 to %scan3A_114 step %scan3A_115  : i32 {
      %iota3A = tpu.iota {dimensions = array<i32: 0>} : vector<16xi32>
      %mul3A_132 = arith.constant 0 : i32
      %mul3A_133 = vector.broadcast %mul3A_132 : i32 to vector<16xi32>
      %mul3A_134 = arith.muli %iota3A, %mul3A_133 : vector<16xi32>
      %mul3A_135 = arith.constant 16 : i32
      %mul3A_136 = arith.muli %scan3A_131, %mul3A_135 : i32
      %swap3A = arith.index_cast %mul3A_136 : i32 to index
      %swap3A_137 = tpu.vector_load %arg25[%swap3A] {strides = array<i32>} : memref<384xi32, #tpu.memory_space<vmem>>, vector<16xi32>,
      tpu.vector_store %arg25[%swap3A], %mul3A_134 {strides = array<i32>} : memref<384xi32, #tpu.memory_space<vmem>>, vector<16xi32>,
      %add3A_138 = arith.constant 4096 : i32
      %add3A_139 = vector.broadcast %add3A_138 : i32 to vector<16xi32>
      %add3A_140 = arith.addi %mul3A_134, %add3A_139 : vector<16xi32>
      %mul3A_141 = arith.constant 16 : i32
      %mul3A_142 = arith.muli %scan3A_131, %mul3A_141 : i32
      %swap3A_143 = arith.index_cast %mul3A_142 : i32 to index
      %swap3A_144 = tpu.vector_load %arg26[%swap3A_143] {strides = array<i32>} : memref<384xi32, #tpu.memory_space<vmem>>, vector<16xi32>,
      tpu.vector_store %arg26[%swap3A_143], %add3A_140 {strides = array<i32>} : memref<384xi32, #tpu.memory_space<vmem>>, vector<16xi32>,
    }
    %scan3A_116 = arith.constant 24 : i32
    %scan3A_117 = arith.constant 0 : i32
    %scan3A_118 = arith.constant 0 : i32
    %scan3A_119 = arith.constant 256 : i32
    %scan3A_120 = arith.addi %scan3A_118, %scan3A_119 : i32
    %scan3A_121 = arith.constant 1 : i32
    %scan3A_122 = scf.for %scan3A_131 = %scan3A_118 to %scan3A_120 step %scan3A_121 iter_args(%scan3A_132 = %scan3A_117) -> (i32)  : i32 {
      %mul3A_133 = arith.constant 16 : i32
      %mul3A_134 = arith.muli %scan3A_131, %mul3A_133 : i32
      %get3A = arith.index_cast %mul3A_134 : i32 to index
      %get3A_135 = tpu.vector_load %arg22[%get3A] {strides = array<i32>} : memref<4096xi32, #tpu.memory_space<vmem>>, vector<16xi32>,
      %broadcast_in_dim3A = arith.constant true
      %broadcast_in_dim3A_136 = vector.broadcast %broadcast_in_dim3A : i1 to vector<16xi1>
      %masked_cumsum3A = tpu.scan <sum>, %get3A_135 masked %broadcast_in_dim3A_136 : vector<16xi32>, vector<16xi1> -> vector<16xi32>
      %add3A_137 = vector.broadcast %scan3A_132 : i32 to vector<16xi32>
      %add3A_138 = arith.addi %add3A_137, %masked_cumsum3A : vector<16xi32>
      %sub3A_139 = arith.constant 1 : i32
      %sub3A_140 = vector.broadcast %sub3A_139 : i32 to vector<16xi32>
      %sub3A_141 = arith.subi %add3A_138, %sub3A_140 : vector<16xi32>
      %min3A = arith.constant 383 : i32
      %min3A_142 = vector.broadcast %min3A : i32 to vector<16xi32>
      %min3A_143 = arith.minsi %sub3A_141, %min3A_142 : vector<16xi32>
      %ne3A_144 = arith.constant 0 : i32
      %ne3A_145 = vector.broadcast %ne3A_144 : i32 to vector<16xi32>
      %ne3A_146 = arith.cmpi ne, %get3A_135, %ne3A_145 : vector<16xi32>
      %get3A_147 = arith.index_cast %mul3A_134 : i32 to index
      %get3A_148 = tpu.vector_load %arg21[%get3A_147] {strides = array<i32>} : memref<4096xi32, #tpu.memory_space<vmem>>, vector<16xi32>,
      tpu.vector_store_idx %arg25[%min3A_143], %get3A_148 masked %ne3A_146 : memref<384xi32, #tpu.memory_space<vmem>>[vector<16xi32>], vector<16xi32>, vector<16xi1>
      %iota3A = tpu.iota {dimensions = array<i32: 0>} : vector<16xi32>
      %add3A_149 = vector.broadcast %mul3A_134 : i32 to vector<16xi32>
      %add3A_150 = arith.addi %iota3A, %add3A_149 : vector<16xi32>
      tpu.vector_store_idx %arg26[%min3A_143], %add3A_150 masked %ne3A_146 : memref<384xi32, #tpu.memory_space<vmem>>[vector<16xi32>], vector<16xi32>, vector<16xi1>
      %slice3A = vector.extract_strided_slice %masked_cumsum3A {offsets = [15], sizes = [1], strides = [1]} : vector<16xi32> to vector<1xi32>
      %squeeze3A = vector.extract %slice3A[0] : i32 from vector<1xi32>
      %add3A_151 = arith.addi %scan3A_132, %squeeze3A : i32
      scf.yield %add3A_151 : i32
    }
    %scan3A_123 = arith.constant 256 : i32
    %scan3A_124 = arith.constant 0 : i32
    %scan3A_125 = arith.constant 32 : i32
    %scan3A_126 = arith.addi %scan3A_124, %scan3A_125 : i32
    %scan3A_127 = arith.constant 1 : i32
    scf.for %scan3A_131 = %scan3A_124 to %scan3A_126 step %scan3A_127  : i32 {
      %mul3A_132 = arith.constant 32 : i32
      %mul3A_133 = arith.muli %arg0, %mul3A_132 : i32
      %add3A_134 = arith.addi %mul3A_133, %scan3A_131 : i32
      %lt3A = arith.constant 15 : i32
      %lt3A_135 = arith.cmpi slt, %arg1, %lt3A : i32
      %convert_element_type3A_136 = arith.extui %lt3A_135 : i1 to i32
      %cond3A_137 = arith.constant 0 : i32
      %cond3A_138 = arith.cmpi ne, %convert_element_type3A_136, %cond3A_137 : i32
      scf.if %cond3A_138 {
        "tpu.region"() ({
          %run_scoped3A = tpu.sem_alloc : memref<!tpu.dma_semaphore, #tpu.memory_space<semaphore_mem>>
          %dma_start3A = arith.constant 0 : i32
          %dma_start3A_162 = tpu.memref_slice %arg29[%dma_start3A] : memref<6432xf32, #tpu.memory_space<vmem>> -> memref<6400xf32, #tpu.memory_space<vmem>>
          %dma_start3A_163 = arith.constant 0 : i32
          %dma_start3A_164 = tpu.memref_slice %arg6[%add3A_134, %dma_start3A_163] : memref<64x100000xf32, #tpu.memory_space<hbm>> -> memref<1x100000xf32, #tpu.memory_space<hbm>>
          %dma_start3A_165 = tpu.memref_squeeze %dma_start3A_164 : memref<1x100000xf32, #tpu.memory_space<hbm>> -> memref<100000xf32, #tpu.memory_space<hbm>>
          %dma_start3A_166 = tpu.memref_slice %dma_start3A_165[%multiple_of3A_47] : memref<100000xf32, #tpu.memory_space<hbm>> -> memref<6400xf32, #tpu.memory_space<hbm>>
          %dma_start3A_167 = arith.constant 0 : i32
          %dma_start3A_168 = tpu.memref_slice %arg29[%dma_start3A_167] : memref<6432xf32, #tpu.memory_space<vmem>> -> memref<6400xf32, #tpu.memory_space<vmem>>
          %dma_start3A_169 = arith.constant 0 : i32
          %dma_start3A_170 = tpu.memref_slice %arg6[%add3A_134, %dma_start3A_169] : memref<64x100000xf32, #tpu.memory_space<hbm>> -> memref<1x100000xf32, #tpu.memory_space<hbm>>
          %dma_start3A_171 = tpu.memref_squeeze %dma_start3A_170 : memref<1x100000xf32, #tpu.memory_space<hbm>> -> memref<100000xf32, #tpu.memory_space<hbm>>
          %dma_start3A_172 = tpu.memref_slice %dma_start3A_171[%multiple_of3A_47] : memref<100000xf32, #tpu.memory_space<hbm>> -> memref<6400xf32, #tpu.memory_space<hbm>>
          tpu.enqueue_dma source(%dma_start3A_172 : memref<6400xf32, #tpu.memory_space<hbm>>) target(%dma_start3A_168 : memref<6400xf32, #tpu.memory_space<vmem>>) target_semaphore(%run_scoped3A : memref<!tpu.dma_semaphore, #tpu.memory_space<semaphore_mem>>)
          %dma_wait3A = arith.constant 0 : i32
          %dma_wait3A_173 = tpu.memref_slice %arg29[%dma_wait3A] : memref<6432xf32, #tpu.memory_space<vmem>> -> memref<6400xf32, #tpu.memory_space<vmem>>
          %dma_wait3A_174 = arith.constant 0 : i32
          %dma_wait3A_175 = tpu.memref_slice %arg6[%add3A_134, %dma_wait3A_174] : memref<64x100000xf32, #tpu.memory_space<hbm>> -> memref<1x100000xf32, #tpu.memory_space<hbm>>
          %dma_wait3A_176 = tpu.memref_squeeze %dma_wait3A_175 : memref<1x100000xf32, #tpu.memory_space<hbm>> -> memref<100000xf32, #tpu.memory_space<hbm>>
          %dma_wait3A_177 = tpu.memref_slice %dma_wait3A_176[%multiple_of3A_47] : memref<100000xf32, #tpu.memory_space<hbm>> -> memref<6400xf32, #tpu.memory_space<hbm>>
          %dma_wait3A_178 = arith.constant 0 : i32
          %dma_wait3A_179 = tpu.memref_slice %arg29[%dma_wait3A_178] : memref<6432xf32, #tpu.memory_space<vmem>> -> memref<6400xf32, #tpu.memory_space<vmem>>
          %dma_wait3A_180 = arith.constant 0 : i32
          %dma_wait3A_181 = tpu.memref_slice %arg6[%add3A_134, %dma_wait3A_180] : memref<64x100000xf32, #tpu.memory_space<hbm>> -> memref<1x100000xf32, #tpu.memory_space<hbm>>
          %dma_wait3A_182 = tpu.memref_squeeze %dma_wait3A_181 : memref<1x100000xf32, #tpu.memory_space<hbm>> -> memref<100000xf32, #tpu.memory_space<hbm>>
          %dma_wait3A_183 = tpu.memref_slice %dma_wait3A_182[%multiple_of3A_47] : memref<100000xf32, #tpu.memory_space<hbm>> -> memref<6400xf32, #tpu.memory_space<hbm>>
          tpu.wait_dma2 semaphore(%run_scoped3A : memref<!tpu.dma_semaphore, #tpu.memory_space<semaphore_mem>>) src(%dma_wait3A_183 : memref<6400xf32, #tpu.memory_space<hbm>>) dst(%dma_wait3A_179 : memref<6400xf32, #tpu.memory_space<vmem>>)
          tpu.yield
        }) : () -> ()
      } else {
      }
      %eq3A_139 = arith.constant 15 : i32
      %eq3A_140 = arith.cmpi eq, %arg1, %eq3A_139 : i32
      %convert_element_type3A_141 = arith.extui %eq3A_140 : i1 to i32
      %cond3A_142 = arith.constant 0 : i32
      %cond3A_143 = arith.cmpi ne, %convert_element_type3A_141, %cond3A_142 : i32
      scf.if %cond3A_143 {
        "tpu.region"() ({
          %run_scoped3A = tpu.sem_alloc : memref<!tpu.dma_semaphore, #tpu.memory_space<semaphore_mem>>
          %dma_start3A = arith.constant 0 : i32
          %dma_start3A_162 = tpu.memref_slice %arg29[%dma_start3A] : memref<6432xf32, #tpu.memory_space<vmem>> -> memref<6272xf32, #tpu.memory_space<vmem>>
          %dma_start3A_163 = arith.constant 0 : i32
          %dma_start3A_164 = tpu.memref_slice %arg6[%add3A_134, %dma_start3A_163] : memref<64x100000xf32, #tpu.memory_space<hbm>> -> memref<1x100000xf32, #tpu.memory_space<hbm>>
          %dma_start3A_165 = tpu.memref_squeeze %dma_start3A_164 : memref<1x100000xf32, #tpu.memory_space<hbm>> -> memref<100000xf32, #tpu.memory_space<hbm>>
          %dma_start3A_166 = arith.constant 93696 : i32
          %dma_start3A_167 = tpu.memref_slice %dma_start3A_165[%dma_start3A_166] : memref<100000xf32, #tpu.memory_space<hbm>> -> memref<6272xf32, #tpu.memory_space<hbm>>
          %dma_start3A_168 = arith.constant 0 : i32
          %dma_start3A_169 = tpu.memref_slice %arg29[%dma_start3A_168] : memref<6432xf32, #tpu.memory_space<vmem>> -> memref<6272xf32, #tpu.memory_space<vmem>>
          %dma_start3A_170 = arith.constant 0 : i32
          %dma_start3A_171 = tpu.memref_slice %arg6[%add3A_134, %dma_start3A_170] : memref<64x100000xf32, #tpu.memory_space<hbm>> -> memref<1x100000xf32, #tpu.memory_space<hbm>>
          %dma_start3A_172 = tpu.memref_squeeze %dma_start3A_171 : memref<1x100000xf32, #tpu.memory_space<hbm>> -> memref<100000xf32, #tpu.memory_space<hbm>>
          %dma_start3A_173 = arith.constant 93696 : i32
          %dma_start3A_174 = tpu.memref_slice %dma_start3A_172[%dma_start3A_173] : memref<100000xf32, #tpu.memory_space<hbm>> -> memref<6272xf32, #tpu.memory_space<hbm>>
          tpu.enqueue_dma source(%dma_start3A_174 : memref<6272xf32, #tpu.memory_space<hbm>>) target(%dma_start3A_169 : memref<6272xf32, #tpu.memory_space<vmem>>) target_semaphore(%run_scoped3A : memref<!tpu.dma_semaphore, #tpu.memory_space<semaphore_mem>>)
          %dma_wait3A = arith.constant 0 : i32
          %dma_wait3A_175 = tpu.memref_slice %arg29[%dma_wait3A] : memref<6432xf32, #tpu.memory_space<vmem>> -> memref<6272xf32, #tpu.memory_space<vmem>>
          %dma_wait3A_176 = arith.constant 0 : i32
          %dma_wait3A_177 = tpu.memref_slice %arg6[%add3A_134, %dma_wait3A_176] : memref<64x100000xf32, #tpu.memory_space<hbm>> -> memref<1x100000xf32, #tpu.memory_space<hbm>>
          %dma_wait3A_178 = tpu.memref_squeeze %dma_wait3A_177 : memref<1x100000xf32, #tpu.memory_space<hbm>> -> memref<100000xf32, #tpu.memory_space<hbm>>
          %dma_wait3A_179 = arith.constant 93696 : i32
          %dma_wait3A_180 = tpu.memref_slice %dma_wait3A_178[%dma_wait3A_179] : memref<100000xf32, #tpu.memory_space<hbm>> -> memref<6272xf32, #tpu.memory_space<hbm>>
          %dma_wait3A_181 = arith.constant 0 : i32
          %dma_wait3A_182 = tpu.memref_slice %arg29[%dma_wait3A_181] : memref<6432xf32, #tpu.memory_space<vmem>> -> memref<6272xf32, #tpu.memory_space<vmem>>
          %dma_wait3A_183 = arith.constant 0 : i32
          %dma_wait3A_184 = tpu.memref_slice %arg6[%add3A_134, %dma_wait3A_183] : memref<64x100000xf32, #tpu.memory_space<hbm>> -> memref<1x100000xf32, #tpu.memory_space<hbm>>
          %dma_wait3A_185 = tpu.memref_squeeze %dma_wait3A_184 : memref<1x100000xf32, #tpu.memory_space<hbm>> -> memref<100000xf32, #tpu.memory_space<hbm>>
          %dma_wait3A_186 = arith.constant 93696 : i32
          %dma_wait3A_187 = tpu.memref_slice %dma_wait3A_185[%dma_wait3A_186] : memref<100000xf32, #tpu.memory_space<hbm>> -> memref<6272xf32, #tpu.memory_space<hbm>>
          tpu.wait_dma2 semaphore(%run_scoped3A : memref<!tpu.dma_semaphore, #tpu.memory_space<semaphore_mem>>) src(%dma_wait3A_187 : memref<6272xf32, #tpu.memory_space<hbm>>) dst(%dma_wait3A_182 : memref<6272xf32, #tpu.memory_space<vmem>>)
          tpu.yield
        }) : () -> ()
      } else {
      }
      %get3A = arith.index_cast %add3A_134 : i32 to index
      %get3A_144 = arith.constant 0 : index
      %get3A_145 = tpu.vector_load %arg31[%get3A, %get3A_144] {strides = array<i32>} : memref<64x32xf32, #tpu.memory_space<vmem>>, vector<16xf32>,
      %swap3A = arith.constant 6400 : index
      %swap3A_146 = tpu.vector_load %arg29[%swap3A] {strides = array<i32>} : memref<6432xf32, #tpu.memory_space<vmem>>, vector<16xf32>,
      tpu.vector_store %arg29[%swap3A], %get3A_145 {strides = array<i32>} : memref<6432xf32, #tpu.memory_space<vmem>>, vector<16xf32>,
      %get3A_147 = arith.index_cast %add3A_134 : i32 to index
      %get3A_148 = arith.constant 16 : index
      %get3A_149 = tpu.vector_load %arg31[%get3A_147, %get3A_148] {strides = array<i32>} : memref<64x32xf32, #tpu.memory_space<vmem>>, vector<16xf32>,
      %swap3A_150 = arith.constant 6416 : index
      %swap3A_151 = tpu.vector_load %arg29[%swap3A_150] {strides = array<i32>} : memref<6432xf32, #tpu.memory_space<vmem>>, vector<16xf32>,
      tpu.vector_store %arg29[%swap3A_150], %get3A_149 {strides = array<i32>} : memref<6432xf32, #tpu.memory_space<vmem>>, vector<16xf32>,
      %scan3A_152 = arith.constant 0 : i32
      %scan3A_153 = arith.constant 24 : i32
      %scan3A_154 = arith.addi %scan3A_152, %scan3A_153 : i32
      %scan3A_155 = arith.constant 1 : i32
      scf.for %scan3A_162 = %scan3A_152 to %scan3A_154 step %scan3A_155  : i32 {
        %mul3A_163 = arith.constant 16 : i32
        %mul3A_164 = arith.muli %scan3A_162, %mul3A_163 : i32
        %get3A_165 = arith.index_cast %mul3A_164 : i32 to index
        %get3A_166 = tpu.vector_load %arg23[%get3A_165] {strides = array<i32>} : memref<384xi32, #tpu.memory_space<vmem>>, vector<16xi32>,
        %gather3A = tpu.vector_load_idx %arg29[%get3A_166] : memref<6432xf32, #tpu.memory_space<vmem>>[vector<16xi32>], vector<16xf32>,
        %get3A_167 = arith.index_cast %mul3A_164 : i32 to index
        %get3A_168 = tpu.vector_load %arg24[%get3A_167] {strides = array<i32>} : memref<384xi32, #tpu.memory_space<vmem>>, vector<16xi32>,
        tpu.vector_store_idx %arg27[%get3A_168], %gather3A : memref<4112xf32, #tpu.memory_space<vmem>>[vector<16xi32>], vector<16xf32>,
      }
      %scan3A_156 = arith.constant 24 : i32
      "tpu.region"() ({
        %run_scoped3A = tpu.sem_alloc : memref<!tpu.dma_semaphore, #tpu.memory_space<semaphore_mem>>
        %dma_start3A = arith.constant 0 : i32
        %dma_start3A_162 = tpu.memref_slice %arg27[%dma_start3A] : memref<4112xf32, #tpu.memory_space<vmem>> -> memref<4096xf32, #tpu.memory_space<vmem>>
        %dma_start3A_163 = arith.constant 0 : i32
        %dma_start3A_164 = tpu.memref_slice %arg14[%add3A_134, %arg1, %dma_start3A_163] : memref<64x16x4096xf32, #tpu.memory_space<hbm>> -> memref<1x1x4096xf32, #tpu.memory_space<hbm>>
        %dma_start3A_165 = tpu.memref_squeeze %dma_start3A_164 : memref<1x1x4096xf32, #tpu.memory_space<hbm>> -> memref<4096xf32, #tpu.memory_space<hbm>>
        %dma_start3A_166 = arith.constant 0 : i32
        %dma_start3A_167 = tpu.memref_slice %arg14[%add3A_134, %arg1, %dma_start3A_166] : memref<64x16x4096xf32, #tpu.memory_space<hbm>> -> memref<1x1x4096xf32, #tpu.memory_space<hbm>>
        %dma_start3A_168 = tpu.memref_squeeze %dma_start3A_167 : memref<1x1x4096xf32, #tpu.memory_space<hbm>> -> memref<4096xf32, #tpu.memory_space<hbm>>
        %dma_start3A_169 = arith.constant 0 : i32
        %dma_start3A_170 = tpu.memref_slice %arg27[%dma_start3A_169] : memref<4112xf32, #tpu.memory_space<vmem>> -> memref<4096xf32, #tpu.memory_space<vmem>>
        tpu.enqueue_dma source(%dma_start3A_170 : memref<4096xf32, #tpu.memory_space<vmem>>) target(%dma_start3A_168 : memref<4096xf32, #tpu.memory_space<hbm>>) target_semaphore(%run_scoped3A : memref<!tpu.dma_semaphore, #tpu.memory_space<semaphore_mem>>)
        %dma_wait3A = arith.constant 0 : i32
        %dma_wait3A_171 = tpu.memref_slice %arg27[%dma_wait3A] : memref<4112xf32, #tpu.memory_space<vmem>> -> memref<4096xf32, #tpu.memory_space<vmem>>
        %dma_wait3A_172 = arith.constant 0 : i32
        %dma_wait3A_173 = tpu.memref_slice %arg14[%add3A_134, %arg1, %dma_wait3A_172] : memref<64x16x4096xf32, #tpu.memory_space<hbm>> -> memref<1x1x4096xf32, #tpu.memory_space<hbm>>
        %dma_wait3A_174 = tpu.memref_squeeze %dma_wait3A_173 : memref<1x1x4096xf32, #tpu.memory_space<hbm>> -> memref<4096xf32, #tpu.memory_space<hbm>>
        %dma_wait3A_175 = arith.constant 0 : i32
        %dma_wait3A_176 = tpu.memref_slice %arg14[%add3A_134, %arg1, %dma_wait3A_175] : memref<64x16x4096xf32, #tpu.memory_space<hbm>> -> memref<1x1x4096xf32, #tpu.memory_space<hbm>>
        %dma_wait3A_177 = tpu.memref_squeeze %dma_wait3A_176 : memref<1x1x4096xf32, #tpu.memory_space<hbm>> -> memref<4096xf32, #tpu.memory_space<hbm>>
        %dma_wait3A_178 = arith.constant 0 : i32
        %dma_wait3A_179 = tpu.memref_slice %arg27[%dma_wait3A_178] : memref<4112xf32, #tpu.memory_space<vmem>> -> memref<4096xf32, #tpu.memory_space<vmem>>
        tpu.wait_dma2 semaphore(%run_scoped3A : memref<!tpu.dma_semaphore, #tpu.memory_space<semaphore_mem>>) src(%dma_wait3A_179 : memref<4096xf32, #tpu.memory_space<vmem>>) dst(%dma_wait3A_177 : memref<4096xf32, #tpu.memory_space<hbm>>)
        tpu.yield
      }) : () -> ()
      %scan3A_157 = arith.constant 0 : i32
      %scan3A_158 = arith.constant 24 : i32
      %scan3A_159 = arith.addi %scan3A_157, %scan3A_158 : i32
      %scan3A_160 = arith.constant 1 : i32
      scf.for %scan3A_162 = %scan3A_157 to %scan3A_159 step %scan3A_160  : i32 {
        %mul3A_163 = arith.constant 16 : i32
        %mul3A_164 = arith.muli %scan3A_162, %mul3A_163 : i32
        %get3A_165 = arith.index_cast %mul3A_164 : i32 to index
        %get3A_166 = tpu.vector_load %arg25[%get3A_165] {strides = array<i32>} : memref<384xi32, #tpu.memory_space<vmem>>, vector<16xi32>,
        %gather3A = tpu.vector_load_idx %arg29[%get3A_166] : memref<6432xf32, #tpu.memory_space<vmem>>[vector<16xi32>], vector<16xf32>,
        %get3A_167 = arith.index_cast %mul3A_164 : i32 to index
        %get3A_168 = tpu.vector_load %arg26[%get3A_167] {strides = array<i32>} : memref<384xi32, #tpu.memory_space<vmem>>, vector<16xi32>,
        tpu.vector_store_idx %arg27[%get3A_168], %gather3A : memref<4112xf32, #tpu.memory_space<vmem>>[vector<16xi32>], vector<16xf32>,
      }
      %scan3A_161 = arith.constant 24 : i32
      "tpu.region"() ({
        %run_scoped3A = tpu.sem_alloc : memref<!tpu.dma_semaphore, #tpu.memory_space<semaphore_mem>>
        %dma_start3A = arith.constant 0 : i32
        %dma_start3A_162 = tpu.memref_slice %arg27[%dma_start3A] : memref<4112xf32, #tpu.memory_space<vmem>> -> memref<4096xf32, #tpu.memory_space<vmem>>
        %dma_start3A_163 = arith.constant 0 : i32
        %dma_start3A_164 = tpu.memref_slice %arg15[%add3A_134, %arg1, %dma_start3A_163] : memref<64x16x4096xf32, #tpu.memory_space<hbm>> -> memref<1x1x4096xf32, #tpu.memory_space<hbm>>
        %dma_start3A_165 = tpu.memref_squeeze %dma_start3A_164 : memref<1x1x4096xf32, #tpu.memory_space<hbm>> -> memref<4096xf32, #tpu.memory_space<hbm>>
        %dma_start3A_166 = arith.constant 0 : i32
        %dma_start3A_167 = tpu.memref_slice %arg15[%add3A_134, %arg1, %dma_start3A_166] : memref<64x16x4096xf32, #tpu.memory_space<hbm>> -> memref<1x1x4096xf32, #tpu.memory_space<hbm>>
        %dma_start3A_168 = tpu.memref_squeeze %dma_start3A_167 : memref<1x1x4096xf32, #tpu.memory_space<hbm>> -> memref<4096xf32, #tpu.memory_space<hbm>>
        %dma_start3A_169 = arith.constant 0 : i32
        %dma_start3A_170 = tpu.memref_slice %arg27[%dma_start3A_169] : memref<4112xf32, #tpu.memory_space<vmem>> -> memref<4096xf32, #tpu.memory_space<vmem>>
        tpu.enqueue_dma source(%dma_start3A_170 : memref<4096xf32, #tpu.memory_space<vmem>>) target(%dma_start3A_168 : memref<4096xf32, #tpu.memory_space<hbm>>) target_semaphore(%run_scoped3A : memref<!tpu.dma_semaphore, #tpu.memory_space<semaphore_mem>>)
        %dma_wait3A = arith.constant 0 : i32
        %dma_wait3A_171 = tpu.memref_slice %arg27[%dma_wait3A] : memref<4112xf32, #tpu.memory_space<vmem>> -> memref<4096xf32, #tpu.memory_space<vmem>>
        %dma_wait3A_172 = arith.constant 0 : i32
        %dma_wait3A_173 = tpu.memref_slice %arg15[%add3A_134, %arg1, %dma_wait3A_172] : memref<64x16x4096xf32, #tpu.memory_space<hbm>> -> memref<1x1x4096xf32, #tpu.memory_space<hbm>>
        %dma_wait3A_174 = tpu.memref_squeeze %dma_wait3A_173 : memref<1x1x4096xf32, #tpu.memory_space<hbm>> -> memref<4096xf32, #tpu.memory_space<hbm>>
        %dma_wait3A_175 = arith.constant 0 : i32
        %dma_wait3A_176 = tpu.memref_slice %arg15[%add3A_134, %arg1, %dma_wait3A_175] : memref<64x16x4096xf32, #tpu.memory_space<hbm>> -> memref<1x1x4096xf32, #tpu.memory_space<hbm>>
        %dma_wait3A_177 = tpu.memref_squeeze %dma_wait3A_176 : memref<1x1x4096xf32, #tpu.memory_space<hbm>> -> memref<4096xf32, #tpu.memory_space<hbm>>
        %dma_wait3A_178 = arith.constant 0 : i32
        %dma_wait3A_179 = tpu.memref_slice %arg27[%dma_wait3A_178] : memref<4112xf32, #tpu.memory_space<vmem>> -> memref<4096xf32, #tpu.memory_space<vmem>>
        tpu.wait_dma2 semaphore(%run_scoped3A : memref<!tpu.dma_semaphore, #tpu.memory_space<semaphore_mem>>) src(%dma_wait3A_179 : memref<4096xf32, #tpu.memory_space<vmem>>) dst(%dma_wait3A_177 : memref<4096xf32, #tpu.memory_space<hbm>>)
        tpu.yield
      }) : () -> ()
    }
    %scan3A_128 = arith.constant 32 : i32
    %eq3A = arith.constant 0 : i32
    %eq3A_129 = arith.cmpi eq, %arg0, %eq3A : i32
    %convert_element_type3A = arith.extui %eq3A_129 : i1 to i32
    %cond3A = arith.constant 0 : i32
    %cond3A_130 = arith.cmpi ne, %convert_element_type3A, %cond3A : i32
    scf.if %cond3A_130 {
      %lt3A = arith.constant 15 : i32
      %lt3A_131 = arith.cmpi slt, %arg1, %lt3A : i32
      %convert_element_type3A_132 = arith.extui %lt3A_131 : i1 to i32
      %cond3A_133 = arith.constant 0 : i32
      %cond3A_134 = arith.constant 0 : i32
      %cond3A_135 = arith.cmpi ne, %convert_element_type3A_132, %cond3A_134 : i32
      scf.if %cond3A_135 {
        "tpu.region"() ({
          %run_scoped3A = tpu.sem_alloc : memref<!tpu.dma_semaphore, #tpu.memory_space<semaphore_mem>>
          %dma_start3A = arith.constant 0 : i32
          %dma_start3A_162 = tpu.memref_slice %arg29[%dma_start3A] : memref<6432xf32, #tpu.memory_space<vmem>> -> memref<6400xf32, #tpu.memory_space<vmem>>
          %dma_start3A_163 = arith.constant 0 : i32
          %dma_start3A_164 = tpu.memref_slice %arg8[%cond3A_133, %dma_start3A_163] : memref<1x100000xf32, #tpu.memory_space<hbm>> -> memref<1x100000xf32, #tpu.memory_space<hbm>>
          %dma_start3A_165 = tpu.memref_squeeze %dma_start3A_164 : memref<1x100000xf32, #tpu.memory_space<hbm>> -> memref<100000xf32, #tpu.memory_space<hbm>>
          %dma_start3A_166 = tpu.memref_slice %dma_start3A_165[%multiple_of3A_47] : memref<100000xf32, #tpu.memory_space<hbm>> -> memref<6400xf32, #tpu.memory_space<hbm>>
          %dma_start3A_167 = arith.constant 0 : i32
          %dma_start3A_168 = tpu.memref_slice %arg29[%dma_start3A_167] : memref<6432xf32, #tpu.memory_space<vmem>> -> memref<6400xf32, #tpu.memory_space<vmem>>
          %dma_start3A_169 = arith.constant 0 : i32
          %dma_start3A_170 = tpu.memref_slice %arg8[%cond3A_133, %dma_start3A_169] : memref<1x100000xf32, #tpu.memory_space<hbm>> -> memref<1x100000xf32, #tpu.memory_space<hbm>>
          %dma_start3A_171 = tpu.memref_squeeze %dma_start3A_170 : memref<1x100000xf32, #tpu.memory_space<hbm>> -> memref<100000xf32, #tpu.memory_space<hbm>>
          %dma_start3A_172 = tpu.memref_slice %dma_start3A_171[%multiple_of3A_47] : memref<100000xf32, #tpu.memory_space<hbm>> -> memref<6400xf32, #tpu.memory_space<hbm>>
          tpu.enqueue_dma source(%dma_start3A_172 : memref<6400xf32, #tpu.memory_space<hbm>>) target(%dma_start3A_168 : memref<6400xf32, #tpu.memory_space<vmem>>) target_semaphore(%run_scoped3A : memref<!tpu.dma_semaphore, #tpu.memory_space<semaphore_mem>>)
          %dma_wait3A = arith.constant 0 : i32
          %dma_wait3A_173 = tpu.memref_slice %arg29[%dma_wait3A] : memref<6432xf32, #tpu.memory_space<vmem>> -> memref<6400xf32, #tpu.memory_space<vmem>>
          %dma_wait3A_174 = arith.constant 0 : i32
          %dma_wait3A_175 = tpu.memref_slice %arg8[%cond3A_133, %dma_wait3A_174] : memref<1x100000xf32, #tpu.memory_space<hbm>> -> memref<1x100000xf32, #tpu.memory_space<hbm>>
          %dma_wait3A_176 = tpu.memref_squeeze %dma_wait3A_175 : memref<1x100000xf32, #tpu.memory_space<hbm>> -> memref<100000xf32, #tpu.memory_space<hbm>>
          %dma_wait3A_177 = tpu.memref_slice %dma_wait3A_176[%multiple_of3A_47] : memref<100000xf32, #tpu.memory_space<hbm>> -> memref<6400xf32, #tpu.memory_space<hbm>>
          %dma_wait3A_178 = arith.constant 0 : i32
          %dma_wait3A_179 = tpu.memref_slice %arg29[%dma_wait3A_178] : memref<6432xf32, #tpu.memory_space<vmem>> -> memref<6400xf32, #tpu.memory_space<vmem>>
          %dma_wait3A_180 = arith.constant 0 : i32
          %dma_wait3A_181 = tpu.memref_slice %arg8[%cond3A_133, %dma_wait3A_180] : memref<1x100000xf32, #tpu.memory_space<hbm>> -> memref<1x100000xf32, #tpu.memory_space<hbm>>
          %dma_wait3A_182 = tpu.memref_squeeze %dma_wait3A_181 : memref<1x100000xf32, #tpu.memory_space<hbm>> -> memref<100000xf32, #tpu.memory_space<hbm>>
          %dma_wait3A_183 = tpu.memref_slice %dma_wait3A_182[%multiple_of3A_47] : memref<100000xf32, #tpu.memory_space<hbm>> -> memref<6400xf32, #tpu.memory_space<hbm>>
          tpu.wait_dma2 semaphore(%run_scoped3A : memref<!tpu.dma_semaphore, #tpu.memory_space<semaphore_mem>>) src(%dma_wait3A_183 : memref<6400xf32, #tpu.memory_space<hbm>>) dst(%dma_wait3A_179 : memref<6400xf32, #tpu.memory_space<vmem>>)
          tpu.yield
        }) : () -> ()
      } else {
      }
      %eq3A_136 = arith.constant 15 : i32
      %eq3A_137 = arith.cmpi eq, %arg1, %eq3A_136 : i32
      %convert_element_type3A_138 = arith.extui %eq3A_137 : i1 to i32
      %cond3A_139 = arith.constant 0 : i32
      %cond3A_140 = arith.constant 0 : i32
      %cond3A_141 = arith.cmpi ne, %convert_element_type3A_138, %cond3A_140 : i32
      scf.if %cond3A_141 {
        "tpu.region"() ({
          %run_scoped3A = tpu.sem_alloc : memref<!tpu.dma_semaphore, #tpu.memory_space<semaphore_mem>>
          %dma_start3A = arith.constant 0 : i32
          %dma_start3A_162 = tpu.memref_slice %arg29[%dma_start3A] : memref<6432xf32, #tpu.memory_space<vmem>> -> memref<6272xf32, #tpu.memory_space<vmem>>
          %dma_start3A_163 = arith.constant 0 : i32
          %dma_start3A_164 = tpu.memref_slice %arg8[%cond3A_139, %dma_start3A_163] : memref<1x100000xf32, #tpu.memory_space<hbm>> -> memref<1x100000xf32, #tpu.memory_space<hbm>>
          %dma_start3A_165 = tpu.memref_squeeze %dma_start3A_164 : memref<1x100000xf32, #tpu.memory_space<hbm>> -> memref<100000xf32, #tpu.memory_space<hbm>>
          %dma_start3A_166 = arith.constant 93696 : i32
          %dma_start3A_167 = tpu.memref_slice %dma_start3A_165[%dma_start3A_166] : memref<100000xf32, #tpu.memory_space<hbm>> -> memref<6272xf32, #tpu.memory_space<hbm>>
          %dma_start3A_168 = arith.constant 0 : i32
          %dma_start3A_169 = tpu.memref_slice %arg29[%dma_start3A_168] : memref<6432xf32, #tpu.memory_space<vmem>> -> memref<6272xf32, #tpu.memory_space<vmem>>
          %dma_start3A_170 = arith.constant 0 : i32
          %dma_start3A_171 = tpu.memref_slice %arg8[%cond3A_139, %dma_start3A_170] : memref<1x100000xf32, #tpu.memory_space<hbm>> -> memref<1x100000xf32, #tpu.memory_space<hbm>>
          %dma_start3A_172 = tpu.memref_squeeze %dma_start3A_171 : memref<1x100000xf32, #tpu.memory_space<hbm>> -> memref<100000xf32, #tpu.memory_space<hbm>>
          %dma_start3A_173 = arith.constant 93696 : i32
          %dma_start3A_174 = tpu.memref_slice %dma_start3A_172[%dma_start3A_173] : memref<100000xf32, #tpu.memory_space<hbm>> -> memref<6272xf32, #tpu.memory_space<hbm>>
          tpu.enqueue_dma source(%dma_start3A_174 : memref<6272xf32, #tpu.memory_space<hbm>>) target(%dma_start3A_169 : memref<6272xf32, #tpu.memory_space<vmem>>) target_semaphore(%run_scoped3A : memref<!tpu.dma_semaphore, #tpu.memory_space<semaphore_mem>>)
          %dma_wait3A = arith.constant 0 : i32
          %dma_wait3A_175 = tpu.memref_slice %arg29[%dma_wait3A] : memref<6432xf32, #tpu.memory_space<vmem>> -> memref<6272xf32, #tpu.memory_space<vmem>>
          %dma_wait3A_176 = arith.constant 0 : i32
          %dma_wait3A_177 = tpu.memref_slice %arg8[%cond3A_139, %dma_wait3A_176] : memref<1x100000xf32, #tpu.memory_space<hbm>> -> memref<1x100000xf32, #tpu.memory_space<hbm>>
          %dma_wait3A_178 = tpu.memref_squeeze %dma_wait3A_177 : memref<1x100000xf32, #tpu.memory_space<hbm>> -> memref<100000xf32, #tpu.memory_space<hbm>>
          %dma_wait3A_179 = arith.constant 93696 : i32
          %dma_wait3A_180 = tpu.memref_slice %dma_wait3A_178[%dma_wait3A_179] : memref<100000xf32, #tpu.memory_space<hbm>> -> memref<6272xf32, #tpu.memory_space<hbm>>
          %dma_wait3A_181 = arith.constant 0 : i32
          %dma_wait3A_182 = tpu.memref_slice %arg29[%dma_wait3A_181] : memref<6432xf32, #tpu.memory_space<vmem>> -> memref<6272xf32, #tpu.memory_space<vmem>>
          %dma_wait3A_183 = arith.constant 0 : i32
          %dma_wait3A_184 = tpu.memref_slice %arg8[%cond3A_139, %dma_wait3A_183] : memref<1x100000xf32, #tpu.memory_space<hbm>> -> memref<1x100000xf32, #tpu.memory_space<hbm>>
          %dma_wait3A_185 = tpu.memref_squeeze %dma_wait3A_184 : memref<1x100000xf32, #tpu.memory_space<hbm>> -> memref<100000xf32, #tpu.memory_space<hbm>>
          %dma_wait3A_186 = arith.constant 93696 : i32
          %dma_wait3A_187 = tpu.memref_slice %dma_wait3A_185[%dma_wait3A_186] : memref<100000xf32, #tpu.memory_space<hbm>> -> memref<6272xf32, #tpu.memory_space<hbm>>
          tpu.wait_dma2 semaphore(%run_scoped3A : memref<!tpu.dma_semaphore, #tpu.memory_space<semaphore_mem>>) src(%dma_wait3A_187 : memref<6272xf32, #tpu.memory_space<hbm>>) dst(%dma_wait3A_182 : memref<6272xf32, #tpu.memory_space<vmem>>)
          tpu.yield
        }) : () -> ()
      } else {
      }
      %get3A = arith.constant 0 : i32
      %get3A_142 = arith.index_cast %get3A : i32 to index
      %get3A_143 = arith.constant 0 : index
      %get3A_144 = tpu.vector_load %arg32[%get3A_142, %get3A_143] {strides = array<i32>} : memref<1x32xf32, #tpu.memory_space<vmem>>, vector<16xf32>,
      %swap3A = arith.constant 6400 : index
      %swap3A_145 = tpu.vector_load %arg29[%swap3A] {strides = array<i32>} : memref<6432xf32, #tpu.memory_space<vmem>>, vector<16xf32>,
      tpu.vector_store %arg29[%swap3A], %get3A_144 {strides = array<i32>} : memref<6432xf32, #tpu.memory_space<vmem>>, vector<16xf32>,
      %get3A_146 = arith.constant 0 : i32
      %get3A_147 = arith.index_cast %get3A_146 : i32 to index
      %get3A_148 = arith.constant 16 : index
      %get3A_149 = tpu.vector_load %arg32[%get3A_147, %get3A_148] {strides = array<i32>} : memref<1x32xf32, #tpu.memory_space<vmem>>, vector<16xf32>,
      %swap3A_150 = arith.constant 6416 : index
      %swap3A_151 = tpu.vector_load %arg29[%swap3A_150] {strides = array<i32>} : memref<6432xf32, #tpu.memory_space<vmem>>, vector<16xf32>,
      tpu.vector_store %arg29[%swap3A_150], %get3A_149 {strides = array<i32>} : memref<6432xf32, #tpu.memory_space<vmem>>, vector<16xf32>,
      %scan3A_152 = arith.constant 0 : i32
      %scan3A_153 = arith.constant 24 : i32
      %scan3A_154 = arith.addi %scan3A_152, %scan3A_153 : i32
      %scan3A_155 = arith.constant 1 : i32
      scf.for %scan3A_162 = %scan3A_152 to %scan3A_154 step %scan3A_155  : i32 {
        %mul3A_163 = arith.constant 16 : i32
        %mul3A_164 = arith.muli %scan3A_162, %mul3A_163 : i32
        %get3A_165 = arith.index_cast %mul3A_164 : i32 to index
        %get3A_166 = tpu.vector_load %arg23[%get3A_165] {strides = array<i32>} : memref<384xi32, #tpu.memory_space<vmem>>, vector<16xi32>,
        %gather3A = tpu.vector_load_idx %arg29[%get3A_166] : memref<6432xf32, #tpu.memory_space<vmem>>[vector<16xi32>], vector<16xf32>,
        %get3A_167 = arith.index_cast %mul3A_164 : i32 to index
        %get3A_168 = tpu.vector_load %arg24[%get3A_167] {strides = array<i32>} : memref<384xi32, #tpu.memory_space<vmem>>, vector<16xi32>,
        tpu.vector_store_idx %arg27[%get3A_168], %gather3A : memref<4112xf32, #tpu.memory_space<vmem>>[vector<16xi32>], vector<16xf32>,
      }
      %scan3A_156 = arith.constant 24 : i32
      "tpu.region"() ({
        %run_scoped3A = tpu.sem_alloc : memref<!tpu.dma_semaphore, #tpu.memory_space<semaphore_mem>>
        %dma_start3A = arith.constant 0 : i32
        %dma_start3A_162 = tpu.memref_slice %arg27[%dma_start3A] : memref<4112xf32, #tpu.memory_space<vmem>> -> memref<4096xf32, #tpu.memory_space<vmem>>
        %dma_start3A_163 = arith.constant 0 : i32
        %dma_start3A_164 = tpu.memref_slice %arg16[%arg1, %dma_start3A_163] : memref<16x4096xf32, #tpu.memory_space<hbm>> -> memref<1x4096xf32, #tpu.memory_space<hbm>>
        %dma_start3A_165 = tpu.memref_squeeze %dma_start3A_164 : memref<1x4096xf32, #tpu.memory_space<hbm>> -> memref<4096xf32, #tpu.memory_space<hbm>>
        %dma_start3A_166 = arith.constant 0 : i32
        %dma_start3A_167 = tpu.memref_slice %arg16[%arg1, %dma_start3A_166] : memref<16x4096xf32, #tpu.memory_space<hbm>> -> memref<1x4096xf32, #tpu.memory_space<hbm>>
        %dma_start3A_168 = tpu.memref_squeeze %dma_start3A_167 : memref<1x4096xf32, #tpu.memory_space<hbm>> -> memref<4096xf32, #tpu.memory_space<hbm>>
        %dma_start3A_169 = arith.constant 0 : i32
        %dma_start3A_170 = tpu.memref_slice %arg27[%dma_start3A_169] : memref<4112xf32, #tpu.memory_space<vmem>> -> memref<4096xf32, #tpu.memory_space<vmem>>
        tpu.enqueue_dma source(%dma_start3A_170 : memref<4096xf32, #tpu.memory_space<vmem>>) target(%dma_start3A_168 : memref<4096xf32, #tpu.memory_space<hbm>>) target_semaphore(%run_scoped3A : memref<!tpu.dma_semaphore, #tpu.memory_space<semaphore_mem>>)
        %dma_wait3A = arith.constant 0 : i32
        %dma_wait3A_171 = tpu.memref_slice %arg27[%dma_wait3A] : memref<4112xf32, #tpu.memory_space<vmem>> -> memref<4096xf32, #tpu.memory_space<vmem>>
        %dma_wait3A_172 = arith.constant 0 : i32
        %dma_wait3A_173 = tpu.memref_slice %arg16[%arg1, %dma_wait3A_172] : memref<16x4096xf32, #tpu.memory_space<hbm>> -> memref<1x4096xf32, #tpu.memory_space<hbm>>
        %dma_wait3A_174 = tpu.memref_squeeze %dma_wait3A_173 : memref<1x4096xf32, #tpu.memory_space<hbm>> -> memref<4096xf32, #tpu.memory_space<hbm>>
        %dma_wait3A_175 = arith.constant 0 : i32
        %dma_wait3A_176 = tpu.memref_slice %arg16[%arg1, %dma_wait3A_175] : memref<16x4096xf32, #tpu.memory_space<hbm>> -> memref<1x4096xf32, #tpu.memory_space<hbm>>
        %dma_wait3A_177 = tpu.memref_squeeze %dma_wait3A_176 : memref<1x4096xf32, #tpu.memory_space<hbm>> -> memref<4096xf32, #tpu.memory_space<hbm>>
        %dma_wait3A_178 = arith.constant 0 : i32
        %dma_wait3A_179 = tpu.memref_slice %arg27[%dma_wait3A_178] : memref<4112xf32, #tpu.memory_space<vmem>> -> memref<4096xf32, #tpu.memory_space<vmem>>
        tpu.wait_dma2 semaphore(%run_scoped3A : memref<!tpu.dma_semaphore, #tpu.memory_space<semaphore_mem>>) src(%dma_wait3A_179 : memref<4096xf32, #tpu.memory_space<vmem>>) dst(%dma_wait3A_177 : memref<4096xf32, #tpu.memory_space<hbm>>)
        tpu.yield
      }) : () -> ()
      %scan3A_157 = arith.constant 0 : i32
      %scan3A_158 = arith.constant 24 : i32
      %scan3A_159 = arith.addi %scan3A_157, %scan3A_158 : i32
      %scan3A_160 = arith.constant 1 : i32
      scf.for %scan3A_162 = %scan3A_157 to %scan3A_159 step %scan3A_160  : i32 {
        %mul3A_163 = arith.constant 16 : i32
        %mul3A_164 = arith.muli %scan3A_162, %mul3A_163 : i32
        %get3A_165 = arith.index_cast %mul3A_164 : i32 to index
        %get3A_166 = tpu.vector_load %arg25[%get3A_165] {strides = array<i32>} : memref<384xi32, #tpu.memory_space<vmem>>, vector<16xi32>,
        %gather3A = tpu.vector_load_idx %arg29[%get3A_166] : memref<6432xf32, #tpu.memory_space<vmem>>[vector<16xi32>], vector<16xf32>,
        %get3A_167 = arith.index_cast %mul3A_164 : i32 to index
        %get3A_168 = tpu.vector_load %arg26[%get3A_167] {strides = array<i32>} : memref<384xi32, #tpu.memory_space<vmem>>, vector<16xi32>,
        tpu.vector_store_idx %arg27[%get3A_168], %gather3A : memref<4112xf32, #tpu.memory_space<vmem>>[vector<16xi32>], vector<16xf32>,
      }
      %scan3A_161 = arith.constant 24 : i32
      "tpu.region"() ({
        %run_scoped3A = tpu.sem_alloc : memref<!tpu.dma_semaphore, #tpu.memory_space<semaphore_mem>>
        %dma_start3A = arith.constant 0 : i32
        %dma_start3A_162 = tpu.memref_slice %arg27[%dma_start3A] : memref<4112xf32, #tpu.memory_space<vmem>> -> memref<4096xf32, #tpu.memory_space<vmem>>
        %dma_start3A_163 = arith.constant 0 : i32
        %dma_start3A_164 = tpu.memref_slice %arg17[%arg1, %dma_start3A_163] : memref<16x4096xf32, #tpu.memory_space<hbm>> -> memref<1x4096xf32, #tpu.memory_space<hbm>>
        %dma_start3A_165 = tpu.memref_squeeze %dma_start3A_164 : memref<1x4096xf32, #tpu.memory_space<hbm>> -> memref<4096xf32, #tpu.memory_space<hbm>>
        %dma_start3A_166 = arith.constant 0 : i32
        %dma_start3A_167 = tpu.memref_slice %arg17[%arg1, %dma_start3A_166] : memref<16x4096xf32, #tpu.memory_space<hbm>> -> memref<1x4096xf32, #tpu.memory_space<hbm>>
        %dma_start3A_168 = tpu.memref_squeeze %dma_start3A_167 : memref<1x4096xf32, #tpu.memory_space<hbm>> -> memref<4096xf32, #tpu.memory_space<hbm>>
        %dma_start3A_169 = arith.constant 0 : i32
        %dma_start3A_170 = tpu.memref_slice %arg27[%dma_start3A_169] : memref<4112xf32, #tpu.memory_space<vmem>> -> memref<4096xf32, #tpu.memory_space<vmem>>
        tpu.enqueue_dma source(%dma_start3A_170 : memref<4096xf32, #tpu.memory_space<vmem>>) target(%dma_start3A_168 : memref<4096xf32, #tpu.memory_space<hbm>>) target_semaphore(%run_scoped3A : memref<!tpu.dma_semaphore, #tpu.memory_space<semaphore_mem>>)
        %dma_wait3A = arith.constant 0 : i32
        %dma_wait3A_171 = tpu.memref_slice %arg27[%dma_wait3A] : memref<4112xf32, #tpu.memory_space<vmem>> -> memref<4096xf32, #tpu.memory_space<vmem>>
        %dma_wait3A_172 = arith.constant 0 : i32
        %dma_wait3A_173 = tpu.memref_slice %arg17[%arg1, %dma_wait3A_172] : memref<16x4096xf32, #tpu.memory_space<hbm>> -> memref<1x4096xf32, #tpu.memory_space<hbm>>
        %dma_wait3A_174 = tpu.memref_squeeze %dma_wait3A_173 : memref<1x4096xf32, #tpu.memory_space<hbm>> -> memref<4096xf32, #tpu.memory_space<hbm>>
        %dma_wait3A_175 = arith.constant 0 : i32
        %dma_wait3A_176 = tpu.memref_slice %arg17[%arg1, %dma_wait3A_175] : memref<16x4096xf32, #tpu.memory_space<hbm>> -> memref<1x4096xf32, #tpu.memory_space<hbm>>
        %dma_wait3A_177 = tpu.memref_squeeze %dma_wait3A_176 : memref<1x4096xf32, #tpu.memory_space<hbm>> -> memref<4096xf32, #tpu.memory_space<hbm>>
        %dma_wait3A_178 = arith.constant 0 : i32
        %dma_wait3A_179 = tpu.memref_slice %arg27[%dma_wait3A_178] : memref<4112xf32, #tpu.memory_space<vmem>> -> memref<4096xf32, #tpu.memory_space<vmem>>
        tpu.wait_dma2 semaphore(%run_scoped3A : memref<!tpu.dma_semaphore, #tpu.memory_space<semaphore_mem>>) src(%dma_wait3A_179 : memref<4096xf32, #tpu.memory_space<vmem>>) dst(%dma_wait3A_177 : memref<4096xf32, #tpu.memory_space<hbm>>)
        tpu.yield
      }) : () -> ()
    } else {
    }
    return
  }
}

module attributes {stable_mosaic.version = 14 : i64} {
  func.func @_tc_bcast_body(%arg0: i32, %arg1: memref<512x1xf32, #tpu.memory_space<vmem>>, %arg2: memref<4096xf32, #tpu.memory_space<vmem>>, %arg3: memref<512x4096xf32, #tpu.memory_space<vmem>>) attributes {dimension_semantics = [#tpu.dimension_semantics<arbitrary>], iteration_bounds = array<i64: 8>, scalar_prefetch = 0 : i64, scratch_operands = 0 : i64, tpu.core_type = #tpu.core_type<tc>, window_params = [{transform_indices = @transform_0, window_bounds = array<i64: 512, 1>}, {pipeline_mode = #tpu.pipeline_mode<synchronous>, transform_indices = @transform_1, window_bounds = array<i64: 4096>}, {transform_indices = @transform_2, window_bounds = array<i64: 512, 4096>}]} {
    %get3A = arith.constant 0 : index
    %get3A_0 = arith.constant 0 : index
    %get3A_1 = vector.load %arg1[%get3A, %get3A_0] : memref<512x1xf32, #tpu.memory_space<vmem>>, vector<512x1xf32>
    %get3A_2 = arith.constant 0 : index
    %get3A_3 = vector.load %arg2[%get3A_2] : memref<4096xf32, #tpu.memory_space<vmem>>, vector<4096xf32>
    %broadcast_in_dim3A = vector.shape_cast %get3A_3 : vector<4096xf32> to vector<1x4096xf32>
    %add3A = vector.broadcast %get3A_1 : vector<512x1xf32> to vector<512x4096xf32>
    %add3A_4 = vector.broadcast %broadcast_in_dim3A : vector<1x4096xf32> to vector<512x4096xf32>
    %add3A_5 = arith.addf %add3A, %add3A_4 : vector<512x4096xf32>
    %swap3A = arith.constant 0 : index
    %swap3A_6 = arith.constant 0 : index
    %swap3A_7 = vector.load %arg3[%swap3A, %swap3A_6] : memref<512x4096xf32, #tpu.memory_space<vmem>>, vector<512x4096xf32>
    tpu.vector_store %arg3[%swap3A, %swap3A_6], %add3A_5 {strides = array<i32>} : memref<512x4096xf32, #tpu.memory_space<vmem>>, vector<512x4096xf32>,
    return
  }
  func.func @transform_0(%arg0: i32) -> (i32, i32) {
    %c0_i32 = arith.constant 0 : i32
    %c0_i32_0 = arith.constant 0 : i32
    return %arg0, %c0_i32 : i32, i32
  }
  func.func @transform_1(%arg0: i32) -> i32 {
    %c0_i32 = arith.constant 0 : i32
    %c0_i32_0 = arith.constant 0 : i32
    return %c0_i32 : i32
  }
  func.func @transform_2(%arg0: i32) -> (i32, i32) {
    %c0_i32 = arith.constant 0 : i32
    %c0_i32_0 = arith.constant 0 : i32
    return %arg0, %c0_i32 : i32, i32
  }
}

module attributes {stable_mosaic.version = 14 : i64} {
  func.func @_tc_merge_body(%arg0: i32, %arg1: memref<64x16x512xf32, #tpu.memory_space<vmem>>, %arg2: memref<64x16x512xf32, #tpu.memory_space<vmem>>, %arg3: memref<64x16x512xf32, #tpu.memory_space<vmem>>, %arg4: memref<64x16x512xf32, #tpu.memory_space<vmem>>, %arg5: memref<16x512xf32, #tpu.memory_space<vmem>>, %arg6: memref<16x512xf32, #tpu.memory_space<vmem>>, %arg7: memref<1x512xf32, #tpu.memory_space<vmem>>, %arg8: memref<1x512xf32, #tpu.memory_space<vmem>>, %arg9: memref<1x512xf32, #tpu.memory_space<vmem>>, %arg10: memref<512x512xf32, #tpu.memory_space<vmem>>, %arg11: memref<512x512xf32, #tpu.memory_space<vmem>>, %arg12: memref<512x64xf32, #tpu.memory_space<vmem>>, %arg13: memref<512x1xf32, #tpu.memory_space<vmem>>, %arg14: memref<512xf32, #tpu.memory_space<vmem>>, %arg15: memref<512x1xf32, #tpu.memory_space<vmem>>) attributes {dimension_semantics = [#tpu.dimension_semantics<arbitrary>], iteration_bounds = array<i64: 8>, scalar_prefetch = 0 : i64, scratch_operands = 0 : i64, tpu.core_type = #tpu.core_type<tc>, window_params = [{transform_indices = @transform_0, window_bounds = array<i64: 64, 16, 512>}, {transform_indices = @transform_1, window_bounds = array<i64: 64, 16, 512>}, {transform_indices = @transform_2, window_bounds = array<i64: 64, 16, 512>}, {transform_indices = @transform_3, window_bounds = array<i64: 64, 16, 512>}, {transform_indices = @transform_4, window_bounds = array<i64: 16, 512>}, {transform_indices = @transform_5, window_bounds = array<i64: 16, 512>}, {transform_indices = @transform_6, window_bounds = array<i64: 1, 512>}, {transform_indices = @transform_7, window_bounds = array<i64: 1, 512>}, {transform_indices = @transform_8, window_bounds = array<i64: 1, 512>}, {transform_indices = @transform_9, window_bounds = array<i64: 512, 512>}, {transform_indices = @transform_10, window_bounds = array<i64: 512, 512>}, {pipeline_mode = #tpu.pipeline_mode<synchronous>, transform_indices = @transform_11, window_bounds = array<i64: 512, 64>}, {pipeline_mode = #tpu.pipeline_mode<synchronous>, transform_indices = @transform_12, window_bounds = array<i64: 512, 1>}, {transform_indices = @transform_13, window_bounds = array<i64: 512>}, {transform_indices = @transform_14, window_bounds = array<i64: 512, 1>}]} {
    %get3A = arith.constant 0 : index
    %get3A_0 = arith.constant 0 : index
    %get3A_1 = vector.load %arg7[%get3A, %get3A_0] : memref<1x512xf32, #tpu.memory_space<vmem>>, vector<1x512xf32>
    %get3A_2 = arith.constant 0 : index
    %get3A_3 = arith.constant 0 : index
    %get3A_4 = vector.load %arg8[%get3A_2, %get3A_3] : memref<1x512xf32, #tpu.memory_space<vmem>>, vector<1x512xf32>
    %get3A_5 = arith.constant 0 : index
    %get3A_6 = arith.constant 0 : index
    %get3A_7 = vector.load %arg9[%get3A_5, %get3A_6] : memref<1x512xf32, #tpu.memory_space<vmem>>, vector<1x512xf32>
    %broadcast_in_dim3A = arith.constant 0.000000e+00 : f32
    %broadcast_in_dim3A_8 = vector.broadcast %broadcast_in_dim3A : f32 to vector<64x512xf32>
    %broadcast_in_dim3A_9 = arith.constant 0.000000e+00 : f32
    %broadcast_in_dim3A_10 = vector.broadcast %broadcast_in_dim3A_9 : f32 to vector<1x512xf32>
    %eq3A = arith.constant 0.000000e+00 : f32
    %eq3A_11 = vector.broadcast %eq3A : f32 to vector<1x512xf32>
    %eq3A_12 = arith.cmpf oeq, %get3A_1, %eq3A_11 : vector<1x512xf32>
    %get3A_13 = arith.constant 0 : index
    %get3A_14 = arith.constant 0 : index
    %get3A_15 = arith.constant 0 : index
    %get3A_16 = vector.load %arg1[%get3A_13, %get3A_14, %get3A_15] : memref<64x16x512xf32, #tpu.memory_space<vmem>>, vector<64x1x512xf32>
    %get3A_17 = vector.shape_cast %get3A_16 : vector<64x1x512xf32> to vector<64x512xf32>
    %jit3A = arith.constant 0.000000e+00 : f32
    %broadcast_in_dim3A_18 = vector.shape_cast %eq3A_12 : vector<1x512xi1> to vector<1x512xi1>
    %broadcast_in_dim3A_19 = vector.broadcast %broadcast_in_dim3A_18 : vector<1x512xi1> to vector<64x512xi1>
    %broadcast_in_dim3A_20 = vector.broadcast %jit3A : f32 to vector<64x512xf32>
    %select_n3A = arith.select %broadcast_in_dim3A_19, %get3A_17, %broadcast_in_dim3A_20 : vector<64x512xi1>, vector<64x512xf32>
    %add3A = arith.addf %broadcast_in_dim3A_8, %select_n3A : vector<64x512xf32>
    %eq3A_21 = arith.constant 0.000000e+00 : f32
    %eq3A_22 = vector.broadcast %eq3A_21 : f32 to vector<1x512xf32>
    %eq3A_23 = arith.cmpf oeq, %get3A_1, %eq3A_22 : vector<1x512xf32>
    %get3A_24 = arith.constant 0 : index
    %get3A_25 = arith.constant 0 : index
    %get3A_26 = arith.constant 0 : index
    %get3A_27 = vector.load %arg2[%get3A_24, %get3A_25, %get3A_26] : memref<64x16x512xf32, #tpu.memory_space<vmem>>, vector<64x1x512xf32>
    %get3A_28 = vector.shape_cast %get3A_27 : vector<64x1x512xf32> to vector<64x512xf32>
    %jit3A_29 = arith.constant 0.000000e+00 : f32
    %broadcast_in_dim3A_30 = vector.shape_cast %eq3A_23 : vector<1x512xi1> to vector<1x512xi1>
    %broadcast_in_dim3A_31 = vector.broadcast %broadcast_in_dim3A_30 : vector<1x512xi1> to vector<64x512xi1>
    %broadcast_in_dim3A_32 = vector.broadcast %jit3A_29 : f32 to vector<64x512xf32>
    %select_n3A_33 = arith.select %broadcast_in_dim3A_31, %get3A_28, %broadcast_in_dim3A_32 : vector<64x512xi1>, vector<64x512xf32>
    %add3A_34 = arith.addf %broadcast_in_dim3A_8, %select_n3A_33 : vector<64x512xf32>
    %eq3A_35 = arith.constant 0.000000e+00 : f32
    %eq3A_36 = vector.broadcast %eq3A_35 : f32 to vector<1x512xf32>
    %eq3A_37 = arith.cmpf oeq, %get3A_4, %eq3A_36 : vector<1x512xf32>
    %get3A_38 = arith.constant 0 : index
    %get3A_39 = arith.constant 0 : index
    %get3A_40 = arith.constant 0 : index
    %get3A_41 = vector.load %arg3[%get3A_38, %get3A_39, %get3A_40] : memref<64x16x512xf32, #tpu.memory_space<vmem>>, vector<64x1x512xf32>
    %get3A_42 = vector.shape_cast %get3A_41 : vector<64x1x512xf32> to vector<64x512xf32>
    %jit3A_43 = arith.constant 0.000000e+00 : f32
    %broadcast_in_dim3A_44 = vector.shape_cast %eq3A_37 : vector<1x512xi1> to vector<1x512xi1>
    %broadcast_in_dim3A_45 = vector.broadcast %broadcast_in_dim3A_44 : vector<1x512xi1> to vector<64x512xi1>
    %broadcast_in_dim3A_46 = vector.broadcast %jit3A_43 : f32 to vector<64x512xf32>
    %select_n3A_47 = arith.select %broadcast_in_dim3A_45, %get3A_42, %broadcast_in_dim3A_46 : vector<64x512xi1>, vector<64x512xf32>
    %add3A_48 = arith.addf %broadcast_in_dim3A_8, %select_n3A_47 : vector<64x512xf32>
    %eq3A_49 = arith.constant 0.000000e+00 : f32
    %eq3A_50 = vector.broadcast %eq3A_49 : f32 to vector<1x512xf32>
    %eq3A_51 = arith.cmpf oeq, %get3A_7, %eq3A_50 : vector<1x512xf32>
    %get3A_52 = arith.constant 0 : index
    %get3A_53 = arith.constant 0 : index
    %get3A_54 = arith.constant 0 : index
    %get3A_55 = vector.load %arg4[%get3A_52, %get3A_53, %get3A_54] : memref<64x16x512xf32, #tpu.memory_space<vmem>>, vector<64x1x512xf32>
    %get3A_56 = vector.shape_cast %get3A_55 : vector<64x1x512xf32> to vector<64x512xf32>
    %jit3A_57 = arith.constant 0.000000e+00 : f32
    %broadcast_in_dim3A_58 = vector.shape_cast %eq3A_51 : vector<1x512xi1> to vector<1x512xi1>
    %broadcast_in_dim3A_59 = vector.broadcast %broadcast_in_dim3A_58 : vector<1x512xi1> to vector<64x512xi1>
    %broadcast_in_dim3A_60 = vector.broadcast %jit3A_57 : f32 to vector<64x512xf32>
    %select_n3A_61 = arith.select %broadcast_in_dim3A_59, %get3A_56, %broadcast_in_dim3A_60 : vector<64x512xi1>, vector<64x512xf32>
    %sub3A = arith.subf %add3A_48, %select_n3A_61 : vector<64x512xf32>
    %eq3A_62 = arith.constant 0.000000e+00 : f32
    %eq3A_63 = vector.broadcast %eq3A_62 : f32 to vector<1x512xf32>
    %eq3A_64 = arith.cmpf oeq, %get3A_4, %eq3A_63 : vector<1x512xf32>
    %get3A_65 = arith.constant 0 : index
    %get3A_66 = arith.constant 0 : index
    %get3A_67 = vector.load %arg5[%get3A_65, %get3A_66] : memref<16x512xf32, #tpu.memory_space<vmem>>, vector<1x512xf32>
    %jit3A_68 = arith.constant 0.000000e+00 : f32
    %broadcast_in_dim3A_69 = vector.broadcast %jit3A_68 : f32 to vector<1x512xf32>
    %select_n3A_70 = arith.select %eq3A_64, %get3A_67, %broadcast_in_dim3A_69 : vector<1x512xi1>, vector<1x512xf32>
    %add3A_71 = arith.addf %broadcast_in_dim3A_10, %select_n3A_70 : vector<1x512xf32>
    %eq3A_72 = arith.constant 0.000000e+00 : f32
    %eq3A_73 = vector.broadcast %eq3A_72 : f32 to vector<1x512xf32>
    %eq3A_74 = arith.cmpf oeq, %get3A_7, %eq3A_73 : vector<1x512xf32>
    %get3A_75 = arith.constant 0 : index
    %get3A_76 = arith.constant 0 : index
    %get3A_77 = vector.load %arg6[%get3A_75, %get3A_76] : memref<16x512xf32, #tpu.memory_space<vmem>>, vector<1x512xf32>
    %jit3A_78 = arith.constant 0.000000e+00 : f32
    %broadcast_in_dim3A_79 = vector.broadcast %jit3A_78 : f32 to vector<1x512xf32>
    %select_n3A_80 = arith.select %eq3A_74, %get3A_77, %broadcast_in_dim3A_79 : vector<1x512xi1>, vector<1x512xf32>
    %add3A_81 = arith.addf %broadcast_in_dim3A_10, %select_n3A_80 : vector<1x512xf32>
    %eq3A_82 = arith.constant 1.000000e+00 : f32
    %eq3A_83 = vector.broadcast %eq3A_82 : f32 to vector<1x512xf32>
    %eq3A_84 = arith.cmpf oeq, %get3A_1, %eq3A_83 : vector<1x512xf32>
    %get3A_85 = arith.constant 0 : index
    %get3A_86 = arith.constant 1 : index
    %get3A_87 = arith.constant 0 : index
    %get3A_88 = vector.load %arg1[%get3A_85, %get3A_86, %get3A_87] : memref<64x16x512xf32, #tpu.memory_space<vmem>>, vector<64x1x512xf32>
    %get3A_89 = vector.shape_cast %get3A_88 : vector<64x1x512xf32> to vector<64x512xf32>
    %jit3A_90 = arith.constant 0.000000e+00 : f32
    %broadcast_in_dim3A_91 = vector.shape_cast %eq3A_84 : vector<1x512xi1> to vector<1x512xi1>
    %broadcast_in_dim3A_92 = vector.broadcast %broadcast_in_dim3A_91 : vector<1x512xi1> to vector<64x512xi1>
    %broadcast_in_dim3A_93 = vector.broadcast %jit3A_90 : f32 to vector<64x512xf32>
    %select_n3A_94 = arith.select %broadcast_in_dim3A_92, %get3A_89, %broadcast_in_dim3A_93 : vector<64x512xi1>, vector<64x512xf32>
    %add3A_95 = arith.addf %add3A, %select_n3A_94 : vector<64x512xf32>
    %eq3A_96 = arith.constant 1.000000e+00 : f32
    %eq3A_97 = vector.broadcast %eq3A_96 : f32 to vector<1x512xf32>
    %eq3A_98 = arith.cmpf oeq, %get3A_1, %eq3A_97 : vector<1x512xf32>
    %get3A_99 = arith.constant 0 : index
    %get3A_100 = arith.constant 1 : index
    %get3A_101 = arith.constant 0 : index
    %get3A_102 = vector.load %arg2[%get3A_99, %get3A_100, %get3A_101] : memref<64x16x512xf32, #tpu.memory_space<vmem>>, vector<64x1x512xf32>
    %get3A_103 = vector.shape_cast %get3A_102 : vector<64x1x512xf32> to vector<64x512xf32>
    %jit3A_104 = arith.constant 0.000000e+00 : f32
    %broadcast_in_dim3A_105 = vector.shape_cast %eq3A_98 : vector<1x512xi1> to vector<1x512xi1>
    %broadcast_in_dim3A_106 = vector.broadcast %broadcast_in_dim3A_105 : vector<1x512xi1> to vector<64x512xi1>
    %broadcast_in_dim3A_107 = vector.broadcast %jit3A_104 : f32 to vector<64x512xf32>
    %select_n3A_108 = arith.select %broadcast_in_dim3A_106, %get3A_103, %broadcast_in_dim3A_107 : vector<64x512xi1>, vector<64x512xf32>
    %add3A_109 = arith.addf %add3A_34, %select_n3A_108 : vector<64x512xf32>
    %eq3A_110 = arith.constant 1.000000e+00 : f32
    %eq3A_111 = vector.broadcast %eq3A_110 : f32 to vector<1x512xf32>
    %eq3A_112 = arith.cmpf oeq, %get3A_4, %eq3A_111 : vector<1x512xf32>
    %get3A_113 = arith.constant 0 : index
    %get3A_114 = arith.constant 1 : index
    %get3A_115 = arith.constant 0 : index
    %get3A_116 = vector.load %arg3[%get3A_113, %get3A_114, %get3A_115] : memref<64x16x512xf32, #tpu.memory_space<vmem>>, vector<64x1x512xf32>
    %get3A_117 = vector.shape_cast %get3A_116 : vector<64x1x512xf32> to vector<64x512xf32>
    %jit3A_118 = arith.constant 0.000000e+00 : f32
    %broadcast_in_dim3A_119 = vector.shape_cast %eq3A_112 : vector<1x512xi1> to vector<1x512xi1>
    %broadcast_in_dim3A_120 = vector.broadcast %broadcast_in_dim3A_119 : vector<1x512xi1> to vector<64x512xi1>
    %broadcast_in_dim3A_121 = vector.broadcast %jit3A_118 : f32 to vector<64x512xf32>
    %select_n3A_122 = arith.select %broadcast_in_dim3A_120, %get3A_117, %broadcast_in_dim3A_121 : vector<64x512xi1>, vector<64x512xf32>
    %add3A_123 = arith.addf %sub3A, %select_n3A_122 : vector<64x512xf32>
    %eq3A_124 = arith.constant 1.000000e+00 : f32
    %eq3A_125 = vector.broadcast %eq3A_124 : f32 to vector<1x512xf32>
    %eq3A_126 = arith.cmpf oeq, %get3A_7, %eq3A_125 : vector<1x512xf32>
    %get3A_127 = arith.constant 0 : index
    %get3A_128 = arith.constant 1 : index
    %get3A_129 = arith.constant 0 : index
    %get3A_130 = vector.load %arg4[%get3A_127, %get3A_128, %get3A_129] : memref<64x16x512xf32, #tpu.memory_space<vmem>>, vector<64x1x512xf32>
    %get3A_131 = vector.shape_cast %get3A_130 : vector<64x1x512xf32> to vector<64x512xf32>
    %jit3A_132 = arith.constant 0.000000e+00 : f32
    %broadcast_in_dim3A_133 = vector.shape_cast %eq3A_126 : vector<1x512xi1> to vector<1x512xi1>
    %broadcast_in_dim3A_134 = vector.broadcast %broadcast_in_dim3A_133 : vector<1x512xi1> to vector<64x512xi1>
    %broadcast_in_dim3A_135 = vector.broadcast %jit3A_132 : f32 to vector<64x512xf32>
    %select_n3A_136 = arith.select %broadcast_in_dim3A_134, %get3A_131, %broadcast_in_dim3A_135 : vector<64x512xi1>, vector<64x512xf32>
    %sub3A_137 = arith.subf %add3A_123, %select_n3A_136 : vector<64x512xf32>
    %eq3A_138 = arith.constant 1.000000e+00 : f32
    %eq3A_139 = vector.broadcast %eq3A_138 : f32 to vector<1x512xf32>
    %eq3A_140 = arith.cmpf oeq, %get3A_4, %eq3A_139 : vector<1x512xf32>
    %get3A_141 = arith.constant 1 : index
    %get3A_142 = arith.constant 0 : index
    %get3A_143 = vector.load %arg5[%get3A_141, %get3A_142] : memref<16x512xf32, #tpu.memory_space<vmem>>, vector<1x512xf32>
    %jit3A_144 = arith.constant 0.000000e+00 : f32
    %broadcast_in_dim3A_145 = vector.broadcast %jit3A_144 : f32 to vector<1x512xf32>
    %select_n3A_146 = arith.select %eq3A_140, %get3A_143, %broadcast_in_dim3A_145 : vector<1x512xi1>, vector<1x512xf32>
    %add3A_147 = arith.addf %add3A_71, %select_n3A_146 : vector<1x512xf32>
    %eq3A_148 = arith.constant 1.000000e+00 : f32
    %eq3A_149 = vector.broadcast %eq3A_148 : f32 to vector<1x512xf32>
    %eq3A_150 = arith.cmpf oeq, %get3A_7, %eq3A_149 : vector<1x512xf32>
    %get3A_151 = arith.constant 1 : index
    %get3A_152 = arith.constant 0 : index
    %get3A_153 = vector.load %arg6[%get3A_151, %get3A_152] : memref<16x512xf32, #tpu.memory_space<vmem>>, vector<1x512xf32>
    %jit3A_154 = arith.constant 0.000000e+00 : f32
    %broadcast_in_dim3A_155 = vector.broadcast %jit3A_154 : f32 to vector<1x512xf32>
    %select_n3A_156 = arith.select %eq3A_150, %get3A_153, %broadcast_in_dim3A_155 : vector<1x512xi1>, vector<1x512xf32>
    %add3A_157 = arith.addf %add3A_81, %select_n3A_156 : vector<1x512xf32>
    %eq3A_158 = arith.constant 2.000000e+00 : f32
    %eq3A_159 = vector.broadcast %eq3A_158 : f32 to vector<1x512xf32>
    %eq3A_160 = arith.cmpf oeq, %get3A_1, %eq3A_159 : vector<1x512xf32>
    %get3A_161 = arith.constant 0 : index
    %get3A_162 = arith.constant 2 : index
    %get3A_163 = arith.constant 0 : index
    %get3A_164 = vector.load %arg1[%get3A_161, %get3A_162, %get3A_163] : memref<64x16x512xf32, #tpu.memory_space<vmem>>, vector<64x1x512xf32>
    %get3A_165 = vector.shape_cast %get3A_164 : vector<64x1x512xf32> to vector<64x512xf32>
    %jit3A_166 = arith.constant 0.000000e+00 : f32
    %broadcast_in_dim3A_167 = vector.shape_cast %eq3A_160 : vector<1x512xi1> to vector<1x512xi1>
    %broadcast_in_dim3A_168 = vector.broadcast %broadcast_in_dim3A_167 : vector<1x512xi1> to vector<64x512xi1>
    %broadcast_in_dim3A_169 = vector.broadcast %jit3A_166 : f32 to vector<64x512xf32>
    %select_n3A_170 = arith.select %broadcast_in_dim3A_168, %get3A_165, %broadcast_in_dim3A_169 : vector<64x512xi1>, vector<64x512xf32>
    %add3A_171 = arith.addf %add3A_95, %select_n3A_170 : vector<64x512xf32>
    %eq3A_172 = arith.constant 2.000000e+00 : f32
    %eq3A_173 = vector.broadcast %eq3A_172 : f32 to vector<1x512xf32>
    %eq3A_174 = arith.cmpf oeq, %get3A_1, %eq3A_173 : vector<1x512xf32>
    %get3A_175 = arith.constant 0 : index
    %get3A_176 = arith.constant 2 : index
    %get3A_177 = arith.constant 0 : index
    %get3A_178 = vector.load %arg2[%get3A_175, %get3A_176, %get3A_177] : memref<64x16x512xf32, #tpu.memory_space<vmem>>, vector<64x1x512xf32>
    %get3A_179 = vector.shape_cast %get3A_178 : vector<64x1x512xf32> to vector<64x512xf32>
    %jit3A_180 = arith.constant 0.000000e+00 : f32
    %broadcast_in_dim3A_181 = vector.shape_cast %eq3A_174 : vector<1x512xi1> to vector<1x512xi1>
    %broadcast_in_dim3A_182 = vector.broadcast %broadcast_in_dim3A_181 : vector<1x512xi1> to vector<64x512xi1>
    %broadcast_in_dim3A_183 = vector.broadcast %jit3A_180 : f32 to vector<64x512xf32>
    %select_n3A_184 = arith.select %broadcast_in_dim3A_182, %get3A_179, %broadcast_in_dim3A_183 : vector<64x512xi1>, vector<64x512xf32>
    %add3A_185 = arith.addf %add3A_109, %select_n3A_184 : vector<64x512xf32>
    %eq3A_186 = arith.constant 2.000000e+00 : f32
    %eq3A_187 = vector.broadcast %eq3A_186 : f32 to vector<1x512xf32>
    %eq3A_188 = arith.cmpf oeq, %get3A_4, %eq3A_187 : vector<1x512xf32>
    %get3A_189 = arith.constant 0 : index
    %get3A_190 = arith.constant 2 : index
    %get3A_191 = arith.constant 0 : index
    %get3A_192 = vector.load %arg3[%get3A_189, %get3A_190, %get3A_191] : memref<64x16x512xf32, #tpu.memory_space<vmem>>, vector<64x1x512xf32>
    %get3A_193 = vector.shape_cast %get3A_192 : vector<64x1x512xf32> to vector<64x512xf32>
    %jit3A_194 = arith.constant 0.000000e+00 : f32
    %broadcast_in_dim3A_195 = vector.shape_cast %eq3A_188 : vector<1x512xi1> to vector<1x512xi1>
    %broadcast_in_dim3A_196 = vector.broadcast %broadcast_in_dim3A_195 : vector<1x512xi1> to vector<64x512xi1>
    %broadcast_in_dim3A_197 = vector.broadcast %jit3A_194 : f32 to vector<64x512xf32>
    %select_n3A_198 = arith.select %broadcast_in_dim3A_196, %get3A_193, %broadcast_in_dim3A_197 : vector<64x512xi1>, vector<64x512xf32>
    %add3A_199 = arith.addf %sub3A_137, %select_n3A_198 : vector<64x512xf32>
    %eq3A_200 = arith.constant 2.000000e+00 : f32
    %eq3A_201 = vector.broadcast %eq3A_200 : f32 to vector<1x512xf32>
    %eq3A_202 = arith.cmpf oeq, %get3A_7, %eq3A_201 : vector<1x512xf32>
    %get3A_203 = arith.constant 0 : index
    %get3A_204 = arith.constant 2 : index
    %get3A_205 = arith.constant 0 : index
    %get3A_206 = vector.load %arg4[%get3A_203, %get3A_204, %get3A_205] : memref<64x16x512xf32, #tpu.memory_space<vmem>>, vector<64x1x512xf32>
    %get3A_207 = vector.shape_cast %get3A_206 : vector<64x1x512xf32> to vector<64x512xf32>
    %jit3A_208 = arith.constant 0.000000e+00 : f32
    %broadcast_in_dim3A_209 = vector.shape_cast %eq3A_202 : vector<1x512xi1> to vector<1x512xi1>
    %broadcast_in_dim3A_210 = vector.broadcast %broadcast_in_dim3A_209 : vector<1x512xi1> to vector<64x512xi1>
    %broadcast_in_dim3A_211 = vector.broadcast %jit3A_208 : f32 to vector<64x512xf32>
    %select_n3A_212 = arith.select %broadcast_in_dim3A_210, %get3A_207, %broadcast_in_dim3A_211 : vector<64x512xi1>, vector<64x512xf32>
    %sub3A_213 = arith.subf %add3A_199, %select_n3A_212 : vector<64x512xf32>
    %eq3A_214 = arith.constant 2.000000e+00 : f32
    %eq3A_215 = vector.broadcast %eq3A_214 : f32 to vector<1x512xf32>
    %eq3A_216 = arith.cmpf oeq, %get3A_4, %eq3A_215 : vector<1x512xf32>
    %get3A_217 = arith.constant 2 : index
    %get3A_218 = arith.constant 0 : index
    %get3A_219 = vector.load %arg5[%get3A_217, %get3A_218] : memref<16x512xf32, #tpu.memory_space<vmem>>, vector<1x512xf32>
    %jit3A_220 = arith.constant 0.000000e+00 : f32
    %broadcast_in_dim3A_221 = vector.broadcast %jit3A_220 : f32 to vector<1x512xf32>
    %select_n3A_222 = arith.select %eq3A_216, %get3A_219, %broadcast_in_dim3A_221 : vector<1x512xi1>, vector<1x512xf32>
    %add3A_223 = arith.addf %add3A_147, %select_n3A_222 : vector<1x512xf32>
    %eq3A_224 = arith.constant 2.000000e+00 : f32
    %eq3A_225 = vector.broadcast %eq3A_224 : f32 to vector<1x512xf32>
    %eq3A_226 = arith.cmpf oeq, %get3A_7, %eq3A_225 : vector<1x512xf32>
    %get3A_227 = arith.constant 2 : index
    %get3A_228 = arith.constant 0 : index
    %get3A_229 = vector.load %arg6[%get3A_227, %get3A_228] : memref<16x512xf32, #tpu.memory_space<vmem>>, vector<1x512xf32>
    %jit3A_230 = arith.constant 0.000000e+00 : f32
    %broadcast_in_dim3A_231 = vector.broadcast %jit3A_230 : f32 to vector<1x512xf32>
    %select_n3A_232 = arith.select %eq3A_226, %get3A_229, %broadcast_in_dim3A_231 : vector<1x512xi1>, vector<1x512xf32>
    %add3A_233 = arith.addf %add3A_157, %select_n3A_232 : vector<1x512xf32>
    %eq3A_234 = arith.constant 3.000000e+00 : f32
    %eq3A_235 = vector.broadcast %eq3A_234 : f32 to vector<1x512xf32>
    %eq3A_236 = arith.cmpf oeq, %get3A_1, %eq3A_235 : vector<1x512xf32>
    %get3A_237 = arith.constant 0 : index
    %get3A_238 = arith.constant 3 : index
    %get3A_239 = arith.constant 0 : index
    %get3A_240 = vector.load %arg1[%get3A_237, %get3A_238, %get3A_239] : memref<64x16x512xf32, #tpu.memory_space<vmem>>, vector<64x1x512xf32>
    %get3A_241 = vector.shape_cast %get3A_240 : vector<64x1x512xf32> to vector<64x512xf32>
    %jit3A_242 = arith.constant 0.000000e+00 : f32
    %broadcast_in_dim3A_243 = vector.shape_cast %eq3A_236 : vector<1x512xi1> to vector<1x512xi1>
    %broadcast_in_dim3A_244 = vector.broadcast %broadcast_in_dim3A_243 : vector<1x512xi1> to vector<64x512xi1>
    %broadcast_in_dim3A_245 = vector.broadcast %jit3A_242 : f32 to vector<64x512xf32>
    %select_n3A_246 = arith.select %broadcast_in_dim3A_244, %get3A_241, %broadcast_in_dim3A_245 : vector<64x512xi1>, vector<64x512xf32>
    %add3A_247 = arith.addf %add3A_171, %select_n3A_246 : vector<64x512xf32>
    %eq3A_248 = arith.constant 3.000000e+00 : f32
    %eq3A_249 = vector.broadcast %eq3A_248 : f32 to vector<1x512xf32>
    %eq3A_250 = arith.cmpf oeq, %get3A_1, %eq3A_249 : vector<1x512xf32>
    %get3A_251 = arith.constant 0 : index
    %get3A_252 = arith.constant 3 : index
    %get3A_253 = arith.constant 0 : index
    %get3A_254 = vector.load %arg2[%get3A_251, %get3A_252, %get3A_253] : memref<64x16x512xf32, #tpu.memory_space<vmem>>, vector<64x1x512xf32>
    %get3A_255 = vector.shape_cast %get3A_254 : vector<64x1x512xf32> to vector<64x512xf32>
    %jit3A_256 = arith.constant 0.000000e+00 : f32
    %broadcast_in_dim3A_257 = vector.shape_cast %eq3A_250 : vector<1x512xi1> to vector<1x512xi1>
    %broadcast_in_dim3A_258 = vector.broadcast %broadcast_in_dim3A_257 : vector<1x512xi1> to vector<64x512xi1>
    %broadcast_in_dim3A_259 = vector.broadcast %jit3A_256 : f32 to vector<64x512xf32>
    %select_n3A_260 = arith.select %broadcast_in_dim3A_258, %get3A_255, %broadcast_in_dim3A_259 : vector<64x512xi1>, vector<64x512xf32>
    %add3A_261 = arith.addf %add3A_185, %select_n3A_260 : vector<64x512xf32>
    %eq3A_262 = arith.constant 3.000000e+00 : f32
    %eq3A_263 = vector.broadcast %eq3A_262 : f32 to vector<1x512xf32>
    %eq3A_264 = arith.cmpf oeq, %get3A_4, %eq3A_263 : vector<1x512xf32>
    %get3A_265 = arith.constant 0 : index
    %get3A_266 = arith.constant 3 : index
    %get3A_267 = arith.constant 0 : index
    %get3A_268 = vector.load %arg3[%get3A_265, %get3A_266, %get3A_267] : memref<64x16x512xf32, #tpu.memory_space<vmem>>, vector<64x1x512xf32>
    %get3A_269 = vector.shape_cast %get3A_268 : vector<64x1x512xf32> to vector<64x512xf32>
    %jit3A_270 = arith.constant 0.000000e+00 : f32
    %broadcast_in_dim3A_271 = vector.shape_cast %eq3A_264 : vector<1x512xi1> to vector<1x512xi1>
    %broadcast_in_dim3A_272 = vector.broadcast %broadcast_in_dim3A_271 : vector<1x512xi1> to vector<64x512xi1>
    %broadcast_in_dim3A_273 = vector.broadcast %jit3A_270 : f32 to vector<64x512xf32>
    %select_n3A_274 = arith.select %broadcast_in_dim3A_272, %get3A_269, %broadcast_in_dim3A_273 : vector<64x512xi1>, vector<64x512xf32>
    %add3A_275 = arith.addf %sub3A_213, %select_n3A_274 : vector<64x512xf32>
    %eq3A_276 = arith.constant 3.000000e+00 : f32
    %eq3A_277 = vector.broadcast %eq3A_276 : f32 to vector<1x512xf32>
    %eq3A_278 = arith.cmpf oeq, %get3A_7, %eq3A_277 : vector<1x512xf32>
    %get3A_279 = arith.constant 0 : index
    %get3A_280 = arith.constant 3 : index
    %get3A_281 = arith.constant 0 : index
    %get3A_282 = vector.load %arg4[%get3A_279, %get3A_280, %get3A_281] : memref<64x16x512xf32, #tpu.memory_space<vmem>>, vector<64x1x512xf32>
    %get3A_283 = vector.shape_cast %get3A_282 : vector<64x1x512xf32> to vector<64x512xf32>
    %jit3A_284 = arith.constant 0.000000e+00 : f32
    %broadcast_in_dim3A_285 = vector.shape_cast %eq3A_278 : vector<1x512xi1> to vector<1x512xi1>
    %broadcast_in_dim3A_286 = vector.broadcast %broadcast_in_dim3A_285 : vector<1x512xi1> to vector<64x512xi1>
    %broadcast_in_dim3A_287 = vector.broadcast %jit3A_284 : f32 to vector<64x512xf32>
    %select_n3A_288 = arith.select %broadcast_in_dim3A_286, %get3A_283, %broadcast_in_dim3A_287 : vector<64x512xi1>, vector<64x512xf32>
    %sub3A_289 = arith.subf %add3A_275, %select_n3A_288 : vector<64x512xf32>
    %eq3A_290 = arith.constant 3.000000e+00 : f32
    %eq3A_291 = vector.broadcast %eq3A_290 : f32 to vector<1x512xf32>
    %eq3A_292 = arith.cmpf oeq, %get3A_4, %eq3A_291 : vector<1x512xf32>
    %get3A_293 = arith.constant 3 : index
    %get3A_294 = arith.constant 0 : index
    %get3A_295 = vector.load %arg5[%get3A_293, %get3A_294] : memref<16x512xf32, #tpu.memory_space<vmem>>, vector<1x512xf32>
    %jit3A_296 = arith.constant 0.000000e+00 : f32
    %broadcast_in_dim3A_297 = vector.broadcast %jit3A_296 : f32 to vector<1x512xf32>
    %select_n3A_298 = arith.select %eq3A_292, %get3A_295, %broadcast_in_dim3A_297 : vector<1x512xi1>, vector<1x512xf32>
    %add3A_299 = arith.addf %add3A_223, %select_n3A_298 : vector<1x512xf32>
    %eq3A_300 = arith.constant 3.000000e+00 : f32
    %eq3A_301 = vector.broadcast %eq3A_300 : f32 to vector<1x512xf32>
    %eq3A_302 = arith.cmpf oeq, %get3A_7, %eq3A_301 : vector<1x512xf32>
    %get3A_303 = arith.constant 3 : index
    %get3A_304 = arith.constant 0 : index
    %get3A_305 = vector.load %arg6[%get3A_303, %get3A_304] : memref<16x512xf32, #tpu.memory_space<vmem>>, vector<1x512xf32>
    %jit3A_306 = arith.constant 0.000000e+00 : f32
    %broadcast_in_dim3A_307 = vector.broadcast %jit3A_306 : f32 to vector<1x512xf32>
    %select_n3A_308 = arith.select %eq3A_302, %get3A_305, %broadcast_in_dim3A_307 : vector<1x512xi1>, vector<1x512xf32>
    %add3A_309 = arith.addf %add3A_233, %select_n3A_308 : vector<1x512xf32>
    %eq3A_310 = arith.constant 4.000000e+00 : f32
    %eq3A_311 = vector.broadcast %eq3A_310 : f32 to vector<1x512xf32>
    %eq3A_312 = arith.cmpf oeq, %get3A_1, %eq3A_311 : vector<1x512xf32>
    %get3A_313 = arith.constant 0 : index
    %get3A_314 = arith.constant 4 : index
    %get3A_315 = arith.constant 0 : index
    %get3A_316 = vector.load %arg1[%get3A_313, %get3A_314, %get3A_315] : memref<64x16x512xf32, #tpu.memory_space<vmem>>, vector<64x1x512xf32>
    %get3A_317 = vector.shape_cast %get3A_316 : vector<64x1x512xf32> to vector<64x512xf32>
    %jit3A_318 = arith.constant 0.000000e+00 : f32
    %broadcast_in_dim3A_319 = vector.shape_cast %eq3A_312 : vector<1x512xi1> to vector<1x512xi1>
    %broadcast_in_dim3A_320 = vector.broadcast %broadcast_in_dim3A_319 : vector<1x512xi1> to vector<64x512xi1>
    %broadcast_in_dim3A_321 = vector.broadcast %jit3A_318 : f32 to vector<64x512xf32>
    %select_n3A_322 = arith.select %broadcast_in_dim3A_320, %get3A_317, %broadcast_in_dim3A_321 : vector<64x512xi1>, vector<64x512xf32>
    %add3A_323 = arith.addf %add3A_247, %select_n3A_322 : vector<64x512xf32>
    %eq3A_324 = arith.constant 4.000000e+00 : f32
    %eq3A_325 = vector.broadcast %eq3A_324 : f32 to vector<1x512xf32>
    %eq3A_326 = arith.cmpf oeq, %get3A_1, %eq3A_325 : vector<1x512xf32>
    %get3A_327 = arith.constant 0 : index
    %get3A_328 = arith.constant 4 : index
    %get3A_329 = arith.constant 0 : index
    %get3A_330 = vector.load %arg2[%get3A_327, %get3A_328, %get3A_329] : memref<64x16x512xf32, #tpu.memory_space<vmem>>, vector<64x1x512xf32>
    %get3A_331 = vector.shape_cast %get3A_330 : vector<64x1x512xf32> to vector<64x512xf32>
    %jit3A_332 = arith.constant 0.000000e+00 : f32
    %broadcast_in_dim3A_333 = vector.shape_cast %eq3A_326 : vector<1x512xi1> to vector<1x512xi1>
    %broadcast_in_dim3A_334 = vector.broadcast %broadcast_in_dim3A_333 : vector<1x512xi1> to vector<64x512xi1>
    %broadcast_in_dim3A_335 = vector.broadcast %jit3A_332 : f32 to vector<64x512xf32>
    %select_n3A_336 = arith.select %broadcast_in_dim3A_334, %get3A_331, %broadcast_in_dim3A_335 : vector<64x512xi1>, vector<64x512xf32>
    %add3A_337 = arith.addf %add3A_261, %select_n3A_336 : vector<64x512xf32>
    %eq3A_338 = arith.constant 4.000000e+00 : f32
    %eq3A_339 = vector.broadcast %eq3A_338 : f32 to vector<1x512xf32>
    %eq3A_340 = arith.cmpf oeq, %get3A_4, %eq3A_339 : vector<1x512xf32>
    %get3A_341 = arith.constant 0 : index
    %get3A_342 = arith.constant 4 : index
    %get3A_343 = arith.constant 0 : index
    %get3A_344 = vector.load %arg3[%get3A_341, %get3A_342, %get3A_343] : memref<64x16x512xf32, #tpu.memory_space<vmem>>, vector<64x1x512xf32>
    %get3A_345 = vector.shape_cast %get3A_344 : vector<64x1x512xf32> to vector<64x512xf32>
    %jit3A_346 = arith.constant 0.000000e+00 : f32
    %broadcast_in_dim3A_347 = vector.shape_cast %eq3A_340 : vector<1x512xi1> to vector<1x512xi1>
    %broadcast_in_dim3A_348 = vector.broadcast %broadcast_in_dim3A_347 : vector<1x512xi1> to vector<64x512xi1>
    %broadcast_in_dim3A_349 = vector.broadcast %jit3A_346 : f32 to vector<64x512xf32>
    %select_n3A_350 = arith.select %broadcast_in_dim3A_348, %get3A_345, %broadcast_in_dim3A_349 : vector<64x512xi1>, vector<64x512xf32>
    %add3A_351 = arith.addf %sub3A_289, %select_n3A_350 : vector<64x512xf32>
    %eq3A_352 = arith.constant 4.000000e+00 : f32
    %eq3A_353 = vector.broadcast %eq3A_352 : f32 to vector<1x512xf32>
    %eq3A_354 = arith.cmpf oeq, %get3A_7, %eq3A_353 : vector<1x512xf32>
    %get3A_355 = arith.constant 0 : index
    %get3A_356 = arith.constant 4 : index
    %get3A_357 = arith.constant 0 : index
    %get3A_358 = vector.load %arg4[%get3A_355, %get3A_356, %get3A_357] : memref<64x16x512xf32, #tpu.memory_space<vmem>>, vector<64x1x512xf32>
    %get3A_359 = vector.shape_cast %get3A_358 : vector<64x1x512xf32> to vector<64x512xf32>
    %jit3A_360 = arith.constant 0.000000e+00 : f32
    %broadcast_in_dim3A_361 = vector.shape_cast %eq3A_354 : vector<1x512xi1> to vector<1x512xi1>
    %broadcast_in_dim3A_362 = vector.broadcast %broadcast_in_dim3A_361 : vector<1x512xi1> to vector<64x512xi1>
    %broadcast_in_dim3A_363 = vector.broadcast %jit3A_360 : f32 to vector<64x512xf32>
    %select_n3A_364 = arith.select %broadcast_in_dim3A_362, %get3A_359, %broadcast_in_dim3A_363 : vector<64x512xi1>, vector<64x512xf32>
    %sub3A_365 = arith.subf %add3A_351, %select_n3A_364 : vector<64x512xf32>
    %eq3A_366 = arith.constant 4.000000e+00 : f32
    %eq3A_367 = vector.broadcast %eq3A_366 : f32 to vector<1x512xf32>
    %eq3A_368 = arith.cmpf oeq, %get3A_4, %eq3A_367 : vector<1x512xf32>
    %get3A_369 = arith.constant 4 : index
    %get3A_370 = arith.constant 0 : index
    %get3A_371 = vector.load %arg5[%get3A_369, %get3A_370] : memref<16x512xf32, #tpu.memory_space<vmem>>, vector<1x512xf32>
    %jit3A_372 = arith.constant 0.000000e+00 : f32
    %broadcast_in_dim3A_373 = vector.broadcast %jit3A_372 : f32 to vector<1x512xf32>
    %select_n3A_374 = arith.select %eq3A_368, %get3A_371, %broadcast_in_dim3A_373 : vector<1x512xi1>, vector<1x512xf32>
    %add3A_375 = arith.addf %add3A_299, %select_n3A_374 : vector<1x512xf32>
    %eq3A_376 = arith.constant 4.000000e+00 : f32
    %eq3A_377 = vector.broadcast %eq3A_376 : f32 to vector<1x512xf32>
    %eq3A_378 = arith.cmpf oeq, %get3A_7, %eq3A_377 : vector<1x512xf32>
    %get3A_379 = arith.constant 4 : index
    %get3A_380 = arith.constant 0 : index
    %get3A_381 = vector.load %arg6[%get3A_379, %get3A_380] : memref<16x512xf32, #tpu.memory_space<vmem>>, vector<1x512xf32>
    %jit3A_382 = arith.constant 0.000000e+00 : f32
    %broadcast_in_dim3A_383 = vector.broadcast %jit3A_382 : f32 to vector<1x512xf32>
    %select_n3A_384 = arith.select %eq3A_378, %get3A_381, %broadcast_in_dim3A_383 : vector<1x512xi1>, vector<1x512xf32>
    %add3A_385 = arith.addf %add3A_309, %select_n3A_384 : vector<1x512xf32>
    %eq3A_386 = arith.constant 5.000000e+00 : f32
    %eq3A_387 = vector.broadcast %eq3A_386 : f32 to vector<1x512xf32>
    %eq3A_388 = arith.cmpf oeq, %get3A_1, %eq3A_387 : vector<1x512xf32>
    %get3A_389 = arith.constant 0 : index
    %get3A_390 = arith.constant 5 : index
    %get3A_391 = arith.constant 0 : index
    %get3A_392 = vector.load %arg1[%get3A_389, %get3A_390, %get3A_391] : memref<64x16x512xf32, #tpu.memory_space<vmem>>, vector<64x1x512xf32>
    %get3A_393 = vector.shape_cast %get3A_392 : vector<64x1x512xf32> to vector<64x512xf32>
    %jit3A_394 = arith.constant 0.000000e+00 : f32
    %broadcast_in_dim3A_395 = vector.shape_cast %eq3A_388 : vector<1x512xi1> to vector<1x512xi1>
    %broadcast_in_dim3A_396 = vector.broadcast %broadcast_in_dim3A_395 : vector<1x512xi1> to vector<64x512xi1>
    %broadcast_in_dim3A_397 = vector.broadcast %jit3A_394 : f32 to vector<64x512xf32>
    %select_n3A_398 = arith.select %broadcast_in_dim3A_396, %get3A_393, %broadcast_in_dim3A_397 : vector<64x512xi1>, vector<64x512xf32>
    %add3A_399 = arith.addf %add3A_323, %select_n3A_398 : vector<64x512xf32>
    %eq3A_400 = arith.constant 5.000000e+00 : f32
    %eq3A_401 = vector.broadcast %eq3A_400 : f32 to vector<1x512xf32>
    %eq3A_402 = arith.cmpf oeq, %get3A_1, %eq3A_401 : vector<1x512xf32>
    %get3A_403 = arith.constant 0 : index
    %get3A_404 = arith.constant 5 : index
    %get3A_405 = arith.constant 0 : index
    %get3A_406 = vector.load %arg2[%get3A_403, %get3A_404, %get3A_405] : memref<64x16x512xf32, #tpu.memory_space<vmem>>, vector<64x1x512xf32>
    %get3A_407 = vector.shape_cast %get3A_406 : vector<64x1x512xf32> to vector<64x512xf32>
    %jit3A_408 = arith.constant 0.000000e+00 : f32
    %broadcast_in_dim3A_409 = vector.shape_cast %eq3A_402 : vector<1x512xi1> to vector<1x512xi1>
    %broadcast_in_dim3A_410 = vector.broadcast %broadcast_in_dim3A_409 : vector<1x512xi1> to vector<64x512xi1>
    %broadcast_in_dim3A_411 = vector.broadcast %jit3A_408 : f32 to vector<64x512xf32>
    %select_n3A_412 = arith.select %broadcast_in_dim3A_410, %get3A_407, %broadcast_in_dim3A_411 : vector<64x512xi1>, vector<64x512xf32>
    %add3A_413 = arith.addf %add3A_337, %select_n3A_412 : vector<64x512xf32>
    %eq3A_414 = arith.constant 5.000000e+00 : f32
    %eq3A_415 = vector.broadcast %eq3A_414 : f32 to vector<1x512xf32>
    %eq3A_416 = arith.cmpf oeq, %get3A_4, %eq3A_415 : vector<1x512xf32>
    %get3A_417 = arith.constant 0 : index
    %get3A_418 = arith.constant 5 : index
    %get3A_419 = arith.constant 0 : index
    %get3A_420 = vector.load %arg3[%get3A_417, %get3A_418, %get3A_419] : memref<64x16x512xf32, #tpu.memory_space<vmem>>, vector<64x1x512xf32>
    %get3A_421 = vector.shape_cast %get3A_420 : vector<64x1x512xf32> to vector<64x512xf32>
    %jit3A_422 = arith.constant 0.000000e+00 : f32
    %broadcast_in_dim3A_423 = vector.shape_cast %eq3A_416 : vector<1x512xi1> to vector<1x512xi1>
    %broadcast_in_dim3A_424 = vector.broadcast %broadcast_in_dim3A_423 : vector<1x512xi1> to vector<64x512xi1>
    %broadcast_in_dim3A_425 = vector.broadcast %jit3A_422 : f32 to vector<64x512xf32>
    %select_n3A_426 = arith.select %broadcast_in_dim3A_424, %get3A_421, %broadcast_in_dim3A_425 : vector<64x512xi1>, vector<64x512xf32>
    %add3A_427 = arith.addf %sub3A_365, %select_n3A_426 : vector<64x512xf32>
    %eq3A_428 = arith.constant 5.000000e+00 : f32
    %eq3A_429 = vector.broadcast %eq3A_428 : f32 to vector<1x512xf32>
    %eq3A_430 = arith.cmpf oeq, %get3A_7, %eq3A_429 : vector<1x512xf32>
    %get3A_431 = arith.constant 0 : index
    %get3A_432 = arith.constant 5 : index
    %get3A_433 = arith.constant 0 : index
    %get3A_434 = vector.load %arg4[%get3A_431, %get3A_432, %get3A_433] : memref<64x16x512xf32, #tpu.memory_space<vmem>>, vector<64x1x512xf32>
    %get3A_435 = vector.shape_cast %get3A_434 : vector<64x1x512xf32> to vector<64x512xf32>
    %jit3A_436 = arith.constant 0.000000e+00 : f32
    %broadcast_in_dim3A_437 = vector.shape_cast %eq3A_430 : vector<1x512xi1> to vector<1x512xi1>
    %broadcast_in_dim3A_438 = vector.broadcast %broadcast_in_dim3A_437 : vector<1x512xi1> to vector<64x512xi1>
    %broadcast_in_dim3A_439 = vector.broadcast %jit3A_436 : f32 to vector<64x512xf32>
    %select_n3A_440 = arith.select %broadcast_in_dim3A_438, %get3A_435, %broadcast_in_dim3A_439 : vector<64x512xi1>, vector<64x512xf32>
    %sub3A_441 = arith.subf %add3A_427, %select_n3A_440 : vector<64x512xf32>
    %eq3A_442 = arith.constant 5.000000e+00 : f32
    %eq3A_443 = vector.broadcast %eq3A_442 : f32 to vector<1x512xf32>
    %eq3A_444 = arith.cmpf oeq, %get3A_4, %eq3A_443 : vector<1x512xf32>
    %get3A_445 = arith.constant 5 : index
    %get3A_446 = arith.constant 0 : index
    %get3A_447 = vector.load %arg5[%get3A_445, %get3A_446] : memref<16x512xf32, #tpu.memory_space<vmem>>, vector<1x512xf32>
    %jit3A_448 = arith.constant 0.000000e+00 : f32
    %broadcast_in_dim3A_449 = vector.broadcast %jit3A_448 : f32 to vector<1x512xf32>
    %select_n3A_450 = arith.select %eq3A_444, %get3A_447, %broadcast_in_dim3A_449 : vector<1x512xi1>, vector<1x512xf32>
    %add3A_451 = arith.addf %add3A_375, %select_n3A_450 : vector<1x512xf32>
    %eq3A_452 = arith.constant 5.000000e+00 : f32
    %eq3A_453 = vector.broadcast %eq3A_452 : f32 to vector<1x512xf32>
    %eq3A_454 = arith.cmpf oeq, %get3A_7, %eq3A_453 : vector<1x512xf32>
    %get3A_455 = arith.constant 5 : index
    %get3A_456 = arith.constant 0 : index
    %get3A_457 = vector.load %arg6[%get3A_455, %get3A_456] : memref<16x512xf32, #tpu.memory_space<vmem>>, vector<1x512xf32>
    %jit3A_458 = arith.constant 0.000000e+00 : f32
    %broadcast_in_dim3A_459 = vector.broadcast %jit3A_458 : f32 to vector<1x512xf32>
    %select_n3A_460 = arith.select %eq3A_454, %get3A_457, %broadcast_in_dim3A_459 : vector<1x512xi1>, vector<1x512xf32>
    %add3A_461 = arith.addf %add3A_385, %select_n3A_460 : vector<1x512xf32>
    %eq3A_462 = arith.constant 6.000000e+00 : f32
    %eq3A_463 = vector.broadcast %eq3A_462 : f32 to vector<1x512xf32>
    %eq3A_464 = arith.cmpf oeq, %get3A_1, %eq3A_463 : vector<1x512xf32>
    %get3A_465 = arith.constant 0 : index
    %get3A_466 = arith.constant 6 : index
    %get3A_467 = arith.constant 0 : index
    %get3A_468 = vector.load %arg1[%get3A_465, %get3A_466, %get3A_467] : memref<64x16x512xf32, #tpu.memory_space<vmem>>, vector<64x1x512xf32>
    %get3A_469 = vector.shape_cast %get3A_468 : vector<64x1x512xf32> to vector<64x512xf32>
    %jit3A_470 = arith.constant 0.000000e+00 : f32
    %broadcast_in_dim3A_471 = vector.shape_cast %eq3A_464 : vector<1x512xi1> to vector<1x512xi1>
    %broadcast_in_dim3A_472 = vector.broadcast %broadcast_in_dim3A_471 : vector<1x512xi1> to vector<64x512xi1>
    %broadcast_in_dim3A_473 = vector.broadcast %jit3A_470 : f32 to vector<64x512xf32>
    %select_n3A_474 = arith.select %broadcast_in_dim3A_472, %get3A_469, %broadcast_in_dim3A_473 : vector<64x512xi1>, vector<64x512xf32>
    %add3A_475 = arith.addf %add3A_399, %select_n3A_474 : vector<64x512xf32>
    %eq3A_476 = arith.constant 6.000000e+00 : f32
    %eq3A_477 = vector.broadcast %eq3A_476 : f32 to vector<1x512xf32>
    %eq3A_478 = arith.cmpf oeq, %get3A_1, %eq3A_477 : vector<1x512xf32>
    %get3A_479 = arith.constant 0 : index
    %get3A_480 = arith.constant 6 : index
    %get3A_481 = arith.constant 0 : index
    %get3A_482 = vector.load %arg2[%get3A_479, %get3A_480, %get3A_481] : memref<64x16x512xf32, #tpu.memory_space<vmem>>, vector<64x1x512xf32>
    %get3A_483 = vector.shape_cast %get3A_482 : vector<64x1x512xf32> to vector<64x512xf32>
    %jit3A_484 = arith.constant 0.000000e+00 : f32
    %broadcast_in_dim3A_485 = vector.shape_cast %eq3A_478 : vector<1x512xi1> to vector<1x512xi1>
    %broadcast_in_dim3A_486 = vector.broadcast %broadcast_in_dim3A_485 : vector<1x512xi1> to vector<64x512xi1>
    %broadcast_in_dim3A_487 = vector.broadcast %jit3A_484 : f32 to vector<64x512xf32>
    %select_n3A_488 = arith.select %broadcast_in_dim3A_486, %get3A_483, %broadcast_in_dim3A_487 : vector<64x512xi1>, vector<64x512xf32>
    %add3A_489 = arith.addf %add3A_413, %select_n3A_488 : vector<64x512xf32>
    %eq3A_490 = arith.constant 6.000000e+00 : f32
    %eq3A_491 = vector.broadcast %eq3A_490 : f32 to vector<1x512xf32>
    %eq3A_492 = arith.cmpf oeq, %get3A_4, %eq3A_491 : vector<1x512xf32>
    %get3A_493 = arith.constant 0 : index
    %get3A_494 = arith.constant 6 : index
    %get3A_495 = arith.constant 0 : index
    %get3A_496 = vector.load %arg3[%get3A_493, %get3A_494, %get3A_495] : memref<64x16x512xf32, #tpu.memory_space<vmem>>, vector<64x1x512xf32>
    %get3A_497 = vector.shape_cast %get3A_496 : vector<64x1x512xf32> to vector<64x512xf32>
    %jit3A_498 = arith.constant 0.000000e+00 : f32
    %broadcast_in_dim3A_499 = vector.shape_cast %eq3A_492 : vector<1x512xi1> to vector<1x512xi1>
    %broadcast_in_dim3A_500 = vector.broadcast %broadcast_in_dim3A_499 : vector<1x512xi1> to vector<64x512xi1>
    %broadcast_in_dim3A_501 = vector.broadcast %jit3A_498 : f32 to vector<64x512xf32>
    %select_n3A_502 = arith.select %broadcast_in_dim3A_500, %get3A_497, %broadcast_in_dim3A_501 : vector<64x512xi1>, vector<64x512xf32>
    %add3A_503 = arith.addf %sub3A_441, %select_n3A_502 : vector<64x512xf32>
    %eq3A_504 = arith.constant 6.000000e+00 : f32
    %eq3A_505 = vector.broadcast %eq3A_504 : f32 to vector<1x512xf32>
    %eq3A_506 = arith.cmpf oeq, %get3A_7, %eq3A_505 : vector<1x512xf32>
    %get3A_507 = arith.constant 0 : index
    %get3A_508 = arith.constant 6 : index
    %get3A_509 = arith.constant 0 : index
    %get3A_510 = vector.load %arg4[%get3A_507, %get3A_508, %get3A_509] : memref<64x16x512xf32, #tpu.memory_space<vmem>>, vector<64x1x512xf32>
    %get3A_511 = vector.shape_cast %get3A_510 : vector<64x1x512xf32> to vector<64x512xf32>
    %jit3A_512 = arith.constant 0.000000e+00 : f32
    %broadcast_in_dim3A_513 = vector.shape_cast %eq3A_506 : vector<1x512xi1> to vector<1x512xi1>
    %broadcast_in_dim3A_514 = vector.broadcast %broadcast_in_dim3A_513 : vector<1x512xi1> to vector<64x512xi1>
    %broadcast_in_dim3A_515 = vector.broadcast %jit3A_512 : f32 to vector<64x512xf32>
    %select_n3A_516 = arith.select %broadcast_in_dim3A_514, %get3A_511, %broadcast_in_dim3A_515 : vector<64x512xi1>, vector<64x512xf32>
    %sub3A_517 = arith.subf %add3A_503, %select_n3A_516 : vector<64x512xf32>
    %eq3A_518 = arith.constant 6.000000e+00 : f32
    %eq3A_519 = vector.broadcast %eq3A_518 : f32 to vector<1x512xf32>
    %eq3A_520 = arith.cmpf oeq, %get3A_4, %eq3A_519 : vector<1x512xf32>
    %get3A_521 = arith.constant 6 : index
    %get3A_522 = arith.constant 0 : index
    %get3A_523 = vector.load %arg5[%get3A_521, %get3A_522] : memref<16x512xf32, #tpu.memory_space<vmem>>, vector<1x512xf32>
    %jit3A_524 = arith.constant 0.000000e+00 : f32
    %broadcast_in_dim3A_525 = vector.broadcast %jit3A_524 : f32 to vector<1x512xf32>
    %select_n3A_526 = arith.select %eq3A_520, %get3A_523, %broadcast_in_dim3A_525 : vector<1x512xi1>, vector<1x512xf32>
    %add3A_527 = arith.addf %add3A_451, %select_n3A_526 : vector<1x512xf32>
    %eq3A_528 = arith.constant 6.000000e+00 : f32
    %eq3A_529 = vector.broadcast %eq3A_528 : f32 to vector<1x512xf32>
    %eq3A_530 = arith.cmpf oeq, %get3A_7, %eq3A_529 : vector<1x512xf32>
    %get3A_531 = arith.constant 6 : index
    %get3A_532 = arith.constant 0 : index
    %get3A_533 = vector.load %arg6[%get3A_531, %get3A_532] : memref<16x512xf32, #tpu.memory_space<vmem>>, vector<1x512xf32>
    %jit3A_534 = arith.constant 0.000000e+00 : f32
    %broadcast_in_dim3A_535 = vector.broadcast %jit3A_534 : f32 to vector<1x512xf32>
    %select_n3A_536 = arith.select %eq3A_530, %get3A_533, %broadcast_in_dim3A_535 : vector<1x512xi1>, vector<1x512xf32>
    %add3A_537 = arith.addf %add3A_461, %select_n3A_536 : vector<1x512xf32>
    %eq3A_538 = arith.constant 7.000000e+00 : f32
    %eq3A_539 = vector.broadcast %eq3A_538 : f32 to vector<1x512xf32>
    %eq3A_540 = arith.cmpf oeq, %get3A_1, %eq3A_539 : vector<1x512xf32>
    %get3A_541 = arith.constant 0 : index
    %get3A_542 = arith.constant 7 : index
    %get3A_543 = arith.constant 0 : index
    %get3A_544 = vector.load %arg1[%get3A_541, %get3A_542, %get3A_543] : memref<64x16x512xf32, #tpu.memory_space<vmem>>, vector<64x1x512xf32>
    %get3A_545 = vector.shape_cast %get3A_544 : vector<64x1x512xf32> to vector<64x512xf32>
    %jit3A_546 = arith.constant 0.000000e+00 : f32
    %broadcast_in_dim3A_547 = vector.shape_cast %eq3A_540 : vector<1x512xi1> to vector<1x512xi1>
    %broadcast_in_dim3A_548 = vector.broadcast %broadcast_in_dim3A_547 : vector<1x512xi1> to vector<64x512xi1>
    %broadcast_in_dim3A_549 = vector.broadcast %jit3A_546 : f32 to vector<64x512xf32>
    %select_n3A_550 = arith.select %broadcast_in_dim3A_548, %get3A_545, %broadcast_in_dim3A_549 : vector<64x512xi1>, vector<64x512xf32>
    %add3A_551 = arith.addf %add3A_475, %select_n3A_550 : vector<64x512xf32>
    %eq3A_552 = arith.constant 7.000000e+00 : f32
    %eq3A_553 = vector.broadcast %eq3A_552 : f32 to vector<1x512xf32>
    %eq3A_554 = arith.cmpf oeq, %get3A_1, %eq3A_553 : vector<1x512xf32>
    %get3A_555 = arith.constant 0 : index
    %get3A_556 = arith.constant 7 : index
    %get3A_557 = arith.constant 0 : index
    %get3A_558 = vector.load %arg2[%get3A_555, %get3A_556, %get3A_557] : memref<64x16x512xf32, #tpu.memory_space<vmem>>, vector<64x1x512xf32>
    %get3A_559 = vector.shape_cast %get3A_558 : vector<64x1x512xf32> to vector<64x512xf32>
    %jit3A_560 = arith.constant 0.000000e+00 : f32
    %broadcast_in_dim3A_561 = vector.shape_cast %eq3A_554 : vector<1x512xi1> to vector<1x512xi1>
    %broadcast_in_dim3A_562 = vector.broadcast %broadcast_in_dim3A_561 : vector<1x512xi1> to vector<64x512xi1>
    %broadcast_in_dim3A_563 = vector.broadcast %jit3A_560 : f32 to vector<64x512xf32>
    %select_n3A_564 = arith.select %broadcast_in_dim3A_562, %get3A_559, %broadcast_in_dim3A_563 : vector<64x512xi1>, vector<64x512xf32>
    %add3A_565 = arith.addf %add3A_489, %select_n3A_564 : vector<64x512xf32>
    %eq3A_566 = arith.constant 7.000000e+00 : f32
    %eq3A_567 = vector.broadcast %eq3A_566 : f32 to vector<1x512xf32>
    %eq3A_568 = arith.cmpf oeq, %get3A_4, %eq3A_567 : vector<1x512xf32>
    %get3A_569 = arith.constant 0 : index
    %get3A_570 = arith.constant 7 : index
    %get3A_571 = arith.constant 0 : index
    %get3A_572 = vector.load %arg3[%get3A_569, %get3A_570, %get3A_571] : memref<64x16x512xf32, #tpu.memory_space<vmem>>, vector<64x1x512xf32>
    %get3A_573 = vector.shape_cast %get3A_572 : vector<64x1x512xf32> to vector<64x512xf32>
    %jit3A_574 = arith.constant 0.000000e+00 : f32
    %broadcast_in_dim3A_575 = vector.shape_cast %eq3A_568 : vector<1x512xi1> to vector<1x512xi1>
    %broadcast_in_dim3A_576 = vector.broadcast %broadcast_in_dim3A_575 : vector<1x512xi1> to vector<64x512xi1>
    %broadcast_in_dim3A_577 = vector.broadcast %jit3A_574 : f32 to vector<64x512xf32>
    %select_n3A_578 = arith.select %broadcast_in_dim3A_576, %get3A_573, %broadcast_in_dim3A_577 : vector<64x512xi1>, vector<64x512xf32>
    %add3A_579 = arith.addf %sub3A_517, %select_n3A_578 : vector<64x512xf32>
    %eq3A_580 = arith.constant 7.000000e+00 : f32
    %eq3A_581 = vector.broadcast %eq3A_580 : f32 to vector<1x512xf32>
    %eq3A_582 = arith.cmpf oeq, %get3A_7, %eq3A_581 : vector<1x512xf32>
    %get3A_583 = arith.constant 0 : index
    %get3A_584 = arith.constant 7 : index
    %get3A_585 = arith.constant 0 : index
    %get3A_586 = vector.load %arg4[%get3A_583, %get3A_584, %get3A_585] : memref<64x16x512xf32, #tpu.memory_space<vmem>>, vector<64x1x512xf32>
    %get3A_587 = vector.shape_cast %get3A_586 : vector<64x1x512xf32> to vector<64x512xf32>
    %jit3A_588 = arith.constant 0.000000e+00 : f32
    %broadcast_in_dim3A_589 = vector.shape_cast %eq3A_582 : vector<1x512xi1> to vector<1x512xi1>
    %broadcast_in_dim3A_590 = vector.broadcast %broadcast_in_dim3A_589 : vector<1x512xi1> to vector<64x512xi1>
    %broadcast_in_dim3A_591 = vector.broadcast %jit3A_588 : f32 to vector<64x512xf32>
    %select_n3A_592 = arith.select %broadcast_in_dim3A_590, %get3A_587, %broadcast_in_dim3A_591 : vector<64x512xi1>, vector<64x512xf32>
    %sub3A_593 = arith.subf %add3A_579, %select_n3A_592 : vector<64x512xf32>
    %eq3A_594 = arith.constant 7.000000e+00 : f32
    %eq3A_595 = vector.broadcast %eq3A_594 : f32 to vector<1x512xf32>
    %eq3A_596 = arith.cmpf oeq, %get3A_4, %eq3A_595 : vector<1x512xf32>
    %get3A_597 = arith.constant 7 : index
    %get3A_598 = arith.constant 0 : index
    %get3A_599 = vector.load %arg5[%get3A_597, %get3A_598] : memref<16x512xf32, #tpu.memory_space<vmem>>, vector<1x512xf32>
    %jit3A_600 = arith.constant 0.000000e+00 : f32
    %broadcast_in_dim3A_601 = vector.broadcast %jit3A_600 : f32 to vector<1x512xf32>
    %select_n3A_602 = arith.select %eq3A_596, %get3A_599, %broadcast_in_dim3A_601 : vector<1x512xi1>, vector<1x512xf32>
    %add3A_603 = arith.addf %add3A_527, %select_n3A_602 : vector<1x512xf32>
    %eq3A_604 = arith.constant 7.000000e+00 : f32
    %eq3A_605 = vector.broadcast %eq3A_604 : f32 to vector<1x512xf32>
    %eq3A_606 = arith.cmpf oeq, %get3A_7, %eq3A_605 : vector<1x512xf32>
    %get3A_607 = arith.constant 7 : index
    %get3A_608 = arith.constant 0 : index
    %get3A_609 = vector.load %arg6[%get3A_607, %get3A_608] : memref<16x512xf32, #tpu.memory_space<vmem>>, vector<1x512xf32>
    %jit3A_610 = arith.constant 0.000000e+00 : f32
    %broadcast_in_dim3A_611 = vector.broadcast %jit3A_610 : f32 to vector<1x512xf32>
    %select_n3A_612 = arith.select %eq3A_606, %get3A_609, %broadcast_in_dim3A_611 : vector<1x512xi1>, vector<1x512xf32>
    %add3A_613 = arith.addf %add3A_537, %select_n3A_612 : vector<1x512xf32>
    %eq3A_614 = arith.constant 8.000000e+00 : f32
    %eq3A_615 = vector.broadcast %eq3A_614 : f32 to vector<1x512xf32>
    %eq3A_616 = arith.cmpf oeq, %get3A_1, %eq3A_615 : vector<1x512xf32>
    %get3A_617 = arith.constant 0 : index
    %get3A_618 = arith.constant 8 : index
    %get3A_619 = arith.constant 0 : index
    %get3A_620 = vector.load %arg1[%get3A_617, %get3A_618, %get3A_619] : memref<64x16x512xf32, #tpu.memory_space<vmem>>, vector<64x1x512xf32>
    %get3A_621 = vector.shape_cast %get3A_620 : vector<64x1x512xf32> to vector<64x512xf32>
    %jit3A_622 = arith.constant 0.000000e+00 : f32
    %broadcast_in_dim3A_623 = vector.shape_cast %eq3A_616 : vector<1x512xi1> to vector<1x512xi1>
    %broadcast_in_dim3A_624 = vector.broadcast %broadcast_in_dim3A_623 : vector<1x512xi1> to vector<64x512xi1>
    %broadcast_in_dim3A_625 = vector.broadcast %jit3A_622 : f32 to vector<64x512xf32>
    %select_n3A_626 = arith.select %broadcast_in_dim3A_624, %get3A_621, %broadcast_in_dim3A_625 : vector<64x512xi1>, vector<64x512xf32>
    %add3A_627 = arith.addf %add3A_551, %select_n3A_626 : vector<64x512xf32>
    %eq3A_628 = arith.constant 8.000000e+00 : f32
    %eq3A_629 = vector.broadcast %eq3A_628 : f32 to vector<1x512xf32>
    %eq3A_630 = arith.cmpf oeq, %get3A_1, %eq3A_629 : vector<1x512xf32>
    %get3A_631 = arith.constant 0 : index
    %get3A_632 = arith.constant 8 : index
    %get3A_633 = arith.constant 0 : index
    %get3A_634 = vector.load %arg2[%get3A_631, %get3A_632, %get3A_633] : memref<64x16x512xf32, #tpu.memory_space<vmem>>, vector<64x1x512xf32>
    %get3A_635 = vector.shape_cast %get3A_634 : vector<64x1x512xf32> to vector<64x512xf32>
    %jit3A_636 = arith.constant 0.000000e+00 : f32
    %broadcast_in_dim3A_637 = vector.shape_cast %eq3A_630 : vector<1x512xi1> to vector<1x512xi1>
    %broadcast_in_dim3A_638 = vector.broadcast %broadcast_in_dim3A_637 : vector<1x512xi1> to vector<64x512xi1>
    %broadcast_in_dim3A_639 = vector.broadcast %jit3A_636 : f32 to vector<64x512xf32>
    %select_n3A_640 = arith.select %broadcast_in_dim3A_638, %get3A_635, %broadcast_in_dim3A_639 : vector<64x512xi1>, vector<64x512xf32>
    %add3A_641 = arith.addf %add3A_565, %select_n3A_640 : vector<64x512xf32>
    %eq3A_642 = arith.constant 8.000000e+00 : f32
    %eq3A_643 = vector.broadcast %eq3A_642 : f32 to vector<1x512xf32>
    %eq3A_644 = arith.cmpf oeq, %get3A_4, %eq3A_643 : vector<1x512xf32>
    %get3A_645 = arith.constant 0 : index
    %get3A_646 = arith.constant 8 : index
    %get3A_647 = arith.constant 0 : index
    %get3A_648 = vector.load %arg3[%get3A_645, %get3A_646, %get3A_647] : memref<64x16x512xf32, #tpu.memory_space<vmem>>, vector<64x1x512xf32>
    %get3A_649 = vector.shape_cast %get3A_648 : vector<64x1x512xf32> to vector<64x512xf32>
    %jit3A_650 = arith.constant 0.000000e+00 : f32
    %broadcast_in_dim3A_651 = vector.shape_cast %eq3A_644 : vector<1x512xi1> to vector<1x512xi1>
    %broadcast_in_dim3A_652 = vector.broadcast %broadcast_in_dim3A_651 : vector<1x512xi1> to vector<64x512xi1>
    %broadcast_in_dim3A_653 = vector.broadcast %jit3A_650 : f32 to vector<64x512xf32>
    %select_n3A_654 = arith.select %broadcast_in_dim3A_652, %get3A_649, %broadcast_in_dim3A_653 : vector<64x512xi1>, vector<64x512xf32>
    %add3A_655 = arith.addf %sub3A_593, %select_n3A_654 : vector<64x512xf32>
    %eq3A_656 = arith.constant 8.000000e+00 : f32
    %eq3A_657 = vector.broadcast %eq3A_656 : f32 to vector<1x512xf32>
    %eq3A_658 = arith.cmpf oeq, %get3A_7, %eq3A_657 : vector<1x512xf32>
    %get3A_659 = arith.constant 0 : index
    %get3A_660 = arith.constant 8 : index
    %get3A_661 = arith.constant 0 : index
    %get3A_662 = vector.load %arg4[%get3A_659, %get3A_660, %get3A_661] : memref<64x16x512xf32, #tpu.memory_space<vmem>>, vector<64x1x512xf32>
    %get3A_663 = vector.shape_cast %get3A_662 : vector<64x1x512xf32> to vector<64x512xf32>
    %jit3A_664 = arith.constant 0.000000e+00 : f32
    %broadcast_in_dim3A_665 = vector.shape_cast %eq3A_658 : vector<1x512xi1> to vector<1x512xi1>
    %broadcast_in_dim3A_666 = vector.broadcast %broadcast_in_dim3A_665 : vector<1x512xi1> to vector<64x512xi1>
    %broadcast_in_dim3A_667 = vector.broadcast %jit3A_664 : f32 to vector<64x512xf32>
    %select_n3A_668 = arith.select %broadcast_in_dim3A_666, %get3A_663, %broadcast_in_dim3A_667 : vector<64x512xi1>, vector<64x512xf32>
    %sub3A_669 = arith.subf %add3A_655, %select_n3A_668 : vector<64x512xf32>
    %eq3A_670 = arith.constant 8.000000e+00 : f32
    %eq3A_671 = vector.broadcast %eq3A_670 : f32 to vector<1x512xf32>
    %eq3A_672 = arith.cmpf oeq, %get3A_4, %eq3A_671 : vector<1x512xf32>
    %get3A_673 = arith.constant 8 : index
    %get3A_674 = arith.constant 0 : index
    %get3A_675 = vector.load %arg5[%get3A_673, %get3A_674] : memref<16x512xf32, #tpu.memory_space<vmem>>, vector<1x512xf32>
    %jit3A_676 = arith.constant 0.000000e+00 : f32
    %broadcast_in_dim3A_677 = vector.broadcast %jit3A_676 : f32 to vector<1x512xf32>
    %select_n3A_678 = arith.select %eq3A_672, %get3A_675, %broadcast_in_dim3A_677 : vector<1x512xi1>, vector<1x512xf32>
    %add3A_679 = arith.addf %add3A_603, %select_n3A_678 : vector<1x512xf32>
    %eq3A_680 = arith.constant 8.000000e+00 : f32
    %eq3A_681 = vector.broadcast %eq3A_680 : f32 to vector<1x512xf32>
    %eq3A_682 = arith.cmpf oeq, %get3A_7, %eq3A_681 : vector<1x512xf32>
    %get3A_683 = arith.constant 8 : index
    %get3A_684 = arith.constant 0 : index
    %get3A_685 = vector.load %arg6[%get3A_683, %get3A_684] : memref<16x512xf32, #tpu.memory_space<vmem>>, vector<1x512xf32>
    %jit3A_686 = arith.constant 0.000000e+00 : f32
    %broadcast_in_dim3A_687 = vector.broadcast %jit3A_686 : f32 to vector<1x512xf32>
    %select_n3A_688 = arith.select %eq3A_682, %get3A_685, %broadcast_in_dim3A_687 : vector<1x512xi1>, vector<1x512xf32>
    %add3A_689 = arith.addf %add3A_613, %select_n3A_688 : vector<1x512xf32>
    %eq3A_690 = arith.constant 9.000000e+00 : f32
    %eq3A_691 = vector.broadcast %eq3A_690 : f32 to vector<1x512xf32>
    %eq3A_692 = arith.cmpf oeq, %get3A_1, %eq3A_691 : vector<1x512xf32>
    %get3A_693 = arith.constant 0 : index
    %get3A_694 = arith.constant 9 : index
    %get3A_695 = arith.constant 0 : index
    %get3A_696 = vector.load %arg1[%get3A_693, %get3A_694, %get3A_695] : memref<64x16x512xf32, #tpu.memory_space<vmem>>, vector<64x1x512xf32>
    %get3A_697 = vector.shape_cast %get3A_696 : vector<64x1x512xf32> to vector<64x512xf32>
    %jit3A_698 = arith.constant 0.000000e+00 : f32
    %broadcast_in_dim3A_699 = vector.shape_cast %eq3A_692 : vector<1x512xi1> to vector<1x512xi1>
    %broadcast_in_dim3A_700 = vector.broadcast %broadcast_in_dim3A_699 : vector<1x512xi1> to vector<64x512xi1>
    %broadcast_in_dim3A_701 = vector.broadcast %jit3A_698 : f32 to vector<64x512xf32>
    %select_n3A_702 = arith.select %broadcast_in_dim3A_700, %get3A_697, %broadcast_in_dim3A_701 : vector<64x512xi1>, vector<64x512xf32>
    %add3A_703 = arith.addf %add3A_627, %select_n3A_702 : vector<64x512xf32>
    %eq3A_704 = arith.constant 9.000000e+00 : f32
    %eq3A_705 = vector.broadcast %eq3A_704 : f32 to vector<1x512xf32>
    %eq3A_706 = arith.cmpf oeq, %get3A_1, %eq3A_705 : vector<1x512xf32>
    %get3A_707 = arith.constant 0 : index
    %get3A_708 = arith.constant 9 : index
    %get3A_709 = arith.constant 0 : index
    %get3A_710 = vector.load %arg2[%get3A_707, %get3A_708, %get3A_709] : memref<64x16x512xf32, #tpu.memory_space<vmem>>, vector<64x1x512xf32>
    %get3A_711 = vector.shape_cast %get3A_710 : vector<64x1x512xf32> to vector<64x512xf32>
    %jit3A_712 = arith.constant 0.000000e+00 : f32
    %broadcast_in_dim3A_713 = vector.shape_cast %eq3A_706 : vector<1x512xi1> to vector<1x512xi1>
    %broadcast_in_dim3A_714 = vector.broadcast %broadcast_in_dim3A_713 : vector<1x512xi1> to vector<64x512xi1>
    %broadcast_in_dim3A_715 = vector.broadcast %jit3A_712 : f32 to vector<64x512xf32>
    %select_n3A_716 = arith.select %broadcast_in_dim3A_714, %get3A_711, %broadcast_in_dim3A_715 : vector<64x512xi1>, vector<64x512xf32>
    %add3A_717 = arith.addf %add3A_641, %select_n3A_716 : vector<64x512xf32>
    %eq3A_718 = arith.constant 9.000000e+00 : f32
    %eq3A_719 = vector.broadcast %eq3A_718 : f32 to vector<1x512xf32>
    %eq3A_720 = arith.cmpf oeq, %get3A_4, %eq3A_719 : vector<1x512xf32>
    %get3A_721 = arith.constant 0 : index
    %get3A_722 = arith.constant 9 : index
    %get3A_723 = arith.constant 0 : index
    %get3A_724 = vector.load %arg3[%get3A_721, %get3A_722, %get3A_723] : memref<64x16x512xf32, #tpu.memory_space<vmem>>, vector<64x1x512xf32>
    %get3A_725 = vector.shape_cast %get3A_724 : vector<64x1x512xf32> to vector<64x512xf32>
    %jit3A_726 = arith.constant 0.000000e+00 : f32
    %broadcast_in_dim3A_727 = vector.shape_cast %eq3A_720 : vector<1x512xi1> to vector<1x512xi1>
    %broadcast_in_dim3A_728 = vector.broadcast %broadcast_in_dim3A_727 : vector<1x512xi1> to vector<64x512xi1>
    %broadcast_in_dim3A_729 = vector.broadcast %jit3A_726 : f32 to vector<64x512xf32>
    %select_n3A_730 = arith.select %broadcast_in_dim3A_728, %get3A_725, %broadcast_in_dim3A_729 : vector<64x512xi1>, vector<64x512xf32>
    %add3A_731 = arith.addf %sub3A_669, %select_n3A_730 : vector<64x512xf32>
    %eq3A_732 = arith.constant 9.000000e+00 : f32
    %eq3A_733 = vector.broadcast %eq3A_732 : f32 to vector<1x512xf32>
    %eq3A_734 = arith.cmpf oeq, %get3A_7, %eq3A_733 : vector<1x512xf32>
    %get3A_735 = arith.constant 0 : index
    %get3A_736 = arith.constant 9 : index
    %get3A_737 = arith.constant 0 : index
    %get3A_738 = vector.load %arg4[%get3A_735, %get3A_736, %get3A_737] : memref<64x16x512xf32, #tpu.memory_space<vmem>>, vector<64x1x512xf32>
    %get3A_739 = vector.shape_cast %get3A_738 : vector<64x1x512xf32> to vector<64x512xf32>
    %jit3A_740 = arith.constant 0.000000e+00 : f32
    %broadcast_in_dim3A_741 = vector.shape_cast %eq3A_734 : vector<1x512xi1> to vector<1x512xi1>
    %broadcast_in_dim3A_742 = vector.broadcast %broadcast_in_dim3A_741 : vector<1x512xi1> to vector<64x512xi1>
    %broadcast_in_dim3A_743 = vector.broadcast %jit3A_740 : f32 to vector<64x512xf32>
    %select_n3A_744 = arith.select %broadcast_in_dim3A_742, %get3A_739, %broadcast_in_dim3A_743 : vector<64x512xi1>, vector<64x512xf32>
    %sub3A_745 = arith.subf %add3A_731, %select_n3A_744 : vector<64x512xf32>
    %eq3A_746 = arith.constant 9.000000e+00 : f32
    %eq3A_747 = vector.broadcast %eq3A_746 : f32 to vector<1x512xf32>
    %eq3A_748 = arith.cmpf oeq, %get3A_4, %eq3A_747 : vector<1x512xf32>
    %get3A_749 = arith.constant 9 : index
    %get3A_750 = arith.constant 0 : index
    %get3A_751 = vector.load %arg5[%get3A_749, %get3A_750] : memref<16x512xf32, #tpu.memory_space<vmem>>, vector<1x512xf32>
    %jit3A_752 = arith.constant 0.000000e+00 : f32
    %broadcast_in_dim3A_753 = vector.broadcast %jit3A_752 : f32 to vector<1x512xf32>
    %select_n3A_754 = arith.select %eq3A_748, %get3A_751, %broadcast_in_dim3A_753 : vector<1x512xi1>, vector<1x512xf32>
    %add3A_755 = arith.addf %add3A_679, %select_n3A_754 : vector<1x512xf32>
    %eq3A_756 = arith.constant 9.000000e+00 : f32
    %eq3A_757 = vector.broadcast %eq3A_756 : f32 to vector<1x512xf32>
    %eq3A_758 = arith.cmpf oeq, %get3A_7, %eq3A_757 : vector<1x512xf32>
    %get3A_759 = arith.constant 9 : index
    %get3A_760 = arith.constant 0 : index
    %get3A_761 = vector.load %arg6[%get3A_759, %get3A_760] : memref<16x512xf32, #tpu.memory_space<vmem>>, vector<1x512xf32>
    %jit3A_762 = arith.constant 0.000000e+00 : f32
    %broadcast_in_dim3A_763 = vector.broadcast %jit3A_762 : f32 to vector<1x512xf32>
    %select_n3A_764 = arith.select %eq3A_758, %get3A_761, %broadcast_in_dim3A_763 : vector<1x512xi1>, vector<1x512xf32>
    %add3A_765 = arith.addf %add3A_689, %select_n3A_764 : vector<1x512xf32>
    %eq3A_766 = arith.constant 1.000000e+01 : f32
    %eq3A_767 = vector.broadcast %eq3A_766 : f32 to vector<1x512xf32>
    %eq3A_768 = arith.cmpf oeq, %get3A_1, %eq3A_767 : vector<1x512xf32>
    %get3A_769 = arith.constant 0 : index
    %get3A_770 = arith.constant 10 : index
    %get3A_771 = arith.constant 0 : index
    %get3A_772 = vector.load %arg1[%get3A_769, %get3A_770, %get3A_771] : memref<64x16x512xf32, #tpu.memory_space<vmem>>, vector<64x1x512xf32>
    %get3A_773 = vector.shape_cast %get3A_772 : vector<64x1x512xf32> to vector<64x512xf32>
    %jit3A_774 = arith.constant 0.000000e+00 : f32
    %broadcast_in_dim3A_775 = vector.shape_cast %eq3A_768 : vector<1x512xi1> to vector<1x512xi1>
    %broadcast_in_dim3A_776 = vector.broadcast %broadcast_in_dim3A_775 : vector<1x512xi1> to vector<64x512xi1>
    %broadcast_in_dim3A_777 = vector.broadcast %jit3A_774 : f32 to vector<64x512xf32>
    %select_n3A_778 = arith.select %broadcast_in_dim3A_776, %get3A_773, %broadcast_in_dim3A_777 : vector<64x512xi1>, vector<64x512xf32>
    %add3A_779 = arith.addf %add3A_703, %select_n3A_778 : vector<64x512xf32>
    %eq3A_780 = arith.constant 1.000000e+01 : f32
    %eq3A_781 = vector.broadcast %eq3A_780 : f32 to vector<1x512xf32>
    %eq3A_782 = arith.cmpf oeq, %get3A_1, %eq3A_781 : vector<1x512xf32>
    %get3A_783 = arith.constant 0 : index
    %get3A_784 = arith.constant 10 : index
    %get3A_785 = arith.constant 0 : index
    %get3A_786 = vector.load %arg2[%get3A_783, %get3A_784, %get3A_785] : memref<64x16x512xf32, #tpu.memory_space<vmem>>, vector<64x1x512xf32>
    %get3A_787 = vector.shape_cast %get3A_786 : vector<64x1x512xf32> to vector<64x512xf32>
    %jit3A_788 = arith.constant 0.000000e+00 : f32
    %broadcast_in_dim3A_789 = vector.shape_cast %eq3A_782 : vector<1x512xi1> to vector<1x512xi1>
    %broadcast_in_dim3A_790 = vector.broadcast %broadcast_in_dim3A_789 : vector<1x512xi1> to vector<64x512xi1>
    %broadcast_in_dim3A_791 = vector.broadcast %jit3A_788 : f32 to vector<64x512xf32>
    %select_n3A_792 = arith.select %broadcast_in_dim3A_790, %get3A_787, %broadcast_in_dim3A_791 : vector<64x512xi1>, vector<64x512xf32>
    %add3A_793 = arith.addf %add3A_717, %select_n3A_792 : vector<64x512xf32>
    %eq3A_794 = arith.constant 1.000000e+01 : f32
    %eq3A_795 = vector.broadcast %eq3A_794 : f32 to vector<1x512xf32>
    %eq3A_796 = arith.cmpf oeq, %get3A_4, %eq3A_795 : vector<1x512xf32>
    %get3A_797 = arith.constant 0 : index
    %get3A_798 = arith.constant 10 : index
    %get3A_799 = arith.constant 0 : index
    %get3A_800 = vector.load %arg3[%get3A_797, %get3A_798, %get3A_799] : memref<64x16x512xf32, #tpu.memory_space<vmem>>, vector<64x1x512xf32>
    %get3A_801 = vector.shape_cast %get3A_800 : vector<64x1x512xf32> to vector<64x512xf32>
    %jit3A_802 = arith.constant 0.000000e+00 : f32
    %broadcast_in_dim3A_803 = vector.shape_cast %eq3A_796 : vector<1x512xi1> to vector<1x512xi1>
    %broadcast_in_dim3A_804 = vector.broadcast %broadcast_in_dim3A_803 : vector<1x512xi1> to vector<64x512xi1>
    %broadcast_in_dim3A_805 = vector.broadcast %jit3A_802 : f32 to vector<64x512xf32>
    %select_n3A_806 = arith.select %broadcast_in_dim3A_804, %get3A_801, %broadcast_in_dim3A_805 : vector<64x512xi1>, vector<64x512xf32>
    %add3A_807 = arith.addf %sub3A_745, %select_n3A_806 : vector<64x512xf32>
    %eq3A_808 = arith.constant 1.000000e+01 : f32
    %eq3A_809 = vector.broadcast %eq3A_808 : f32 to vector<1x512xf32>
    %eq3A_810 = arith.cmpf oeq, %get3A_7, %eq3A_809 : vector<1x512xf32>
    %get3A_811 = arith.constant 0 : index
    %get3A_812 = arith.constant 10 : index
    %get3A_813 = arith.constant 0 : index
    %get3A_814 = vector.load %arg4[%get3A_811, %get3A_812, %get3A_813] : memref<64x16x512xf32, #tpu.memory_space<vmem>>, vector<64x1x512xf32>
    %get3A_815 = vector.shape_cast %get3A_814 : vector<64x1x512xf32> to vector<64x512xf32>
    %jit3A_816 = arith.constant 0.000000e+00 : f32
    %broadcast_in_dim3A_817 = vector.shape_cast %eq3A_810 : vector<1x512xi1> to vector<1x512xi1>
    %broadcast_in_dim3A_818 = vector.broadcast %broadcast_in_dim3A_817 : vector<1x512xi1> to vector<64x512xi1>
    %broadcast_in_dim3A_819 = vector.broadcast %jit3A_816 : f32 to vector<64x512xf32>
    %select_n3A_820 = arith.select %broadcast_in_dim3A_818, %get3A_815, %broadcast_in_dim3A_819 : vector<64x512xi1>, vector<64x512xf32>
    %sub3A_821 = arith.subf %add3A_807, %select_n3A_820 : vector<64x512xf32>
    %eq3A_822 = arith.constant 1.000000e+01 : f32
    %eq3A_823 = vector.broadcast %eq3A_822 : f32 to vector<1x512xf32>
    %eq3A_824 = arith.cmpf oeq, %get3A_4, %eq3A_823 : vector<1x512xf32>
    %get3A_825 = arith.constant 10 : index
    %get3A_826 = arith.constant 0 : index
    %get3A_827 = vector.load %arg5[%get3A_825, %get3A_826] : memref<16x512xf32, #tpu.memory_space<vmem>>, vector<1x512xf32>
    %jit3A_828 = arith.constant 0.000000e+00 : f32
    %broadcast_in_dim3A_829 = vector.broadcast %jit3A_828 : f32 to vector<1x512xf32>
    %select_n3A_830 = arith.select %eq3A_824, %get3A_827, %broadcast_in_dim3A_829 : vector<1x512xi1>, vector<1x512xf32>
    %add3A_831 = arith.addf %add3A_755, %select_n3A_830 : vector<1x512xf32>
    %eq3A_832 = arith.constant 1.000000e+01 : f32
    %eq3A_833 = vector.broadcast %eq3A_832 : f32 to vector<1x512xf32>
    %eq3A_834 = arith.cmpf oeq, %get3A_7, %eq3A_833 : vector<1x512xf32>
    %get3A_835 = arith.constant 10 : index
    %get3A_836 = arith.constant 0 : index
    %get3A_837 = vector.load %arg6[%get3A_835, %get3A_836] : memref<16x512xf32, #tpu.memory_space<vmem>>, vector<1x512xf32>
    %jit3A_838 = arith.constant 0.000000e+00 : f32
    %broadcast_in_dim3A_839 = vector.broadcast %jit3A_838 : f32 to vector<1x512xf32>
    %select_n3A_840 = arith.select %eq3A_834, %get3A_837, %broadcast_in_dim3A_839 : vector<1x512xi1>, vector<1x512xf32>
    %add3A_841 = arith.addf %add3A_765, %select_n3A_840 : vector<1x512xf32>
    %eq3A_842 = arith.constant 1.100000e+01 : f32
    %eq3A_843 = vector.broadcast %eq3A_842 : f32 to vector<1x512xf32>
    %eq3A_844 = arith.cmpf oeq, %get3A_1, %eq3A_843 : vector<1x512xf32>
    %get3A_845 = arith.constant 0 : index
    %get3A_846 = arith.constant 11 : index
    %get3A_847 = arith.constant 0 : index
    %get3A_848 = vector.load %arg1[%get3A_845, %get3A_846, %get3A_847] : memref<64x16x512xf32, #tpu.memory_space<vmem>>, vector<64x1x512xf32>
    %get3A_849 = vector.shape_cast %get3A_848 : vector<64x1x512xf32> to vector<64x512xf32>
    %jit3A_850 = arith.constant 0.000000e+00 : f32
    %broadcast_in_dim3A_851 = vector.shape_cast %eq3A_844 : vector<1x512xi1> to vector<1x512xi1>
    %broadcast_in_dim3A_852 = vector.broadcast %broadcast_in_dim3A_851 : vector<1x512xi1> to vector<64x512xi1>
    %broadcast_in_dim3A_853 = vector.broadcast %jit3A_850 : f32 to vector<64x512xf32>
    %select_n3A_854 = arith.select %broadcast_in_dim3A_852, %get3A_849, %broadcast_in_dim3A_853 : vector<64x512xi1>, vector<64x512xf32>
    %add3A_855 = arith.addf %add3A_779, %select_n3A_854 : vector<64x512xf32>
    %eq3A_856 = arith.constant 1.100000e+01 : f32
    %eq3A_857 = vector.broadcast %eq3A_856 : f32 to vector<1x512xf32>
    %eq3A_858 = arith.cmpf oeq, %get3A_1, %eq3A_857 : vector<1x512xf32>
    %get3A_859 = arith.constant 0 : index
    %get3A_860 = arith.constant 11 : index
    %get3A_861 = arith.constant 0 : index
    %get3A_862 = vector.load %arg2[%get3A_859, %get3A_860, %get3A_861] : memref<64x16x512xf32, #tpu.memory_space<vmem>>, vector<64x1x512xf32>
    %get3A_863 = vector.shape_cast %get3A_862 : vector<64x1x512xf32> to vector<64x512xf32>
    %jit3A_864 = arith.constant 0.000000e+00 : f32
    %broadcast_in_dim3A_865 = vector.shape_cast %eq3A_858 : vector<1x512xi1> to vector<1x512xi1>
    %broadcast_in_dim3A_866 = vector.broadcast %broadcast_in_dim3A_865 : vector<1x512xi1> to vector<64x512xi1>
    %broadcast_in_dim3A_867 = vector.broadcast %jit3A_864 : f32 to vector<64x512xf32>
    %select_n3A_868 = arith.select %broadcast_in_dim3A_866, %get3A_863, %broadcast_in_dim3A_867 : vector<64x512xi1>, vector<64x512xf32>
    %add3A_869 = arith.addf %add3A_793, %select_n3A_868 : vector<64x512xf32>
    %eq3A_870 = arith.constant 1.100000e+01 : f32
    %eq3A_871 = vector.broadcast %eq3A_870 : f32 to vector<1x512xf32>
    %eq3A_872 = arith.cmpf oeq, %get3A_4, %eq3A_871 : vector<1x512xf32>
    %get3A_873 = arith.constant 0 : index
    %get3A_874 = arith.constant 11 : index
    %get3A_875 = arith.constant 0 : index
    %get3A_876 = vector.load %arg3[%get3A_873, %get3A_874, %get3A_875] : memref<64x16x512xf32, #tpu.memory_space<vmem>>, vector<64x1x512xf32>
    %get3A_877 = vector.shape_cast %get3A_876 : vector<64x1x512xf32> to vector<64x512xf32>
    %jit3A_878 = arith.constant 0.000000e+00 : f32
    %broadcast_in_dim3A_879 = vector.shape_cast %eq3A_872 : vector<1x512xi1> to vector<1x512xi1>
    %broadcast_in_dim3A_880 = vector.broadcast %broadcast_in_dim3A_879 : vector<1x512xi1> to vector<64x512xi1>
    %broadcast_in_dim3A_881 = vector.broadcast %jit3A_878 : f32 to vector<64x512xf32>
    %select_n3A_882 = arith.select %broadcast_in_dim3A_880, %get3A_877, %broadcast_in_dim3A_881 : vector<64x512xi1>, vector<64x512xf32>
    %add3A_883 = arith.addf %sub3A_821, %select_n3A_882 : vector<64x512xf32>
    %eq3A_884 = arith.constant 1.100000e+01 : f32
    %eq3A_885 = vector.broadcast %eq3A_884 : f32 to vector<1x512xf32>
    %eq3A_886 = arith.cmpf oeq, %get3A_7, %eq3A_885 : vector<1x512xf32>
    %get3A_887 = arith.constant 0 : index
    %get3A_888 = arith.constant 11 : index
    %get3A_889 = arith.constant 0 : index
    %get3A_890 = vector.load %arg4[%get3A_887, %get3A_888, %get3A_889] : memref<64x16x512xf32, #tpu.memory_space<vmem>>, vector<64x1x512xf32>
    %get3A_891 = vector.shape_cast %get3A_890 : vector<64x1x512xf32> to vector<64x512xf32>
    %jit3A_892 = arith.constant 0.000000e+00 : f32
    %broadcast_in_dim3A_893 = vector.shape_cast %eq3A_886 : vector<1x512xi1> to vector<1x512xi1>
    %broadcast_in_dim3A_894 = vector.broadcast %broadcast_in_dim3A_893 : vector<1x512xi1> to vector<64x512xi1>
    %broadcast_in_dim3A_895 = vector.broadcast %jit3A_892 : f32 to vector<64x512xf32>
    %select_n3A_896 = arith.select %broadcast_in_dim3A_894, %get3A_891, %broadcast_in_dim3A_895 : vector<64x512xi1>, vector<64x512xf32>
    %sub3A_897 = arith.subf %add3A_883, %select_n3A_896 : vector<64x512xf32>
    %eq3A_898 = arith.constant 1.100000e+01 : f32
    %eq3A_899 = vector.broadcast %eq3A_898 : f32 to vector<1x512xf32>
    %eq3A_900 = arith.cmpf oeq, %get3A_4, %eq3A_899 : vector<1x512xf32>
    %get3A_901 = arith.constant 11 : index
    %get3A_902 = arith.constant 0 : index
    %get3A_903 = vector.load %arg5[%get3A_901, %get3A_902] : memref<16x512xf32, #tpu.memory_space<vmem>>, vector<1x512xf32>
    %jit3A_904 = arith.constant 0.000000e+00 : f32
    %broadcast_in_dim3A_905 = vector.broadcast %jit3A_904 : f32 to vector<1x512xf32>
    %select_n3A_906 = arith.select %eq3A_900, %get3A_903, %broadcast_in_dim3A_905 : vector<1x512xi1>, vector<1x512xf32>
    %add3A_907 = arith.addf %add3A_831, %select_n3A_906 : vector<1x512xf32>
    %eq3A_908 = arith.constant 1.100000e+01 : f32
    %eq3A_909 = vector.broadcast %eq3A_908 : f32 to vector<1x512xf32>
    %eq3A_910 = arith.cmpf oeq, %get3A_7, %eq3A_909 : vector<1x512xf32>
    %get3A_911 = arith.constant 11 : index
    %get3A_912 = arith.constant 0 : index
    %get3A_913 = vector.load %arg6[%get3A_911, %get3A_912] : memref<16x512xf32, #tpu.memory_space<vmem>>, vector<1x512xf32>
    %jit3A_914 = arith.constant 0.000000e+00 : f32
    %broadcast_in_dim3A_915 = vector.broadcast %jit3A_914 : f32 to vector<1x512xf32>
    %select_n3A_916 = arith.select %eq3A_910, %get3A_913, %broadcast_in_dim3A_915 : vector<1x512xi1>, vector<1x512xf32>
    %add3A_917 = arith.addf %add3A_841, %select_n3A_916 : vector<1x512xf32>
    %eq3A_918 = arith.constant 1.200000e+01 : f32
    %eq3A_919 = vector.broadcast %eq3A_918 : f32 to vector<1x512xf32>
    %eq3A_920 = arith.cmpf oeq, %get3A_1, %eq3A_919 : vector<1x512xf32>
    %get3A_921 = arith.constant 0 : index
    %get3A_922 = arith.constant 12 : index
    %get3A_923 = arith.constant 0 : index
    %get3A_924 = vector.load %arg1[%get3A_921, %get3A_922, %get3A_923] : memref<64x16x512xf32, #tpu.memory_space<vmem>>, vector<64x1x512xf32>
    %get3A_925 = vector.shape_cast %get3A_924 : vector<64x1x512xf32> to vector<64x512xf32>
    %jit3A_926 = arith.constant 0.000000e+00 : f32
    %broadcast_in_dim3A_927 = vector.shape_cast %eq3A_920 : vector<1x512xi1> to vector<1x512xi1>
    %broadcast_in_dim3A_928 = vector.broadcast %broadcast_in_dim3A_927 : vector<1x512xi1> to vector<64x512xi1>
    %broadcast_in_dim3A_929 = vector.broadcast %jit3A_926 : f32 to vector<64x512xf32>
    %select_n3A_930 = arith.select %broadcast_in_dim3A_928, %get3A_925, %broadcast_in_dim3A_929 : vector<64x512xi1>, vector<64x512xf32>
    %add3A_931 = arith.addf %add3A_855, %select_n3A_930 : vector<64x512xf32>
    %eq3A_932 = arith.constant 1.200000e+01 : f32
    %eq3A_933 = vector.broadcast %eq3A_932 : f32 to vector<1x512xf32>
    %eq3A_934 = arith.cmpf oeq, %get3A_1, %eq3A_933 : vector<1x512xf32>
    %get3A_935 = arith.constant 0 : index
    %get3A_936 = arith.constant 12 : index
    %get3A_937 = arith.constant 0 : index
    %get3A_938 = vector.load %arg2[%get3A_935, %get3A_936, %get3A_937] : memref<64x16x512xf32, #tpu.memory_space<vmem>>, vector<64x1x512xf32>
    %get3A_939 = vector.shape_cast %get3A_938 : vector<64x1x512xf32> to vector<64x512xf32>
    %jit3A_940 = arith.constant 0.000000e+00 : f32
    %broadcast_in_dim3A_941 = vector.shape_cast %eq3A_934 : vector<1x512xi1> to vector<1x512xi1>
    %broadcast_in_dim3A_942 = vector.broadcast %broadcast_in_dim3A_941 : vector<1x512xi1> to vector<64x512xi1>
    %broadcast_in_dim3A_943 = vector.broadcast %jit3A_940 : f32 to vector<64x512xf32>
    %select_n3A_944 = arith.select %broadcast_in_dim3A_942, %get3A_939, %broadcast_in_dim3A_943 : vector<64x512xi1>, vector<64x512xf32>
    %add3A_945 = arith.addf %add3A_869, %select_n3A_944 : vector<64x512xf32>
    %eq3A_946 = arith.constant 1.200000e+01 : f32
    %eq3A_947 = vector.broadcast %eq3A_946 : f32 to vector<1x512xf32>
    %eq3A_948 = arith.cmpf oeq, %get3A_4, %eq3A_947 : vector<1x512xf32>
    %get3A_949 = arith.constant 0 : index
    %get3A_950 = arith.constant 12 : index
    %get3A_951 = arith.constant 0 : index
    %get3A_952 = vector.load %arg3[%get3A_949, %get3A_950, %get3A_951] : memref<64x16x512xf32, #tpu.memory_space<vmem>>, vector<64x1x512xf32>
    %get3A_953 = vector.shape_cast %get3A_952 : vector<64x1x512xf32> to vector<64x512xf32>
    %jit3A_954 = arith.constant 0.000000e+00 : f32
    %broadcast_in_dim3A_955 = vector.shape_cast %eq3A_948 : vector<1x512xi1> to vector<1x512xi1>
    %broadcast_in_dim3A_956 = vector.broadcast %broadcast_in_dim3A_955 : vector<1x512xi1> to vector<64x512xi1>
    %broadcast_in_dim3A_957 = vector.broadcast %jit3A_954 : f32 to vector<64x512xf32>
    %select_n3A_958 = arith.select %broadcast_in_dim3A_956, %get3A_953, %broadcast_in_dim3A_957 : vector<64x512xi1>, vector<64x512xf32>
    %add3A_959 = arith.addf %sub3A_897, %select_n3A_958 : vector<64x512xf32>
    %eq3A_960 = arith.constant 1.200000e+01 : f32
    %eq3A_961 = vector.broadcast %eq3A_960 : f32 to vector<1x512xf32>
    %eq3A_962 = arith.cmpf oeq, %get3A_7, %eq3A_961 : vector<1x512xf32>
    %get3A_963 = arith.constant 0 : index
    %get3A_964 = arith.constant 12 : index
    %get3A_965 = arith.constant 0 : index
    %get3A_966 = vector.load %arg4[%get3A_963, %get3A_964, %get3A_965] : memref<64x16x512xf32, #tpu.memory_space<vmem>>, vector<64x1x512xf32>
    %get3A_967 = vector.shape_cast %get3A_966 : vector<64x1x512xf32> to vector<64x512xf32>
    %jit3A_968 = arith.constant 0.000000e+00 : f32
    %broadcast_in_dim3A_969 = vector.shape_cast %eq3A_962 : vector<1x512xi1> to vector<1x512xi1>
    %broadcast_in_dim3A_970 = vector.broadcast %broadcast_in_dim3A_969 : vector<1x512xi1> to vector<64x512xi1>
    %broadcast_in_dim3A_971 = vector.broadcast %jit3A_968 : f32 to vector<64x512xf32>
    %select_n3A_972 = arith.select %broadcast_in_dim3A_970, %get3A_967, %broadcast_in_dim3A_971 : vector<64x512xi1>, vector<64x512xf32>
    %sub3A_973 = arith.subf %add3A_959, %select_n3A_972 : vector<64x512xf32>
    %eq3A_974 = arith.constant 1.200000e+01 : f32
    %eq3A_975 = vector.broadcast %eq3A_974 : f32 to vector<1x512xf32>
    %eq3A_976 = arith.cmpf oeq, %get3A_4, %eq3A_975 : vector<1x512xf32>
    %get3A_977 = arith.constant 12 : index
    %get3A_978 = arith.constant 0 : index
    %get3A_979 = vector.load %arg5[%get3A_977, %get3A_978] : memref<16x512xf32, #tpu.memory_space<vmem>>, vector<1x512xf32>
    %jit3A_980 = arith.constant 0.000000e+00 : f32
    %broadcast_in_dim3A_981 = vector.broadcast %jit3A_980 : f32 to vector<1x512xf32>
    %select_n3A_982 = arith.select %eq3A_976, %get3A_979, %broadcast_in_dim3A_981 : vector<1x512xi1>, vector<1x512xf32>
    %add3A_983 = arith.addf %add3A_907, %select_n3A_982 : vector<1x512xf32>
    %eq3A_984 = arith.constant 1.200000e+01 : f32
    %eq3A_985 = vector.broadcast %eq3A_984 : f32 to vector<1x512xf32>
    %eq3A_986 = arith.cmpf oeq, %get3A_7, %eq3A_985 : vector<1x512xf32>
    %get3A_987 = arith.constant 12 : index
    %get3A_988 = arith.constant 0 : index
    %get3A_989 = vector.load %arg6[%get3A_987, %get3A_988] : memref<16x512xf32, #tpu.memory_space<vmem>>, vector<1x512xf32>
    %jit3A_990 = arith.constant 0.000000e+00 : f32
    %broadcast_in_dim3A_991 = vector.broadcast %jit3A_990 : f32 to vector<1x512xf32>
    %select_n3A_992 = arith.select %eq3A_986, %get3A_989, %broadcast_in_dim3A_991 : vector<1x512xi1>, vector<1x512xf32>
    %add3A_993 = arith.addf %add3A_917, %select_n3A_992 : vector<1x512xf32>
    %eq3A_994 = arith.constant 1.300000e+01 : f32
    %eq3A_995 = vector.broadcast %eq3A_994 : f32 to vector<1x512xf32>
    %eq3A_996 = arith.cmpf oeq, %get3A_1, %eq3A_995 : vector<1x512xf32>
    %get3A_997 = arith.constant 0 : index
    %get3A_998 = arith.constant 13 : index
    %get3A_999 = arith.constant 0 : index
    %get3A_1000 = vector.load %arg1[%get3A_997, %get3A_998, %get3A_999] : memref<64x16x512xf32, #tpu.memory_space<vmem>>, vector<64x1x512xf32>
    %get3A_1001 = vector.shape_cast %get3A_1000 : vector<64x1x512xf32> to vector<64x512xf32>
    %jit3A_1002 = arith.constant 0.000000e+00 : f32
    %broadcast_in_dim3A_1003 = vector.shape_cast %eq3A_996 : vector<1x512xi1> to vector<1x512xi1>
    %broadcast_in_dim3A_1004 = vector.broadcast %broadcast_in_dim3A_1003 : vector<1x512xi1> to vector<64x512xi1>
    %broadcast_in_dim3A_1005 = vector.broadcast %jit3A_1002 : f32 to vector<64x512xf32>
    %select_n3A_1006 = arith.select %broadcast_in_dim3A_1004, %get3A_1001, %broadcast_in_dim3A_1005 : vector<64x512xi1>, vector<64x512xf32>
    %add3A_1007 = arith.addf %add3A_931, %select_n3A_1006 : vector<64x512xf32>
    %eq3A_1008 = arith.constant 1.300000e+01 : f32
    %eq3A_1009 = vector.broadcast %eq3A_1008 : f32 to vector<1x512xf32>
    %eq3A_1010 = arith.cmpf oeq, %get3A_1, %eq3A_1009 : vector<1x512xf32>
    %get3A_1011 = arith.constant 0 : index
    %get3A_1012 = arith.constant 13 : index
    %get3A_1013 = arith.constant 0 : index
    %get3A_1014 = vector.load %arg2[%get3A_1011, %get3A_1012, %get3A_1013] : memref<64x16x512xf32, #tpu.memory_space<vmem>>, vector<64x1x512xf32>
    %get3A_1015 = vector.shape_cast %get3A_1014 : vector<64x1x512xf32> to vector<64x512xf32>
    %jit3A_1016 = arith.constant 0.000000e+00 : f32
    %broadcast_in_dim3A_1017 = vector.shape_cast %eq3A_1010 : vector<1x512xi1> to vector<1x512xi1>
    %broadcast_in_dim3A_1018 = vector.broadcast %broadcast_in_dim3A_1017 : vector<1x512xi1> to vector<64x512xi1>
    %broadcast_in_dim3A_1019 = vector.broadcast %jit3A_1016 : f32 to vector<64x512xf32>
    %select_n3A_1020 = arith.select %broadcast_in_dim3A_1018, %get3A_1015, %broadcast_in_dim3A_1019 : vector<64x512xi1>, vector<64x512xf32>
    %add3A_1021 = arith.addf %add3A_945, %select_n3A_1020 : vector<64x512xf32>
    %eq3A_1022 = arith.constant 1.300000e+01 : f32
    %eq3A_1023 = vector.broadcast %eq3A_1022 : f32 to vector<1x512xf32>
    %eq3A_1024 = arith.cmpf oeq, %get3A_4, %eq3A_1023 : vector<1x512xf32>
    %get3A_1025 = arith.constant 0 : index
    %get3A_1026 = arith.constant 13 : index
    %get3A_1027 = arith.constant 0 : index
    %get3A_1028 = vector.load %arg3[%get3A_1025, %get3A_1026, %get3A_1027] : memref<64x16x512xf32, #tpu.memory_space<vmem>>, vector<64x1x512xf32>
    %get3A_1029 = vector.shape_cast %get3A_1028 : vector<64x1x512xf32> to vector<64x512xf32>
    %jit3A_1030 = arith.constant 0.000000e+00 : f32
    %broadcast_in_dim3A_1031 = vector.shape_cast %eq3A_1024 : vector<1x512xi1> to vector<1x512xi1>
    %broadcast_in_dim3A_1032 = vector.broadcast %broadcast_in_dim3A_1031 : vector<1x512xi1> to vector<64x512xi1>
    %broadcast_in_dim3A_1033 = vector.broadcast %jit3A_1030 : f32 to vector<64x512xf32>
    %select_n3A_1034 = arith.select %broadcast_in_dim3A_1032, %get3A_1029, %broadcast_in_dim3A_1033 : vector<64x512xi1>, vector<64x512xf32>
    %add3A_1035 = arith.addf %sub3A_973, %select_n3A_1034 : vector<64x512xf32>
    %eq3A_1036 = arith.constant 1.300000e+01 : f32
    %eq3A_1037 = vector.broadcast %eq3A_1036 : f32 to vector<1x512xf32>
    %eq3A_1038 = arith.cmpf oeq, %get3A_7, %eq3A_1037 : vector<1x512xf32>
    %get3A_1039 = arith.constant 0 : index
    %get3A_1040 = arith.constant 13 : index
    %get3A_1041 = arith.constant 0 : index
    %get3A_1042 = vector.load %arg4[%get3A_1039, %get3A_1040, %get3A_1041] : memref<64x16x512xf32, #tpu.memory_space<vmem>>, vector<64x1x512xf32>
    %get3A_1043 = vector.shape_cast %get3A_1042 : vector<64x1x512xf32> to vector<64x512xf32>
    %jit3A_1044 = arith.constant 0.000000e+00 : f32
    %broadcast_in_dim3A_1045 = vector.shape_cast %eq3A_1038 : vector<1x512xi1> to vector<1x512xi1>
    %broadcast_in_dim3A_1046 = vector.broadcast %broadcast_in_dim3A_1045 : vector<1x512xi1> to vector<64x512xi1>
    %broadcast_in_dim3A_1047 = vector.broadcast %jit3A_1044 : f32 to vector<64x512xf32>
    %select_n3A_1048 = arith.select %broadcast_in_dim3A_1046, %get3A_1043, %broadcast_in_dim3A_1047 : vector<64x512xi1>, vector<64x512xf32>
    %sub3A_1049 = arith.subf %add3A_1035, %select_n3A_1048 : vector<64x512xf32>
    %eq3A_1050 = arith.constant 1.300000e+01 : f32
    %eq3A_1051 = vector.broadcast %eq3A_1050 : f32 to vector<1x512xf32>
    %eq3A_1052 = arith.cmpf oeq, %get3A_4, %eq3A_1051 : vector<1x512xf32>
    %get3A_1053 = arith.constant 13 : index
    %get3A_1054 = arith.constant 0 : index
    %get3A_1055 = vector.load %arg5[%get3A_1053, %get3A_1054] : memref<16x512xf32, #tpu.memory_space<vmem>>, vector<1x512xf32>
    %jit3A_1056 = arith.constant 0.000000e+00 : f32
    %broadcast_in_dim3A_1057 = vector.broadcast %jit3A_1056 : f32 to vector<1x512xf32>
    %select_n3A_1058 = arith.select %eq3A_1052, %get3A_1055, %broadcast_in_dim3A_1057 : vector<1x512xi1>, vector<1x512xf32>
    %add3A_1059 = arith.addf %add3A_983, %select_n3A_1058 : vector<1x512xf32>
    %eq3A_1060 = arith.constant 1.300000e+01 : f32
    %eq3A_1061 = vector.broadcast %eq3A_1060 : f32 to vector<1x512xf32>
    %eq3A_1062 = arith.cmpf oeq, %get3A_7, %eq3A_1061 : vector<1x512xf32>
    %get3A_1063 = arith.constant 13 : index
    %get3A_1064 = arith.constant 0 : index
    %get3A_1065 = vector.load %arg6[%get3A_1063, %get3A_1064] : memref<16x512xf32, #tpu.memory_space<vmem>>, vector<1x512xf32>
    %jit3A_1066 = arith.constant 0.000000e+00 : f32
    %broadcast_in_dim3A_1067 = vector.broadcast %jit3A_1066 : f32 to vector<1x512xf32>
    %select_n3A_1068 = arith.select %eq3A_1062, %get3A_1065, %broadcast_in_dim3A_1067 : vector<1x512xi1>, vector<1x512xf32>
    %add3A_1069 = arith.addf %add3A_993, %select_n3A_1068 : vector<1x512xf32>
    %eq3A_1070 = arith.constant 1.400000e+01 : f32
    %eq3A_1071 = vector.broadcast %eq3A_1070 : f32 to vector<1x512xf32>
    %eq3A_1072 = arith.cmpf oeq, %get3A_1, %eq3A_1071 : vector<1x512xf32>
    %get3A_1073 = arith.constant 0 : index
    %get3A_1074 = arith.constant 14 : index
    %get3A_1075 = arith.constant 0 : index
    %get3A_1076 = vector.load %arg1[%get3A_1073, %get3A_1074, %get3A_1075] : memref<64x16x512xf32, #tpu.memory_space<vmem>>, vector<64x1x512xf32>
    %get3A_1077 = vector.shape_cast %get3A_1076 : vector<64x1x512xf32> to vector<64x512xf32>
    %jit3A_1078 = arith.constant 0.000000e+00 : f32
    %broadcast_in_dim3A_1079 = vector.shape_cast %eq3A_1072 : vector<1x512xi1> to vector<1x512xi1>
    %broadcast_in_dim3A_1080 = vector.broadcast %broadcast_in_dim3A_1079 : vector<1x512xi1> to vector<64x512xi1>
    %broadcast_in_dim3A_1081 = vector.broadcast %jit3A_1078 : f32 to vector<64x512xf32>
    %select_n3A_1082 = arith.select %broadcast_in_dim3A_1080, %get3A_1077, %broadcast_in_dim3A_1081 : vector<64x512xi1>, vector<64x512xf32>
    %add3A_1083 = arith.addf %add3A_1007, %select_n3A_1082 : vector<64x512xf32>
    %eq3A_1084 = arith.constant 1.400000e+01 : f32
    %eq3A_1085 = vector.broadcast %eq3A_1084 : f32 to vector<1x512xf32>
    %eq3A_1086 = arith.cmpf oeq, %get3A_1, %eq3A_1085 : vector<1x512xf32>
    %get3A_1087 = arith.constant 0 : index
    %get3A_1088 = arith.constant 14 : index
    %get3A_1089 = arith.constant 0 : index
    %get3A_1090 = vector.load %arg2[%get3A_1087, %get3A_1088, %get3A_1089] : memref<64x16x512xf32, #tpu.memory_space<vmem>>, vector<64x1x512xf32>
    %get3A_1091 = vector.shape_cast %get3A_1090 : vector<64x1x512xf32> to vector<64x512xf32>
    %jit3A_1092 = arith.constant 0.000000e+00 : f32
    %broadcast_in_dim3A_1093 = vector.shape_cast %eq3A_1086 : vector<1x512xi1> to vector<1x512xi1>
    %broadcast_in_dim3A_1094 = vector.broadcast %broadcast_in_dim3A_1093 : vector<1x512xi1> to vector<64x512xi1>
    %broadcast_in_dim3A_1095 = vector.broadcast %jit3A_1092 : f32 to vector<64x512xf32>
    %select_n3A_1096 = arith.select %broadcast_in_dim3A_1094, %get3A_1091, %broadcast_in_dim3A_1095 : vector<64x512xi1>, vector<64x512xf32>
    %add3A_1097 = arith.addf %add3A_1021, %select_n3A_1096 : vector<64x512xf32>
    %eq3A_1098 = arith.constant 1.400000e+01 : f32
    %eq3A_1099 = vector.broadcast %eq3A_1098 : f32 to vector<1x512xf32>
    %eq3A_1100 = arith.cmpf oeq, %get3A_4, %eq3A_1099 : vector<1x512xf32>
    %get3A_1101 = arith.constant 0 : index
    %get3A_1102 = arith.constant 14 : index
    %get3A_1103 = arith.constant 0 : index
    %get3A_1104 = vector.load %arg3[%get3A_1101, %get3A_1102, %get3A_1103] : memref<64x16x512xf32, #tpu.memory_space<vmem>>, vector<64x1x512xf32>
    %get3A_1105 = vector.shape_cast %get3A_1104 : vector<64x1x512xf32> to vector<64x512xf32>
    %jit3A_1106 = arith.constant 0.000000e+00 : f32
    %broadcast_in_dim3A_1107 = vector.shape_cast %eq3A_1100 : vector<1x512xi1> to vector<1x512xi1>
    %broadcast_in_dim3A_1108 = vector.broadcast %broadcast_in_dim3A_1107 : vector<1x512xi1> to vector<64x512xi1>
    %broadcast_in_dim3A_1109 = vector.broadcast %jit3A_1106 : f32 to vector<64x512xf32>
    %select_n3A_1110 = arith.select %broadcast_in_dim3A_1108, %get3A_1105, %broadcast_in_dim3A_1109 : vector<64x512xi1>, vector<64x512xf32>
    %add3A_1111 = arith.addf %sub3A_1049, %select_n3A_1110 : vector<64x512xf32>
    %eq3A_1112 = arith.constant 1.400000e+01 : f32
    %eq3A_1113 = vector.broadcast %eq3A_1112 : f32 to vector<1x512xf32>
    %eq3A_1114 = arith.cmpf oeq, %get3A_7, %eq3A_1113 : vector<1x512xf32>
    %get3A_1115 = arith.constant 0 : index
    %get3A_1116 = arith.constant 14 : index
    %get3A_1117 = arith.constant 0 : index
    %get3A_1118 = vector.load %arg4[%get3A_1115, %get3A_1116, %get3A_1117] : memref<64x16x512xf32, #tpu.memory_space<vmem>>, vector<64x1x512xf32>
    %get3A_1119 = vector.shape_cast %get3A_1118 : vector<64x1x512xf32> to vector<64x512xf32>
    %jit3A_1120 = arith.constant 0.000000e+00 : f32
    %broadcast_in_dim3A_1121 = vector.shape_cast %eq3A_1114 : vector<1x512xi1> to vector<1x512xi1>
    %broadcast_in_dim3A_1122 = vector.broadcast %broadcast_in_dim3A_1121 : vector<1x512xi1> to vector<64x512xi1>
    %broadcast_in_dim3A_1123 = vector.broadcast %jit3A_1120 : f32 to vector<64x512xf32>
    %select_n3A_1124 = arith.select %broadcast_in_dim3A_1122, %get3A_1119, %broadcast_in_dim3A_1123 : vector<64x512xi1>, vector<64x512xf32>
    %sub3A_1125 = arith.subf %add3A_1111, %select_n3A_1124 : vector<64x512xf32>
    %eq3A_1126 = arith.constant 1.400000e+01 : f32
    %eq3A_1127 = vector.broadcast %eq3A_1126 : f32 to vector<1x512xf32>
    %eq3A_1128 = arith.cmpf oeq, %get3A_4, %eq3A_1127 : vector<1x512xf32>
    %get3A_1129 = arith.constant 14 : index
    %get3A_1130 = arith.constant 0 : index
    %get3A_1131 = vector.load %arg5[%get3A_1129, %get3A_1130] : memref<16x512xf32, #tpu.memory_space<vmem>>, vector<1x512xf32>
    %jit3A_1132 = arith.constant 0.000000e+00 : f32
    %broadcast_in_dim3A_1133 = vector.broadcast %jit3A_1132 : f32 to vector<1x512xf32>
    %select_n3A_1134 = arith.select %eq3A_1128, %get3A_1131, %broadcast_in_dim3A_1133 : vector<1x512xi1>, vector<1x512xf32>
    %add3A_1135 = arith.addf %add3A_1059, %select_n3A_1134 : vector<1x512xf32>
    %eq3A_1136 = arith.constant 1.400000e+01 : f32
    %eq3A_1137 = vector.broadcast %eq3A_1136 : f32 to vector<1x512xf32>
    %eq3A_1138 = arith.cmpf oeq, %get3A_7, %eq3A_1137 : vector<1x512xf32>
    %get3A_1139 = arith.constant 14 : index
    %get3A_1140 = arith.constant 0 : index
    %get3A_1141 = vector.load %arg6[%get3A_1139, %get3A_1140] : memref<16x512xf32, #tpu.memory_space<vmem>>, vector<1x512xf32>
    %jit3A_1142 = arith.constant 0.000000e+00 : f32
    %broadcast_in_dim3A_1143 = vector.broadcast %jit3A_1142 : f32 to vector<1x512xf32>
    %select_n3A_1144 = arith.select %eq3A_1138, %get3A_1141, %broadcast_in_dim3A_1143 : vector<1x512xi1>, vector<1x512xf32>
    %add3A_1145 = arith.addf %add3A_1069, %select_n3A_1144 : vector<1x512xf32>
    %eq3A_1146 = arith.constant 1.500000e+01 : f32
    %eq3A_1147 = vector.broadcast %eq3A_1146 : f32 to vector<1x512xf32>
    %eq3A_1148 = arith.cmpf oeq, %get3A_1, %eq3A_1147 : vector<1x512xf32>
    %get3A_1149 = arith.constant 0 : index
    %get3A_1150 = arith.constant 15 : index
    %get3A_1151 = arith.constant 0 : index
    %get3A_1152 = vector.load %arg1[%get3A_1149, %get3A_1150, %get3A_1151] : memref<64x16x512xf32, #tpu.memory_space<vmem>>, vector<64x1x512xf32>
    %get3A_1153 = vector.shape_cast %get3A_1152 : vector<64x1x512xf32> to vector<64x512xf32>
    %jit3A_1154 = arith.constant 0.000000e+00 : f32
    %broadcast_in_dim3A_1155 = vector.shape_cast %eq3A_1148 : vector<1x512xi1> to vector<1x512xi1>
    %broadcast_in_dim3A_1156 = vector.broadcast %broadcast_in_dim3A_1155 : vector<1x512xi1> to vector<64x512xi1>
    %broadcast_in_dim3A_1157 = vector.broadcast %jit3A_1154 : f32 to vector<64x512xf32>
    %select_n3A_1158 = arith.select %broadcast_in_dim3A_1156, %get3A_1153, %broadcast_in_dim3A_1157 : vector<64x512xi1>, vector<64x512xf32>
    %add3A_1159 = arith.addf %add3A_1083, %select_n3A_1158 : vector<64x512xf32>
    %eq3A_1160 = arith.constant 1.500000e+01 : f32
    %eq3A_1161 = vector.broadcast %eq3A_1160 : f32 to vector<1x512xf32>
    %eq3A_1162 = arith.cmpf oeq, %get3A_1, %eq3A_1161 : vector<1x512xf32>
    %get3A_1163 = arith.constant 0 : index
    %get3A_1164 = arith.constant 15 : index
    %get3A_1165 = arith.constant 0 : index
    %get3A_1166 = vector.load %arg2[%get3A_1163, %get3A_1164, %get3A_1165] : memref<64x16x512xf32, #tpu.memory_space<vmem>>, vector<64x1x512xf32>
    %get3A_1167 = vector.shape_cast %get3A_1166 : vector<64x1x512xf32> to vector<64x512xf32>
    %jit3A_1168 = arith.constant 0.000000e+00 : f32
    %broadcast_in_dim3A_1169 = vector.shape_cast %eq3A_1162 : vector<1x512xi1> to vector<1x512xi1>
    %broadcast_in_dim3A_1170 = vector.broadcast %broadcast_in_dim3A_1169 : vector<1x512xi1> to vector<64x512xi1>
    %broadcast_in_dim3A_1171 = vector.broadcast %jit3A_1168 : f32 to vector<64x512xf32>
    %select_n3A_1172 = arith.select %broadcast_in_dim3A_1170, %get3A_1167, %broadcast_in_dim3A_1171 : vector<64x512xi1>, vector<64x512xf32>
    %add3A_1173 = arith.addf %add3A_1097, %select_n3A_1172 : vector<64x512xf32>
    %eq3A_1174 = arith.constant 1.500000e+01 : f32
    %eq3A_1175 = vector.broadcast %eq3A_1174 : f32 to vector<1x512xf32>
    %eq3A_1176 = arith.cmpf oeq, %get3A_4, %eq3A_1175 : vector<1x512xf32>
    %get3A_1177 = arith.constant 0 : index
    %get3A_1178 = arith.constant 15 : index
    %get3A_1179 = arith.constant 0 : index
    %get3A_1180 = vector.load %arg3[%get3A_1177, %get3A_1178, %get3A_1179] : memref<64x16x512xf32, #tpu.memory_space<vmem>>, vector<64x1x512xf32>
    %get3A_1181 = vector.shape_cast %get3A_1180 : vector<64x1x512xf32> to vector<64x512xf32>
    %jit3A_1182 = arith.constant 0.000000e+00 : f32
    %broadcast_in_dim3A_1183 = vector.shape_cast %eq3A_1176 : vector<1x512xi1> to vector<1x512xi1>
    %broadcast_in_dim3A_1184 = vector.broadcast %broadcast_in_dim3A_1183 : vector<1x512xi1> to vector<64x512xi1>
    %broadcast_in_dim3A_1185 = vector.broadcast %jit3A_1182 : f32 to vector<64x512xf32>
    %select_n3A_1186 = arith.select %broadcast_in_dim3A_1184, %get3A_1181, %broadcast_in_dim3A_1185 : vector<64x512xi1>, vector<64x512xf32>
    %add3A_1187 = arith.addf %sub3A_1125, %select_n3A_1186 : vector<64x512xf32>
    %eq3A_1188 = arith.constant 1.500000e+01 : f32
    %eq3A_1189 = vector.broadcast %eq3A_1188 : f32 to vector<1x512xf32>
    %eq3A_1190 = arith.cmpf oeq, %get3A_7, %eq3A_1189 : vector<1x512xf32>
    %get3A_1191 = arith.constant 0 : index
    %get3A_1192 = arith.constant 15 : index
    %get3A_1193 = arith.constant 0 : index
    %get3A_1194 = vector.load %arg4[%get3A_1191, %get3A_1192, %get3A_1193] : memref<64x16x512xf32, #tpu.memory_space<vmem>>, vector<64x1x512xf32>
    %get3A_1195 = vector.shape_cast %get3A_1194 : vector<64x1x512xf32> to vector<64x512xf32>
    %jit3A_1196 = arith.constant 0.000000e+00 : f32
    %broadcast_in_dim3A_1197 = vector.shape_cast %eq3A_1190 : vector<1x512xi1> to vector<1x512xi1>
    %broadcast_in_dim3A_1198 = vector.broadcast %broadcast_in_dim3A_1197 : vector<1x512xi1> to vector<64x512xi1>
    %broadcast_in_dim3A_1199 = vector.broadcast %jit3A_1196 : f32 to vector<64x512xf32>
    %select_n3A_1200 = arith.select %broadcast_in_dim3A_1198, %get3A_1195, %broadcast_in_dim3A_1199 : vector<64x512xi1>, vector<64x512xf32>
    %sub3A_1201 = arith.subf %add3A_1187, %select_n3A_1200 : vector<64x512xf32>
    %eq3A_1202 = arith.constant 1.500000e+01 : f32
    %eq3A_1203 = vector.broadcast %eq3A_1202 : f32 to vector<1x512xf32>
    %eq3A_1204 = arith.cmpf oeq, %get3A_4, %eq3A_1203 : vector<1x512xf32>
    %get3A_1205 = arith.constant 15 : index
    %get3A_1206 = arith.constant 0 : index
    %get3A_1207 = vector.load %arg5[%get3A_1205, %get3A_1206] : memref<16x512xf32, #tpu.memory_space<vmem>>, vector<1x512xf32>
    %jit3A_1208 = arith.constant 0.000000e+00 : f32
    %broadcast_in_dim3A_1209 = vector.broadcast %jit3A_1208 : f32 to vector<1x512xf32>
    %select_n3A_1210 = arith.select %eq3A_1204, %get3A_1207, %broadcast_in_dim3A_1209 : vector<1x512xi1>, vector<1x512xf32>
    %add3A_1211 = arith.addf %add3A_1135, %select_n3A_1210 : vector<1x512xf32>
    %eq3A_1212 = arith.constant 1.500000e+01 : f32
    %eq3A_1213 = vector.broadcast %eq3A_1212 : f32 to vector<1x512xf32>
    %eq3A_1214 = arith.cmpf oeq, %get3A_7, %eq3A_1213 : vector<1x512xf32>
    %get3A_1215 = arith.constant 15 : index
    %get3A_1216 = arith.constant 0 : index
    %get3A_1217 = vector.load %arg6[%get3A_1215, %get3A_1216] : memref<16x512xf32, #tpu.memory_space<vmem>>, vector<1x512xf32>
    %jit3A_1218 = arith.constant 0.000000e+00 : f32
    %broadcast_in_dim3A_1219 = vector.broadcast %jit3A_1218 : f32 to vector<1x512xf32>
    %select_n3A_1220 = arith.select %eq3A_1214, %get3A_1217, %broadcast_in_dim3A_1219 : vector<1x512xi1>, vector<1x512xf32>
    %add3A_1221 = arith.addf %add3A_1145, %select_n3A_1220 : vector<1x512xf32>
    %get3A_1222 = arith.constant 0 : index
    %get3A_1223 = arith.constant 0 : index
    %get3A_1224 = vector.load %arg10[%get3A_1222, %get3A_1223] : memref<512x512xf32, #tpu.memory_space<vmem>>, vector<512x512xf32>
    %get3A_1225 = arith.constant 0 : index
    %get3A_1226 = arith.constant 0 : index
    %get3A_1227 = vector.load %arg11[%get3A_1225, %get3A_1226] : memref<512x512xf32, #tpu.memory_space<vmem>>, vector<512x512xf32>
    %sub3A_1228 = arith.subf %get3A_1224, %get3A_1227 : vector<512x512xf32>
    %get3A_1229 = arith.constant 0 : index
    %get3A_1230 = arith.constant 0 : index
    %get3A_1231 = vector.load %arg12[%get3A_1229, %get3A_1230] : memref<512x64xf32, #tpu.memory_space<vmem>>, vector<512x64xf32>
    %dot_general3A = arith.constant dense<0.000000e+00> : vector<512x64xf32>
    %dot_general3A_1232 = tpu.matmul %sub3A_1228, %get3A_1231, %dot_general3A {dimension_numbers = #tpu.dot_dimension_numbers<[1], [0], [0], [1], [0, 0, 1, 1], [], []>, transpose_lhs_hint = false} : vector<512x512xf32>, vector<512x64xf32>, vector<512x64xf32> -> vector<512x64xf32>
    %transpose3A = tpu.transpose %dot_general3A_1232, [1, 0] : vector<512x64xf32> -> vector<64x512xf32>
    %mul3A = arith.mulf %add3A_1173, %transpose3A : vector<64x512xf32>
    %reduce_sum3A = arith.constant dense<0.000000e+00> : vector<512xf32>
    %reduce_sum3A_1233 = vector.multi_reduction <add>, %mul3A, %reduce_sum3A [0] : vector<64x512xf32> to vector<512xf32>
    %mul3A_1234 = arith.mulf %add3A_1159, %sub3A_1201 : vector<64x512xf32>
    %reduce_sum3A_1235 = arith.constant dense<0.000000e+00> : vector<512xf32>
    %reduce_sum3A_1236 = vector.multi_reduction <add>, %mul3A_1234, %reduce_sum3A_1235 [0] : vector<64x512xf32> to vector<512xf32>
    %add3A_1237 = arith.addf %reduce_sum3A_1236, %reduce_sum3A_1233 : vector<512xf32>
    %swap3A = arith.constant 0 : index
    %swap3A_1238 = vector.load %arg14[%swap3A] : memref<512xf32, #tpu.memory_space<vmem>>, vector<512xf32>
    tpu.vector_store %arg14[%swap3A], %add3A_1237 {strides = array<i32>} : memref<512xf32, #tpu.memory_space<vmem>>, vector<512xf32>,
    %get3A_1239 = arith.constant 0 : index
    %get3A_1240 = arith.constant 0 : index
    %get3A_1241 = vector.load %arg13[%get3A_1239, %get3A_1240] : memref<512x1xf32, #tpu.memory_space<vmem>>, vector<512x1xf32>
    %dot_general3A_1242 = arith.constant dense<0.000000e+00> : vector<512x1xf32>
    %dot_general3A_1243 = tpu.matmul %sub3A_1228, %get3A_1241, %dot_general3A_1242 {dimension_numbers = #tpu.dot_dimension_numbers<[1], [0], [0], [1], [0, 0, 1, 1], [], []>, transpose_lhs_hint = false} : vector<512x512xf32>, vector<512x1xf32>, vector<512x1xf32> -> vector<512x1xf32>
    %transpose3A_1244 = tpu.transpose %add3A_1211, [1, 0] : vector<1x512xf32> -> vector<512x1xf32>
    %add3A_1245 = arith.addf %dot_general3A_1243, %transpose3A_1244 : vector<512x1xf32>
    %transpose3A_1246 = tpu.transpose %add3A_1221, [1, 0] : vector<1x512xf32> -> vector<512x1xf32>
    %sub3A_1247 = arith.subf %add3A_1245, %transpose3A_1246 : vector<512x1xf32>
    %swap3A_1248 = arith.constant 0 : index
    %swap3A_1249 = arith.constant 0 : index
    %swap3A_1250 = vector.load %arg15[%swap3A_1248, %swap3A_1249] : memref<512x1xf32, #tpu.memory_space<vmem>>, vector<512x1xf32>
    tpu.vector_store %arg15[%swap3A_1248, %swap3A_1249], %sub3A_1247 {strides = array<i32>} : memref<512x1xf32, #tpu.memory_space<vmem>>, vector<512x1xf32>,
    return
  }
  func.func @transform_0(%arg0: i32) -> (i32, i32, i32) {
    %c0_i32 = arith.constant 0 : i32
    %c0_i32_0 = arith.constant 0 : i32
    %c0_i32_1 = arith.constant 0 : i32
    return %c0_i32, %c0_i32_0, %arg0 : i32, i32, i32
  }
  func.func @transform_1(%arg0: i32) -> (i32, i32, i32) {
    %c0_i32 = arith.constant 0 : i32
    %c0_i32_0 = arith.constant 0 : i32
    %c0_i32_1 = arith.constant 0 : i32
    return %c0_i32, %c0_i32_0, %arg0 : i32, i32, i32
  }
  func.func @transform_2(%arg0: i32) -> (i32, i32, i32) {
    %c0_i32 = arith.constant 0 : i32
    %c0_i32_0 = arith.constant 0 : i32
    %c0_i32_1 = arith.constant 0 : i32
    return %c0_i32, %c0_i32_0, %arg0 : i32, i32, i32
  }
  func.func @transform_3(%arg0: i32) -> (i32, i32, i32) {
    %c0_i32 = arith.constant 0 : i32
    %c0_i32_0 = arith.constant 0 : i32
    %c0_i32_1 = arith.constant 0 : i32
    return %c0_i32, %c0_i32_0, %arg0 : i32, i32, i32
  }
  func.func @transform_4(%arg0: i32) -> (i32, i32) {
    %c0_i32 = arith.constant 0 : i32
    %c0_i32_0 = arith.constant 0 : i32
    return %c0_i32, %arg0 : i32, i32
  }
  func.func @transform_5(%arg0: i32) -> (i32, i32) {
    %c0_i32 = arith.constant 0 : i32
    %c0_i32_0 = arith.constant 0 : i32
    return %c0_i32, %arg0 : i32, i32
  }
  func.func @transform_6(%arg0: i32) -> (i32, i32) {
    %c0_i32 = arith.constant 0 : i32
    %c0_i32_0 = arith.constant 0 : i32
    return %c0_i32, %arg0 : i32, i32
  }
  func.func @transform_7(%arg0: i32) -> (i32, i32) {
    %c0_i32 = arith.constant 0 : i32
    %c0_i32_0 = arith.constant 0 : i32
    return %c0_i32, %arg0 : i32, i32
  }
  func.func @transform_8(%arg0: i32) -> (i32, i32) {
    %c0_i32 = arith.constant 0 : i32
    %c0_i32_0 = arith.constant 0 : i32
    return %c0_i32, %arg0 : i32, i32
  }
  func.func @transform_9(%arg0: i32) -> (i32, i32) {
    %c0_i32 = arith.constant 0 : i32
    %c0_i32_0 = arith.constant 0 : i32
    return %arg0, %c0_i32 : i32, i32
  }
  func.func @transform_10(%arg0: i32) -> (i32, i32) {
    %c0_i32 = arith.constant 0 : i32
    %c0_i32_0 = arith.constant 0 : i32
    return %arg0, %c0_i32 : i32, i32
  }
  func.func @transform_11(%arg0: i32) -> (i32, i32) {
    %c0_i32 = arith.constant 0 : i32
    %c0_i32_0 = arith.constant 0 : i32
    %c0_i32_1 = arith.constant 0 : i32
    return %c0_i32, %c0_i32_0 : i32, i32
  }
  func.func @transform_12(%arg0: i32) -> (i32, i32) {
    %c0_i32 = arith.constant 0 : i32
    %c0_i32_0 = arith.constant 0 : i32
    %c0_i32_1 = arith.constant 0 : i32
    return %c0_i32, %c0_i32_0 : i32, i32
  }
  func.func @transform_13(%arg0: i32) -> i32 {
    %c0_i32 = arith.constant 0 : i32
    return %arg0 : i32
  }
  func.func @transform_14(%arg0: i32) -> (i32, i32) {
    %c0_i32 = arith.constant 0 : i32
    %c0_i32_0 = arith.constant 0 : i32
    return %arg0, %c0_i32 : i32, i32
  }
}

</mosaic_0001>

<sc_bundles>
// kernel: kernel.5.cloned.1.call-start
scs
__scs_entry_jumppad:
0x0: {  	(pc) =	sbr.rel $0x88, $3  }
0x1: {  	(tag) =	ssettag $0x0;
	lr =	simm.s32 $0x1  }
0x2: {  	[smem:$0x3F96] =	sst lr;
	_ =	strace $0xD0000000  }
0x3: {  	_ = 	snop  }
0x4: {  	_ = 	snop  }
0x5: {  	_ = 	snop  }
0x6: {  	_ = 	snop  }
0x7: {  	_ = 	snop  }
__scs_overlays_trampoline_lowered:
0x8: {  	[smem:$0x3FA5] =	sst s0  }
0x9: {  	[smem:$0x3FA6] =	sst s1  }
0xa: {  	[smem:$0x3FA7] =	sst s2  }
0xb: {  	[smem:$0x3FA8] =	sst s3  }
0xc: {  	[smem:$0x3FA9] =	sst s4  }
0xd: {  	[smem:$0x3FAA] =	sst s5  }
0xe: {  	[smem:$0x3FAB] =	sst s6  }
0xf: {  	[smem:$0x3FAC] =	sst s7  }
0x10: {  	[smem:$0x3FAD] =	sst s8  }
0x11: {  	[smem:$0x3FAE] =	sst s9;
	s0 =	simm.s32 @!p0 $0x0  }
0x12: {  	s1 =	sld [smem:$0x3F94];
	s0 =	simm.s32 @p0 $0x1  }
0x13: {  	[smem:$0x3FAF] =	sst s0;
	s0 =	simm.s32 @!p1 $0x0  }
0x14: {  	s2 =	sld [smem:$0x3F93];
	s0 =	simm.s32 @p1 $0x1  }
0x15: {  	[smem:$0x3FB0] =	sst s0;
	s0 =	simm.s32 @!p2 $0x0  }
0x16: {  	s3 =	sld [smem:$0x3FDB];
	s0 =	simm.s32 @p2 $0x1  }
0x17: {  	s4 =	simm.s32 $0x1BF5;
	[smem:$0x3FB2] =	sst s0  }
0x18: {  	s0 =	sld [smem:$0x3F95];
	_ =	swait.ge [sflag:s4], $0x0  }
0x19: {  	s7 =	sld [smem:$0x3F96]  }
0x1a: {  	s8 =	sadd.s32 $0xFFFFE003, lr  }
0x1b: {  	s9 =	sadd.s32 $0xFFFFFEF7, lr;
	s5 =	simm.s32 $0xFFFFFFFF;
	p2 =	slt.u32 s8, $0xFFFFF086  }
0x1c: {  	p1 =	slt.u32 s9, $0xF7A;
	s5 =	simm.s32 @!p2 $0x0  }
0x1d: {  	s5 =	simm.s32 @p1 $0x1;
	p0 =	seq.s32 s7, s2  }
0x1e: {  	s7 =	smul.u32 @!p0 $0xF7A, s2;
	p2 =	seq.s32 @!p0 s5, $0x0  }
0x1f: {  	s9 =	smul.u32 $0xF7A, s1;
	s8 =	simm.s32 @!p0 $0x1BF5;
	p2 =	por !p2, p0  }
0x20: {  	[sflag:s8] =	ssyncset.s32 @!p0 $0xFFFFF086;
	s6 =	sadd.s32 @!p0 s3, s7;
	s7 =	simm.s32 @!p0 $0x108  }
0x21: {  	s3 =	sadd.s32 s3, s9;
	s6 =	sadd.s32 @!p0 $0x88, s6;
	s7 =	simm.s32 @p2 $0x1082  }
0x22: {  	[simem:s7], [sflag:s8] =	dma.local @!p0 [hbm:s6], $0xF7A  }
0x23: {  	s9 =	sor.u32 $0xD0000000, s2;
	s6 =	simm.s32 $0x108;
	_ =	swait.ge @!p0 [sflag:s8], $0x0  }
0x24: {  	s3 =	sadd.s32 $0x88, s3;
	s6 =	simm.s32 @!p1 $0x1082;
	[sflag:s4] =	ssyncset.s32 $0xFFFFF086  }
0x25: {  	[simem:s6], [sflag:s4] =	dma.local [hbm:s3], $0xF7A  }
0x26: {  	[smem:$0x3F96] =	sst s1;
	(tag) =	ssettag s2;
	_ =	strace s9  }
0x27: {  	s1 =	sld [smem:$0x3FA6]  }
0x28: {  	s2 =	sld [smem:$0x3FA7]  }
0x29: {  	s4 =	sld [smem:$0x3FA9]  }
0x2a: {  	p0 =	seq.s32 s5, $0x0;
	s5 =	sld [smem:$0x3FAA]  }
0x2b: {  	s6 =	sld [smem:$0x3FAB]  }
0x2c: {  	s7 =	sld [smem:$0x3FAC]  }
0x2d: {  	s3 =	simm.s32 $0x108;
	s8 =	sld [smem:$0x3FAD]  }
0x2e: {  	s3 =	simm.s32 @!p0 $0x1082;
	s9 =	sld [smem:$0x3FAE]  }
0x2f: {  	lr =	sadd.s32 s0, s3;
	s0 =	sld [smem:$0x3FA5]  }
0x30: {  	s3 =	sld [smem:$0x3FA8]  }
0x31: {  	[smem:$0x3FB1] =	sst s10  }
0x32: {  	s10 =	sld [smem:$0x3FAF];
	_ =	sdelay $0x3  }
0x33: {  	p0 =	seq.s32 s10, $0x1;
	s10 =	sld [smem:$0x3FB1];
	_ =	sdelay $0x3  }
0x34: {  	[smem:$0x3FB1] =	sst s10  }
0x35: {  	s10 =	sld [smem:$0x3FB0];
	_ =	sdelay $0x3  }
0x36: {  	p1 =	seq.s32 s10, $0x1;
	s10 =	sld [smem:$0x3FB1];
	_ =	sdelay $0x3  }
0x37: {  	[smem:$0x3FB1] =	sst s10  }
0x38: {  	s10 =	sld [smem:$0x3FB2]  }
0x39: {  	_ = 	snop;
	(pc) =	sbr.ind lr, $3  }
0x3a: {  	_ = 	snop  }
0x3b: {  	_ = 	snop  }
0x3c: {  	p2 =	seq.s32 s10, $0x1;
	s10 =	sld [smem:$0x3FB1]  }
0x3d: {  	_ =	shalt  }
0x3e: {  	_ =	shalt  }
0x3f: {  	_ =	shalt  }
0x40: {  	_ =	shalt  }
0x41: {  	_ =	shalt  }
0x42: {  	_ =	shalt  }
0x43: {  	_ =	shalt  }
0x44: {  	_ =	shalt  }
0x45: {  	_ =	shalt  }
0x46: {  	_ =	shalt  }
0x47: {  	_ =	shalt  }
0x48: {  	_ =	shalt  }
0x49: {  	_ =	shalt  }
0x4a: {  	_ =	shalt  }
0x4b: {  	_ =	shalt  }
0x4c: {  	_ =	shalt  }
0x4d: {  	_ =	shalt  }
0x4e: {  	_ =	shalt  }
0x4f: {  	_ =	shalt  }
0x50: {  	_ =	shalt  }
0x51: {  	_ =	shalt  }
0x52: {  	_ =	shalt  }
0x53: {  	_ =	shalt  }
0x54: {  	_ =	shalt  }
0x55: {  	_ =	shalt  }
0x56: {  	_ =	shalt  }
0x57: {  	_ =	shalt  }
0x58: {  	_ =	shalt  }
0x59: {  	_ =	shalt  }
0x5a: {  	_ =	shalt  }
0x5b: {  	_ =	shalt  }
0x5c: {  	_ =	shalt  }
0x5d: {  	_ =	shalt  }
0x5e: {  	_ =	shalt  }
0x5f: {  	_ =	shalt  }
0x60: {  	_ =	shalt  }
0x61: {  	_ =	shalt  }
0x62: {  	_ =	shalt  }
0x63: {  	_ =	shalt  }
0x64: {  	_ =	shalt  }
0x65: {  	_ =	shalt  }
0x66: {  	_ =	shalt  }
0x67: {  	_ =	shalt  }
0x68: {  	_ =	shalt  }
0x69: {  	_ =	shalt  }
0x6a: {  	_ =	shalt  }
0x6b: {  	_ =	shalt  }
0x6c: {  	_ =	shalt  }
0x6d: {  	_ =	shalt  }
0x6e: {  	_ =	shalt  }
0x6f: {  	_ =	shalt  }
0x70: {  	_ =	shalt  }
0x71: {  	_ =	shalt  }
0x72: {  	_ =	shalt  }
0x73: {  	_ =	shalt  }
0x74: {  	_ =	shalt  }
0x75: {  	_ =	shalt  }
0x76: {  	_ =	shalt  }
0x77: {  	_ =	shalt  }
0x78: {  	_ =	shalt  }
0x79: {  	_ =	shalt  }
0x7a: {  	_ =	shalt  }
0x7b: {  	_ =	shalt  }
0x7c: {  	_ =	shalt  }
0x7d: {  	_ =	shalt  }
0x7e: {  	_ =	shalt  }
0x7f: {  	_ =	shalt  }
0x80: {  	_ =	shalt  }
0x81: {  	_ =	shalt  }
0x82: {  	_ =	shalt  }
0x83: {  	_ =	shalt  }
0x84: {  	_ =	shalt  }
0x85: {  	_ =	shalt  }
0x86: {  	_ =	shalt  }
0x87: {  	_ =	shalt  }
.Lfunc_end0:
.L_simem_size_0:
called_computation_lowered:
.L_overlay_start_0:
0x88: {  	s2 =	sld [smem:$0x3FD9]  }
0x89: {  	s3 =	sld [smem:$0x3FFE];
	_ =	sdelay $0x1  }
0x8a: {  	s1 =	srdreg.scid  }
0x8b: {  	s0 =	sand.u32 $0x1, s1  }
0x8c: {  	s17 =	sshll.u32 s0, $0xA;
	s2 =	sadd.s32 s3, s2  }
0x8d: {  	s2 =	sadd.s32 s2, s17  }
0x8e: {  	[smem:$0x3FBD] =	sst s2  }
0x8f: {  	_ = 	snop  }
0x90: {  	s2 =	sld [smem:$0x3FC9]  }
0x91: {  	s18 =	sld [smem:$0x3FC8]  }
0x92: {  	s4 =	sld [smem:$0x3FC7]  }
0x93: {  	s5 =	sld [smem:$0x3FC4]  }
0x94: {  	s6 =	sld [smem:$0x3FC3]  }
0x95: {  	s7 =	sld [smem:$0x3FC2]  }
0x96: {  	s8 =	sld [smem:$0x3FC0]  }
0x97: {  	s9 =	sld [smem:$0x3FD0];
	(tm) =	ssettm $0x1  }
0x98: {  	s10 =	sld [smem:$0x3FFB];
	_ =	sdelay $0x3  }
0x99: {  	_ =	strace s10  }
0x9a: {  	s10 =	sld [smem:$0x3FFC];
	_ =	sdelay $0x3  }
0x9b: {  	_ =	strace s10  }
0x9c: {  	s10 =	sld [smem:$0x3FFD];
	_ =	sdelay $0x3  }
0x9d: {  	_ =	strace s10  }
0x9e: {  	_ =	strace $0x8FFFFFFF  }
0x9f: {  	s19 =	sld [smem:$0x3FDB];
	_ =	sdelay $0x1  }
0xa0: {  	s11 =	simm.s32 $_scs_section_size  }
0xa1: {  	s12 =	simm.s32 $_size__tile_overlayer_lowered;
	s13 =	simm.s32 $_tile_overlayer_lowered  }
0xa2: {  	s22 =	simm.s32 $0x1BFF;
	s21 =	sshll.u32 s13, $0x1;
	s10 =	sadd.s32 s11, s19  }
0xa3: {  	s14 =	simm.s32 $0x0;
	s20 =	sshll.u32 s12, $0x1;
	s12 =	sadd.s32 s21, s10  }
0xa4: {  	[timem:s14], [sflag:s22] =	dma.local [hbm:s12], s20  }
0xa5: {  	_ =	swait.ge [sflag:s22], s20  }
0xa6: {  	s11 =	ssub.s32 $0x0, s20;
	[sflag:s22] =	ssyncset.done $0x0  }
0xa7: {  	[sflag:s22] =	ssyncadd.s32 s11;
	_ =	sdelay $0x1  }
0xa8: {  	s23 =	simm.s32 $0x1B8B  }
0xa9: {  	_ =	swait.ge [sflag:s23], $0x1  }
0xaa: {  	[sflag:s23] =	ssyncset.done $0x0  }
0xab: {  	s25 =	simm.s32 $0x1B8E;
	s24 =	sld [smem:$0x3FFE];
	[sflag:s23] =	ssyncadd.s32 $0xFFFFFFFF  }
0xac: {  	s26 =	simm.s32 $execute0_lowered;
	[smem:$0x3FD2] =	sst s25  }
0xad: {  	s12 =	sshll.u32 s26, $0x1;
	_ =	strace $0x80000046;
	[dreg:$0x1] =	wrdreg $0xFFFFFFFF  }
0xae: {  	s28 =	simm.s32 $_size_execute0_lowered;
	s10 =	sadd.s32 s10, s12;
	[dreg:$0x0] =	wrdreg $0x0  }
0xaf: {  	s12 =	sshll.u32 s28, $0x1;
	[dreg:$0x2] =	wrdreg s10  }
0xb0: {  	[dreg:$0x3] =	wrdreg s12  }
0xb1: {  	[dreg:$0x4] =	wrdreg $0xC0  }
0xb2: {  	_ =	task [dreg:s14], $0x5FFFF  }
0xb3: {  	[dreg:$0x1] =	wrdreg $0xFFFFFFFF  }
0xb4: {  	[dreg:$0x0] =	wrdreg $0x60  }
0xb5: {  	[dreg:$0x2] =	wrdreg s2  }
0xb6: {  	[dreg:$0x3] =	wrdreg s18  }
0xb7: {  	[dreg:$0x4] =	wrdreg s4  }
0xb8: {  	[dreg:$0x5] =	wrdreg s5  }
0xb9: {  	[dreg:$0x6] =	wrdreg s6  }
0xba: {  	[dreg:$0x7] =	wrdreg s7  }
0xbb: {  	[dreg:$0x8] =	wrdreg s8  }
0xbc: {  	[dreg:$0x9] =	wrdreg s24  }
0xbd: {  	[dreg:$0xa] =	wrdreg s9  }
0xbe: {  	[dreg:$0xb] =	wrdreg $0x9  }
0xbf: {  	_ =	task.clear_ibuf [dreg:s14], $0xCFFFF;
	_ =	strace $0x90000046  }
0xc0: {  	s29 =	simm.s32 $0x9;
	_ =	strace $0x80000048  }
0xc1: {  	_ =	swait.ge [sflag:s29], $0x1  }
0xc2: {  	[sflag:s29] =	ssyncadd.s32 $0xFFFFFFFF  }
0xc3: {  	_ =	strace $0x90000048  }
0xc4: {  	_ =	sfence  }
0xc5: {  	s30 =	sld [smem:$0x0];
	_ =	sdelay $0x2  }
0xc6: {  	s31 =	sshll.u32 s1, $0xD;
	s1 =	sshrl.u32 s1, $0x2  }
0xc7: {  	s3 =	sand.u32 $0x4000, s31;
	s1 =	sadd.s32 s1, s30  }
0xc8: {  	s0 =	sor.u32 s3, s0;
	s1 =	sshll.u32 s1, $0x11  }
0xc9: {  	s0 =	sor.u32 s1, s0  }
0xca: {  	s0 =	sadd.s32 $0x8F2B, s0  }
0xcb: {  	[sflag:s0] =	ssyncadd.remote.s32 $0x1  }
0xcc: {  	_ =	sfence.sel $0xFFFF  }
0xcd: {  	[dreg:$0x0] =	wrdreg $0xFFFFFFFF;
	(pc) =	sbr.abs _section_cstart, $3  }
0xce: {  	[dreg:$0x1] =	wrdreg $0xFFFFFFFF  }
0xcf: {  	_ =	task.clear_ibuf [dreg:s14], $0x2FFFF;
	_ =	strace $0x9FFFFFFF  }
0xd0: {  	(tm) =	ssettm $0x7FFFFFFF  }
0xd1: {  	_ =	shalt  }
tec
execute0_lowered:
.L_overlay_start_1:
0x0: {  	(tag) =	ssettag $0x1  }
0x1: {  	s4 =	rddreg [dreg:$0x3]  }
0x2: {  	s5 =	rddreg [dreg:$0x4]  }
0x3: {  	s6 =	rddreg [dreg:$0x5]  }
0x4: {  	s0 =	rddreg [dreg:$0x6]  }
0x5: {  	s1 =	rddreg [dreg:$0x7]  }
0x6: {  	s2 =	rddreg [dreg:$0x8];
	s8 =	simm.s32 $0x0  }
0x7: {  	s11 =	stileid.u32;
	s10 =	srdreg.scid;
	s30 =	simm.s32 $0x5000  }
0x8: {  	s31 =	simm.s32 $0x5180;
	s28 =	simm.s32 $0x15C00;
	s29 =	simm.s32 $0x0  }
0x9: {  	[smem:$0x7FF] =	sst s8;
	s3 =	sshll.u32 s11, $0x9;
	s7 =	sadd.s32 $0x1E00, s1  }
0xa: {  	s23 =	sadd.s32 $0x2200, s1;
	s24 =	sadd.s32 $0x1C00, s1;
	s12 =	sadd.s32 $0x86600, s1  }
0xb: {  	s9 =	sshll.u32 s11, $0x4;
	s13 =	sadd.s32 $0x106600, s1;
	s19 =	smul.u32 $0xF424, s11  }
0xc: {  	s20 =	smul.u32 $0x186A, s11;
	_ =	strace $0x80000047;
	[dreg:$0xa] =	wrdreg s7  }
0xd: {  	s10 =	sand.u32 $0x1, s10;
	s17 =	smul.u32 $0x7A120, s11;
	[dreg:$0xb] =	wrdreg s23  }
0xe: {  	p1 =	seq.s32 s11, $0xF;
	s3 =	sand.u32 $0x1000, s3;
	[dreg:$0xc] =	wrdreg s24  }
0xf: {  	s9 =	sand.u32 $0x70, s9;
	s15 =	ssub.s32 $0x2, s10;
	p0 =	sne.s32 s10, $0x0  }
0x10: {  	s25 =	sadd.s32 s3, s1;
	s14 =	sor.u32 s9, s3;
	s16 =	sshrl.u32 s15, $0x1  }
0x11: {  	s2 =	sadd.s32 s2, s3;
	s7 =	sshrl.u32 s20, $0x3;
	s17 =	sand.u32 $0x7FFC00, s17  }
0x12: {  	s1 =	sadd.s32 s14, s1;
	s21 =	ssub.s32 s15, s16;
	s15 =	sadd.s32 s9, s2  }
0x13: {  	s26 =	sadd.s32 s9, s25;
	s16 =	sshll.u32 s10, $0x5;
	s3 =	sand.u32 $0x3FF0, s7  }
0x14: {  	s25 =	sand.u32 $0xFFF80, s19;
	s7 =	simm.s32 $0x5600;
	s2 =	simm.s32 $0x5300  }
0x15: {  	s18 =	sadd.s32 $0x6600, s26;
	s9 =	sadd.s32 s0, s3;
	s0 =	sadd.s32 $0x2DC0, s0  }
.Ltmp0:
0x16: {  	s24 =	smax.u32 s21, $0x1;
	[dreg:$0xd] =	wrdreg s9;
	(pc) =	sbr.rel .LBB2_1-.Ltmp0, $4  }
0x17: {  	v4 =	vimm.f32 $0.0e+00;
	v5 =	vimm.s32 $0x0;
	v6 =	vimm.s32 $0x1000;
	s22 =	sadd.s32 $0x2600, s1;
	[dreg:$0x11] =	wrdreg s24;
	s24 =	sand.u32 $0x1FF80, s20  }
0x18: {  	v7 =	vlaneseq.u32;
	s23 =	sadd.s32 $0x4600, s1;
	s26 =	simm.s32 $0x1;
	v2 =	vmov s25;
	[dreg:$0xe] =	wrdreg s0;
	v3 =	vmov s24  }
0x19: {  	v0 =	vmov s19;
	s3 =	simm.s32 $0x6680;
	s1 =	simm.s32 $0x400;
	[dreg:$0xf] =	wrdreg s22;
	v2 =	vsub.s32 $0x0, v2;
	v3 =	vsub.s32 $0x0, v3  }
0x1a: {  	v1 =	vmov s20;
	s25 =	simm.s32 $0x5480;
	[dreg:$0x10] =	wrdreg s23;
	s0 =	simm.s32 $0x80;
	v2 =	vbroadcast v2, $0x0;
	v3 =	vbroadcast v3, $0x0  }
.LBB2_34:
0x1b: {  	s29 =	sadd.s32 $0x1, s29;
	s9 =	rddreg [dreg:$0x11]  }
0x1c: {  	p2 =	sne.s32 s29, s9  }
.Ltmp1:
0x1d: {  	_ = 	snop;
	(pc) =	sbr.rel @!p2 .LBB2_35-.Ltmp1, $1  }
0x1e: {  	_ =	sdelay $0x3  }
.LBB2_1:
0x1f: {  	s9 =	rddreg [dreg:$0xa];
	s10 =	simm.s32 $0x17580  }
0x20: {  	[tilespmem:s10], [sflag:$0x1] =	stream.linear.gather [hbm4b:s9+s8], $0x2000, $0x38;
	[tilespmem:$0x1B600] =	vst v63  }
0x21: {  	_ =	swait.ge [sflag:s26], $0x2000  }
0x22: {  	[sflag:s26] =	ssyncset.done $0x0  }
0x23: {  	s21 =	simm.s32 $0x19580;
	s20 =	rddreg [dreg:$0xb];
	[sflag:s26] =	ssyncadd.s32 $0xFFFFE000  }
0x24: {  	[tilespmem:s21], [sflag:$0x1] =	stream.linear.gather [hbm4b:s20+s8], $0x2000, $0x38;
	[tilespmem:$0x1B600] =	vst v63  }
0x25: {  	_ =	swait.ge [sflag:s26], $0x2000  }
0x26: {  	[sflag:s26] =	ssyncset.done $0x0  }
0x27: {  	s23 =	simm.s32 $0x1B580;
	s22 =	rddreg [dreg:$0xc];
	[sflag:s26] =	ssyncadd.s32 $0xFFFFE000  }
0x28: {  	[tilespmem:s23], [sflag:$0x1] =	stream.linear.gather [hbm4b:s22+s8], $0x80, $0x38;
	[tilespmem:$0x1B600] =	vst v63  }
0x29: {  	_ =	swait.ge [sflag:s26], $0x80  }
0x2a: {  	[sflag:s26] =	ssyncset.done $0x0  }
0x2b: {  	s9 =	simm.s32 $0x40;
	s10 =	simm.s32 $0x0;
	[sflag:s26] =	ssyncadd.s32 $0xFFFFFF80  }
.LBB2_2:
0x2c: {  	p2 =	sne.s32 s9, $0x3FC0;
	[tilespmem:s10+$0x5600] =	vst v4;
	s10 =	smov.u32 s9;
	s9 =	sadd.s32 $0x40, s9  }
.Ltmp2:
0x2d: {  	(pc) =	sbr.rel @p2 .LBB2_2-.Ltmp2, $2  }
0x2e: {  	_ =	sdelay $0x2  }
0x2f: {  	s10 =	sshra.s32 s10, $0x2  }
0x30: {  	[tilespmem:s10+$0x5600] =	vst v4;
	s9 =	simm.s32 $0x0;
	s23 =	rddreg [dreg:$0x0]  }
0x31: {  	[tilespmem:s9], [sflag:$0x1] =	stream.linear.gather [hbm4b:s23+s9], $0x1000, $0x38;
	[tilespmem:$0x1B600] =	vst v63  }
0x32: {  	_ =	swait.ge [sflag:s26], $0x1000  }
0x33: {  	[sflag:s26] =	ssyncset.done $0x0  }
0x34: {  	s19 =	simm.s32 $0x0;
	[sflag:s26] =	ssyncadd.s32 $0xFFFFF000  }
0x35: {  	v8 =	vld [tilespmem:s19+$0x0];
	_ =	sdelay $0x4  }
0x36: {  	v9 =	vsub.s32 v8, v0;
	v10 =	vadd.s32 $0xFFF0BE00, v8  }
0x37: {  	v11 =	vsub.s32 $0xF423, v9;
	vm0 =	vlt.s32 v10, $0x0  }
0x38: {  	s20 =	simm.s32 $0x10;
	v9 =	vor.u32 v9, v11;
	v10 =	vnsel vm0, $0xFFF1B300, v2  }
0x39: {  	vm14 =	vgt.s32 v9, $0xFFFFFFFF;
	v9 =	vadd.s32 v8, v10;
	v8 =	vld [tilespmem:s20+$0x0];
	_ =	sdelay $0x2  }
0x3a: {  	v10 =	vsel vm14, $0x1, v5;
	vm15 =	vgt.s32 v9, $0x0  }
0x3b: {  	s9 =	simm.s32 $0x80;
	[tilespmem:s19+$0x2000] =	vst v10;
	v9 =	vnsel vm15, $0x0, v9  }
.LBB2_4:
0x3c: {  	s10 =	sshra.s32 s9, $0x2;
	p2 =	sne.s32 s9, $0x3FC0;
	s9 =	sadd.s32 $0x40, s9;
	v10 =	vsub.s32 v8, v0;
	v11 =	vadd.s32 $0xFFF0BE00, v8;
	v9 =	vmin.u32 v9, $0xF53F;
	v12 =	vmovc v8  }
.Ltmp3:
0x3d: {  	v8 =	vld [tilespmem:s10+$0x0];
	v13 =	vsub.s32 $0xF423, v10;
	vm0 =	vlt.s32 v11, $0x0;
	[tilespmem:s19+$0x1000] =	vst v9;
	s19 =	smov.u32 s20;
	s20 =	smov.u32 s10;
	(pc) =	sbr.rel @p2 .LBB2_4-.Ltmp3, $4  }
0x3e: {  	v9 =	vor.u32 v10, v13;
	v10 =	vnsel vm0, $0xFFF1B300, v2  }
0x3f: {  	vm0 =	vgt.s32 v9, $0xFFFFFFFF;
	v9 =	vadd.s32 v12, v10  }
0x40: {  	v10 =	vsel vm0, $0x1, v5;
	vm0 =	vgt.s32 v9, $0x0  }
0x41: {  	[tilespmem:s19+$0x2000] =	vst v10;
	v9 =	vnsel vm0, $0x0, v9  }
0x42: {  	v10 =	vadd.s32 $0xFFF0BE00, v8  }
0x43: {  	v11 =	vsub.s32 v8, v0;
	vm0 =	vlt.s32 v10, $0x0  }
0x44: {  	v10 =	vsub.s32 $0xF423, v11;
	v12 =	vnsel vm0, $0xFFF1B300, v2  }
0x45: {  	v10 =	vor.u32 v11, v10;
	v8 =	vadd.s32 v8, v12  }
0x46: {  	v9 =	vmin.u32 v9, $0xF53F;
	vm13 =	vgt.s32 v10, $0xFFFFFFFF;
	vm1 =	vgt.s32 v8, $0x0  }
0x47: {  	[tilespmem:s19+$0x1000] =	vst v9;
	v9 =	vsel vm13, $0x1, v5;
	v8 =	vnsel vm1, $0x0, v8  }
0x48: {  	[tilespmem:s20+$0x2000] =	vst v9;
	v8 =	vmin.u32 v8, $0xF53F  }
0x49: {  	[tilespmem:s20+$0x1000] =	vst v8  }
0x4a: {  	[tilespmem:$0x5000] =	vst v5  }
0x4b: {  	[tilespmem:$0x5180] =	vst v6  }
0x4c: {  	[tilespmem:$0x5010] =	vst v5  }
0x4d: {  	[tilespmem:$0x5190] =	vst v6  }
0x4e: {  	[tilespmem:$0x5020] =	vst v5  }
0x4f: {  	[tilespmem:$0x51A0] =	vst v6  }
0x50: {  	[tilespmem:$0x5030] =	vst v5  }
0x51: {  	[tilespmem:$0x51B0] =	vst v6  }
0x52: {  	[tilespmem:$0x5040] =	vst v5  }
0x53: {  	[tilespmem:$0x51C0] =	vst v6  }
0x54: {  	[tilespmem:$0x5050] =	vst v5  }
0x55: {  	[tilespmem:$0x51D0] =	vst v6  }
0x56: {  	[tilespmem:$0x5060] =	vst v5  }
0x57: {  	[tilespmem:$0x51E0] =	vst v6  }
0x58: {  	[tilespmem:$0x5070] =	vst v5  }
0x59: {  	[tilespmem:$0x51F0] =	vst v6  }
0x5a: {  	[tilespmem:$0x5080] =	vst v5  }
0x5b: {  	[tilespmem:$0x5200] =	vst v6  }
0x5c: {  	[tilespmem:$0x5090] =	vst v5  }
0x5d: {  	[tilespmem:$0x5210] =	vst v6  }
0x5e: {  	[tilespmem:$0x50A0] =	vst v5  }
0x5f: {  	[tilespmem:$0x5220] =	vst v6  }
0x60: {  	[tilespmem:$0x50B0] =	vst v5  }
0x61: {  	[tilespmem:$0x5230] =	vst v6  }
0x62: {  	[tilespmem:$0x50C0] =	vst v5  }
0x63: {  	[tilespmem:$0x5240] =	vst v6  }
0x64: {  	[tilespmem:$0x50D0] =	vst v5  }
0x65: {  	[tilespmem:$0x5250] =	vst v6  }
0x66: {  	[tilespmem:$0x50E0] =	vst v5  }
0x67: {  	[tilespmem:$0x5260] =	vst v6  }
0x68: {  	[tilespmem:$0x50F0] =	vst v5  }
0x69: {  	[tilespmem:$0x5270] =	vst v6  }
0x6a: {  	[tilespmem:$0x5100] =	vst v5  }
0x6b: {  	[tilespmem:$0x5280] =	vst v6  }
0x6c: {  	[tilespmem:$0x5110] =	vst v5  }
0x6d: {  	[tilespmem:$0x5290] =	vst v6  }
0x6e: {  	[tilespmem:$0x5120] =	vst v5  }
0x6f: {  	[tilespmem:$0x52A0] =	vst v6  }
0x70: {  	[tilespmem:$0x5130] =	vst v5  }
0x71: {  	[tilespmem:$0x52B0] =	vst v6  }
0x72: {  	[tilespmem:$0x5140] =	vst v5  }
0x73: {  	[tilespmem:$0x52C0] =	vst v6  }
0x74: {  	[tilespmem:$0x5150] =	vst v5  }
0x75: {  	[tilespmem:$0x52D0] =	vst v6  }
0x76: {  	[tilespmem:$0x5160] =	vst v5  }
0x77: {  	[tilespmem:$0x52E0] =	vst v6  }
0x78: {  	[tilespmem:$0x5170] =	vst v5  }
0x79: {  	s9 =	simm.s32 $0x2000;
	[tilespmem:$0x52F0] =	vst v6  }
0x7a: {  	v8 =	vld [tilespmem:s9+$0x0];
	_ =	sdelay $0x4  }
0x7b: {  	(xrf0) =	vadd.scan.msk.s32 $0xffff, v8;
	_ =	sdelay $0x1  }
0x7c: {  	s19 =	simm.s32 $0x0  }
0x7d: {  	v9 =	vmov s19  }
0x7e: {  	v9 =	vadd.s32 $0xFFFFFFFF, v9  }
0x7f: {  	v9 =	vbroadcast v9, $0x0  }
0x80: {  	v10, _, _ =	vpop (xrf0)  }
0x81: {  	v9 =	vadd.s32 v10, v9;
	(v2sf) =	vpush v10, $0xF  }
0x82: {  	s20 =	simm.s32 $0x1000;
	vm14 =	vne.s32 v8, $0x0;
	vm15 =	vlt.s32 v9, $0x17F  }
0x83: {  	v8 =	vnsel vm15, $0x17F, v9;
	v9 =	vld [tilespmem:s20+$0x0];
	_ =	sdelay $0x4  }
0x84: {  	[tilespmem:v8+s30+$0x0] =	vst.idx.msk vm14, v9;
	v9 =	vor.u32 s19, v7  }
0x85: {  	s9 =	simm.s32 $0x2010;
	[tilespmem:v8+s31+$0x0] =	vst.idx.msk vm14, v9  }
0x86: {  	s21 =	simm.s32 $0x10;
	s10 =	simm.s32 $0x20;
	s22 =	simm.s32 $0x0;
	v8 =	vld [tilespmem:s9+$0x0]  }
.LBB2_6:
0x87: {  	p2 =	sne.s32 s10, $0xFF0;
	_ =	sdelay $0x3  }
0x88: {  	vm0 =	vne.s32 v8, $0x0;
	(xrf0) =	vadd.scan.msk.s32 $0xffff, v8  }
0x89: {  	s11 =	spop (v2sf)  }
0x8a: {  	s22 =	sadd.s32 s22, s11  }
0x8b: {  	v8 =	vmov s22  }
0x8c: {  	v8 =	vadd.s32 $0xFFFFFFFF, v8  }
0x8d: {  	v8 =	vbroadcast v8, $0x0  }
0x8e: {  	v9, _, _ =	vpop (xrf0)  }
0x8f: {  	v8 =	vadd.s32 v9, v8;
	(v2sf) =	vpush v9, $0xF  }
0x90: {  	s20 =	sadd.s32 $0x10, s20;
	vm1 =	vlt.s32 v8, $0x17F  }
0x91: {  	v8 =	vnsel vm1, $0x17F, v8;
	v9 =	vld [tilespmem:s20+$0x0];
	_ =	sdelay $0x2  }
.Ltmp4:
0x92: {  	(pc) =	sbr.rel @p2 .LBB2_6-.Ltmp4, $4  }
0x93: {  	_ = 	snop  }
0x94: {  	[tilespmem:v8+s30+$0x0] =	vst.idx.msk vm0, v9;
	v9 =	vor.u32 s21, v7;
	s21 =	smov.u32 s10  }
0x95: {  	s9 =	sadd.s32 $0x10, s9;
	[tilespmem:v8+s31+$0x0] =	vst.idx.msk vm0, v9  }
0x96: {  	s10 =	sadd.s32 $0x10, s10;
	v8 =	vld [tilespmem:s9+$0x0]  }
0x97: {  	_ =	sdelay $0x3  }
0x98: {  	(xrf0) =	vadd.scan.msk.s32 $0xffff, v8;
	_ =	sdelay $0x5  }
0x99: {  	v9, _, _ =	vpop (xrf0)  }
0x9a: {  	(v2sf) =	vpush v9, $0xF  }
0x9b: {  	s9 =	spop (v2sf)  }
0x9c: {  	s9 =	sadd.s32 s22, s9  }
0x9d: {  	v10 =	vmov s9  }
0x9e: {  	v10 =	vadd.s32 $0xFFFFFFFF, v10  }
0x9f: {  	v10 =	vbroadcast v10, $0x0;
	_ =	sdelay $0x1  }
0xa0: {  	v9 =	vadd.s32 v9, v10  }
0xa1: {  	vm0 =	vne.s32 v8, $0x0;
	s22 =	sadd.s32 $0x10, s20;
	vm1 =	vlt.s32 v9, $0x17F  }
0xa2: {  	v62 =	vld [tilespmem:s22+$0x0];
	v8 =	vnsel vm1, $0x17F, v9;
	_ =	sdelay $0x4  }
0xa3: {  	v63 =	vor.u32 s21, v7;
	[tilespmem:v8+s30+$0x0] =	vst.idx.msk vm0, v62  }
0xa4: {  	[tilespmem:v8+s31+$0x0] =	vst.idx.msk vm0, v63;
	s23 =	spop (v2sf)  }
.LBB2_8:
0xa5: {  	s20 =	sadd.s32 s16, s19  }
0xa6: {  	s9 =	sshrl.u32 s20, $0x3  }
0xa7: {  	s10 =	sshll.u32 s19, $0x7;
	s9 =	smul.u32 $0x7A1400, s9  }
0xa8: {  	s10 =	sand.u32 $0x380, s10  }
0xa9: {  	s11 =	sadd.s32 @p1 s10, s9  }
0xaa: {  	s11 =	sadd.s32 @p1 $0x727000, s11  }
0xab: {  	s21 =	simm.s32 @p1 $0x80;
	s22 =	simm.s32 @p1 $0x400;
	s11 =	sshrl.u32 @p1 s11, $0x3  }
0xac: {  	s23 =	simm.s32 @p1 $0x6680;
	s9 =	sadd.s32 @!p1 s17, s9;
	s11 =	sadd.s32 @p1 s4, s11  }
0xad: {  	[tilespmem:s23], [sflag:$0x1] =	stream.strided.gather @p1 [hbm4b:s11+s21], $0xF400, s22, s21, $0x38;
	[tilespmem:$0x1B600] =	vst v63  }
0xae: {  	s9 =	sor.u32 @!p1 s10, s9;
	s11 =	simm.s32 @p1 $0x1  }
0xaf: {  	s9 =	sshrl.u32 @!p1 s9, $0x3;
	_ =	swait.ge @p1 [sflag:s11], $0xF400  }
0xb0: {  	s10 =	simm.s32 @!p1 $0x80;
	s9 =	sadd.s32 @!p1 s4, s9;
	[sflag:s11] =	ssyncset.done @p1 $0x0  }
0xb1: {  	s21 =	simm.s32 @!p1 $0x6680;
	[sflag:s11] =	ssyncadd.s32 @p1 $0xFFFF0C00;
	s11 =	simm.s32 @!p1 $0x400  }
0xb2: {  	[tilespmem:s21], [sflag:$0x1] =	stream.strided.gather @!p1 [hbm4b:s9+s10], $0xF500, s11, s10, $0x38;
	[tilespmem:$0x1B600] =	vst v63  }
0xb3: {  	s9 =	simm.s32 @!p1 $0x1  }
0xb4: {  	_ =	swait.ge @!p1 [sflag:s9], $0xF500  }
0xb5: {  	s22 =	sshll.u32 s20, $0x7;
	[sflag:s9] =	ssyncset.done @!p1 $0x0  }
0xb6: {  	s23 =	sand.u32 $0x3FFFFF80, s22;
	[sflag:s9] =	ssyncadd.s32 @!p1 $0xFFFF0B00  }
0xb7: {  	v8 =	vld [tilespmem:s23+$0x17580];
	_ =	sdelay $0x4  }
0xb8: {  	[tilespmem:$0x15B80] =	vst v8  }
0xb9: {  	v8 =	vld [tilespmem:s23+$0x17590];
	_ =	sdelay $0x4  }
0xba: {  	[tilespmem:$0x15B90] =	vst v8  }
0xbb: {  	v8 =	vld [tilespmem:s23+$0x175A0];
	_ =	sdelay $0x4  }
0xbc: {  	[tilespmem:$0x15BA0] =	vst v8  }
0xbd: {  	v8 =	vld [tilespmem:s23+$0x175B0];
	_ =	sdelay $0x4  }
0xbe: {  	s10 =	simm.s32 $0x0;
	s9 =	simm.s32 $0x40;
	[tilespmem:$0x15BB0] =	vst v8  }
.LBB2_9:
0xbf: {  	p2 =	sne.s32 s9, $0x5C0;
	v8 =	vld [tilespmem:s10+$0x5000];
	_ =	sdelay $0x5  }
0xc0: {  	v9 =	vld [tilespmem:s10+$0x5180];
	_ =	sdelay $0x1  }
0xc1: {  	v8 =	vld.idx.msk [tilespmem:v8+s3+$0x0], $0xffff;
	_ =	sdelay $0x1  }
.Ltmp5:
0xc2: {  	(pc) =	sbr.rel @p2 .LBB2_9-.Ltmp5, $2  }
0xc3: {  	_ =	sdelay $0x2  }
0xc4: {  	s10 =	sshra.s32 s9, $0x2;
	s9 =	sadd.s32 $0x40, s9;
	[tilespmem:v9+s7+$0x0] =	vst.idx.msk $0xffff, v8  }
0xc5: {  	v8 =	vld [tilespmem:s10+$0x5000];
	_ =	sdelay $0x4  }
0xc6: {  	v9 =	vld [tilespmem:s10+$0x5180];
	_ =	sdelay $0x2  }
0xc7: {  	v8 =	vld.idx.msk [tilespmem:v8+s3+$0x0], $0xffff;
	_ =	sdelay $0x2  }
0xc8: {  	s19 =	sadd.s32 $0x1, s19  }
0xc9: {  	s9 =	sshll.u32 s20, $0xD;
	p2 =	sne.s32 s19, $0x20  }
.Ltmp6:
0xca: {  	s9 =	sadd.s32 s9, s15;
	[tilespmem:v9+s7+$0x0] =	vst.idx.msk $0xffff, v8;
	(pc) =	sbr.rel @p2 .LBB2_8-.Ltmp6, $4  }
0xcb: {  	[hbm4b:s9+s0] =	stream.strided.scatter [tilespmem:s7], [sflag:$0x1], $0x1000, s1, s0, $0x38;
	[tilespmem:$0x1B600] =	vst v63  }
0xcc: {  	_ =	swait.ge [sflag:s26], $0x1000  }
0xcd: {  	[sflag:s26] =	ssyncset.done $0x0  }
0xce: {  	s20 =	simm.s32 $0x0;
	[sflag:s26] =	ssyncadd.s32 $0xFFFFF000  }
.LBB2_11:
0xcf: {  	s19 =	sadd.s32 s16, s20  }
0xd0: {  	s9 =	sshrl.u32 s19, $0x3  }
0xd1: {  	s10 =	sshll.u32 s20, $0x7;
	s9 =	smul.u32 $0x7A1400, s9  }
0xd2: {  	s10 =	sand.u32 $0x380, s10  }
0xd3: {  	s11 =	sadd.s32 @p1 s10, s9  }
0xd4: {  	s11 =	sadd.s32 @p1 $0x727000, s11  }
0xd5: {  	s21 =	simm.s32 @p1 $0x80;
	s22 =	simm.s32 @p1 $0x400;
	s11 =	sshrl.u32 @p1 s11, $0x3  }
0xd6: {  	s23 =	simm.s32 @p1 $0x6680;
	s9 =	sadd.s32 @!p1 s17, s9;
	s11 =	sadd.s32 @p1 s6, s11  }
0xd7: {  	[tilespmem:s23], [sflag:$0x1] =	stream.strided.gather @p1 [hbm4b:s11+s21], $0xF400, s22, s21, $0x38;
	[tilespmem:$0x1B600] =	vst v63  }
0xd8: {  	s9 =	sor.u32 @!p1 s10, s9;
	s11 =	simm.s32 @p1 $0x1  }
0xd9: {  	s9 =	sshrl.u32 @!p1 s9, $0x3;
	_ =	swait.ge @p1 [sflag:s11], $0xF400  }
0xda: {  	s10 =	simm.s32 @!p1 $0x80;
	s9 =	sadd.s32 @!p1 s6, s9;
	[sflag:s11] =	ssyncset.done @p1 $0x0  }
0xdb: {  	s21 =	simm.s32 @!p1 $0x6680;
	[sflag:s11] =	ssyncadd.s32 @p1 $0xFFFF0C00;
	s11 =	simm.s32 @!p1 $0x400  }
0xdc: {  	[tilespmem:s21], [sflag:$0x1] =	stream.strided.gather @!p1 [hbm4b:s9+s10], $0xF500, s11, s10, $0x38;
	[tilespmem:$0x1B600] =	vst v63  }
0xdd: {  	s9 =	simm.s32 @!p1 $0x1  }
0xde: {  	_ =	swait.ge @!p1 [sflag:s9], $0xF500  }
0xdf: {  	s22 =	sshll.u32 s19, $0x7;
	[sflag:s9] =	ssyncset.done @!p1 $0x0  }
0xe0: {  	s23 =	sand.u32 $0x3FFFFF80, s22;
	[sflag:s9] =	ssyncadd.s32 @!p1 $0xFFFF0B00  }
0xe1: {  	v8 =	vld [tilespmem:s23+$0x17580];
	_ =	sdelay $0x4  }
0xe2: {  	[tilespmem:$0x15B80] =	vst v8  }
0xe3: {  	v8 =	vld [tilespmem:s23+$0x17590];
	_ =	sdelay $0x4  }
0xe4: {  	[tilespmem:$0x15B90] =	vst v8  }
0xe5: {  	v8 =	vld [tilespmem:s23+$0x175A0];
	_ =	sdelay $0x4  }
0xe6: {  	[tilespmem:$0x15BA0] =	vst v8  }
0xe7: {  	v8 =	vld [tilespmem:s23+$0x175B0];
	_ =	sdelay $0x4  }
0xe8: {  	s10 =	simm.s32 $0x0;
	s9 =	simm.s32 $0x40;
	[tilespmem:$0x15BB0] =	vst v8  }
.LBB2_12:
0xe9: {  	p2 =	sne.s32 s9, $0x5C0;
	v8 =	vld [tilespmem:s10+$0x5000];
	_ =	sdelay $0x5  }
0xea: {  	v9 =	vld [tilespmem:s10+$0x5180];
	_ =	sdelay $0x1  }
0xeb: {  	v8 =	vld.idx.msk [tilespmem:v8+s3+$0x0], $0xffff;
	_ =	sdelay $0x1  }
.Ltmp7:
0xec: {  	(pc) =	sbr.rel @p2 .LBB2_12-.Ltmp7, $2  }
0xed: {  	_ =	sdelay $0x2  }
0xee: {  	s10 =	sshra.s32 s9, $0x2;
	s9 =	sadd.s32 $0x40, s9;
	[tilespmem:v9+s7+$0x0] =	vst.idx.msk $0xffff, v8  }
0xef: {  	v8 =	vld [tilespmem:s10+$0x5000];
	_ =	sdelay $0x4  }
0xf0: {  	v9 =	vld [tilespmem:s10+$0x5180];
	_ =	sdelay $0x2  }
0xf1: {  	v8 =	vld.idx.msk [tilespmem:v8+s3+$0x0], $0xffff;
	_ =	sdelay $0x2  }
0xf2: {  	s20 =	sadd.s32 $0x1, s20  }
0xf3: {  	s9 =	sshll.u32 s19, $0xD;
	p2 =	sne.s32 s20, $0x20  }
.Ltmp8:
0xf4: {  	s9 =	sadd.s32 s9, s18;
	[tilespmem:v9+s7+$0x0] =	vst.idx.msk $0xffff, v8;
	(pc) =	sbr.rel @p2 .LBB2_11-.Ltmp8, $4  }
0xf5: {  	[hbm4b:s9+s0] =	stream.strided.scatter [tilespmem:s7], [sflag:$0x1], $0x1000, s1, s0, $0x38;
	[tilespmem:$0x1B600] =	vst v63  }
0xf6: {  	_ =	swait.ge [sflag:s26], $0x1000  }
0xf7: {  	[sflag:s26] =	ssyncset.done $0x0  }
0xf8: {  	[sflag:s26] =	ssyncadd.s32 $0xFFFFF000  }
0xf9: {  	s9 =	simm.s32 $0x0;
	s10 =	rddreg [dreg:$0x1]  }
0xfa: {  	[tilespmem:s9], [sflag:$0x1] =	stream.linear.gather [hbm4b:s10+s9], $0x1000, $0x38;
	[tilespmem:$0x1B600] =	vst v63  }
0xfb: {  	_ =	swait.ge [sflag:s26], $0x1000  }
0xfc: {  	[sflag:s26] =	ssyncset.done $0x0  }
0xfd: {  	s19 =	simm.s32 $0x0;
	[sflag:s26] =	ssyncadd.s32 $0xFFFFF000  }
0xfe: {  	v8 =	vld [tilespmem:s19+$0x0];
	_ =	sdelay $0x4  }
0xff: {  	v9 =	vsub.s32 v8, v1;
	v10 =	vadd.s32 $0xFFFE7980, v8  }
0x100: {  	v11 =	vsub.s32 $0x1869, v9;
	vm0 =	vlt.s32 v10, $0x0  }
0x101: {  	s20 =	simm.s32 $0x10;
	v9 =	vor.u32 v9, v11;
	v10 =	vnsel vm0, $0xFFFE9280, v3  }
0x102: {  	vm14 =	vgt.s32 v9, $0xFFFFFFFF;
	v9 =	vadd.s32 v8, v10;
	v8 =	vld [tilespmem:s20+$0x0];
	_ =	sdelay $0x2  }
0x103: {  	v10 =	vsel vm14, $0x1, v5;
	vm15 =	vgt.s32 v9, $0x0  }
0x104: {  	s9 =	simm.s32 $0x80;
	[tilespmem:s19+$0x2000] =	vst v10;
	v9 =	vnsel vm15, $0x0, v9  }
.LBB2_15:
0x105: {  	s10 =	sshra.s32 s9, $0x2;
	p2 =	sne.s32 s9, $0x3FC0;
	s9 =	sadd.s32 $0x40, s9;
	v10 =	vsub.s32 v8, v1;
	v11 =	vadd.s32 $0xFFFE7980, v8;
	v9 =	vmin.u32 v9, $0x191F;
	v12 =	vmovc v8  }
.Ltmp9:
0x106: {  	v8 =	vld [tilespmem:s10+$0x0];
	v13 =	vsub.s32 $0x1869, v10;
	vm0 =	vlt.s32 v11, $0x0;
	[tilespmem:s19+$0x1000] =	vst v9;
	s19 =	smov.u32 s20;
	s20 =	smov.u32 s10;
	(pc) =	sbr.rel @p2 .LBB2_15-.Ltmp9, $4  }
0x107: {  	v9 =	vor.u32 v10, v13;
	v10 =	vnsel vm0, $0xFFFE9280, v3  }
0x108: {  	vm0 =	vgt.s32 v9, $0xFFFFFFFF;
	v9 =	vadd.s32 v12, v10  }
0x109: {  	v10 =	vsel vm0, $0x1, v5;
	vm0 =	vgt.s32 v9, $0x0  }
0x10a: {  	[tilespmem:s19+$0x2000] =	vst v10;
	v9 =	vnsel vm0, $0x0, v9  }
0x10b: {  	v10 =	vadd.s32 $0xFFFE7980, v8  }
0x10c: {  	v11 =	vsub.s32 v8, v1;
	vm0 =	vlt.s32 v10, $0x0  }
0x10d: {  	v10 =	vsub.s32 $0x1869, v11;
	v12 =	vnsel vm0, $0xFFFE9280, v3  }
0x10e: {  	v10 =	vor.u32 v11, v10;
	v8 =	vadd.s32 v8, v12  }
0x10f: {  	v9 =	vmin.u32 v9, $0x191F;
	vm13 =	vgt.s32 v10, $0xFFFFFFFF;
	vm1 =	vgt.s32 v8, $0x0  }
0x110: {  	[tilespmem:s19+$0x1000] =	vst v9;
	v9 =	vsel vm13, $0x1, v5;
	v8 =	vnsel vm1, $0x0, v8  }
0x111: {  	[tilespmem:s20+$0x2000] =	vst v9;
	v8 =	vmin.u32 v8, $0x191F  }
0x112: {  	[tilespmem:s20+$0x1000] =	vst v8  }
0x113: {  	[tilespmem:$0x5000] =	vst v5  }
0x114: {  	[tilespmem:$0x5180] =	vst v6  }
0x115: {  	[tilespmem:$0x5010] =	vst v5  }
0x116: {  	[tilespmem:$0x5190] =	vst v6  }
0x117: {  	[tilespmem:$0x5020] =	vst v5  }
0x118: {  	[tilespmem:$0x51A0] =	vst v6  }
0x119: {  	[tilespmem:$0x5030] =	vst v5  }
0x11a: {  	[tilespmem:$0x51B0] =	vst v6  }
0x11b: {  	[tilespmem:$0x5040] =	vst v5  }
0x11c: {  	[tilespmem:$0x51C0] =	vst v6  }
0x11d: {  	[tilespmem:$0x5050] =	vst v5  }
0x11e: {  	[tilespmem:$0x51D0] =	vst v6  }
0x11f: {  	[tilespmem:$0x5060] =	vst v5  }
0x120: {  	[tilespmem:$0x51E0] =	vst v6  }
0x121: {  	[tilespmem:$0x5070] =	vst v5  }
0x122: {  	[tilespmem:$0x51F0] =	vst v6  }
0x123: {  	[tilespmem:$0x5080] =	vst v5  }
0x124: {  	[tilespmem:$0x5200] =	vst v6  }
0x125: {  	[tilespmem:$0x5090] =	vst v5  }
0x126: {  	[tilespmem:$0x5210] =	vst v6  }
0x127: {  	[tilespmem:$0x50A0] =	vst v5  }
0x128: {  	[tilespmem:$0x5220] =	vst v6  }
0x129: {  	[tilespmem:$0x50B0] =	vst v5  }
0x12a: {  	[tilespmem:$0x5230] =	vst v6  }
0x12b: {  	[tilespmem:$0x50C0] =	vst v5  }
0x12c: {  	[tilespmem:$0x5240] =	vst v6  }
0x12d: {  	[tilespmem:$0x50D0] =	vst v5  }
0x12e: {  	[tilespmem:$0x5250] =	vst v6  }
0x12f: {  	[tilespmem:$0x50E0] =	vst v5  }
0x130: {  	[tilespmem:$0x5260] =	vst v6  }
0x131: {  	[tilespmem:$0x50F0] =	vst v5  }
0x132: {  	[tilespmem:$0x5270] =	vst v6  }
0x133: {  	[tilespmem:$0x5100] =	vst v5  }
0x134: {  	[tilespmem:$0x5280] =	vst v6  }
0x135: {  	[tilespmem:$0x5110] =	vst v5  }
0x136: {  	[tilespmem:$0x5290] =	vst v6  }
0x137: {  	[tilespmem:$0x5120] =	vst v5  }
0x138: {  	[tilespmem:$0x52A0] =	vst v6  }
0x139: {  	[tilespmem:$0x5130] =	vst v5  }
0x13a: {  	[tilespmem:$0x52B0] =	vst v6  }
0x13b: {  	[tilespmem:$0x5140] =	vst v5  }
0x13c: {  	[tilespmem:$0x52C0] =	vst v6  }
0x13d: {  	[tilespmem:$0x5150] =	vst v5  }
0x13e: {  	[tilespmem:$0x52D0] =	vst v6  }
0x13f: {  	[tilespmem:$0x5160] =	vst v5  }
0x140: {  	[tilespmem:$0x52E0] =	vst v6  }
0x141: {  	[tilespmem:$0x5170] =	vst v5  }
0x142: {  	s9 =	simm.s32 $0x2000;
	[tilespmem:$0x52F0] =	vst v6  }
0x143: {  	v8 =	vld [tilespmem:s9+$0x0];
	_ =	sdelay $0x4  }
0x144: {  	(xrf0) =	vadd.scan.msk.s32 $0xffff, v8;
	_ =	sdelay $0x1  }
0x145: {  	s20 =	simm.s32 $0x0  }
0x146: {  	v9 =	vmov s20  }
0x147: {  	v9 =	vadd.s32 $0xFFFFFFFF, v9  }
0x148: {  	v9 =	vbroadcast v9, $0x0  }
0x149: {  	v10, _, _ =	vpop (xrf0)  }
0x14a: {  	v9 =	vadd.s32 v10, v9;
	(v2sf) =	vpush v10, $0xF  }
0x14b: {  	s19 =	simm.s32 $0x1000;
	vm14 =	vne.s32 v8, $0x0;
	vm15 =	vlt.s32 v9, $0x17F  }
0x14c: {  	v8 =	vnsel vm15, $0x17F, v9;
	v9 =	vld [tilespmem:s19+$0x0];
	_ =	sdelay $0x4  }
0x14d: {  	[tilespmem:v8+s30+$0x0] =	vst.idx.msk vm14, v9;
	v9 =	vor.u32 s20, v7  }
0x14e: {  	s9 =	simm.s32 $0x2010;
	[tilespmem:v8+s31+$0x0] =	vst.idx.msk vm14, v9  }
0x14f: {  	s21 =	simm.s32 $0x10;
	s10 =	simm.s32 $0x20;
	v8 =	vld [tilespmem:s9+$0x0]  }
.LBB2_17:
0x150: {  	p2 =	sne.s32 s10, $0xFF0;
	_ =	sdelay $0x3  }
0x151: {  	vm0 =	vne.s32 v8, $0x0;
	(xrf0) =	vadd.scan.msk.s32 $0xffff, v8  }
0x152: {  	s11 =	spop (v2sf)  }
0x153: {  	s20 =	sadd.s32 s20, s11  }
0x154: {  	v8 =	vmov s20  }
0x155: {  	v8 =	vadd.s32 $0xFFFFFFFF, v8  }
0x156: {  	v8 =	vbroadcast v8, $0x0  }
0x157: {  	v9, _, _ =	vpop (xrf0)  }
0x158: {  	v8 =	vadd.s32 v9, v8;
	(v2sf) =	vpush v9, $0xF  }
0x159: {  	s19 =	sadd.s32 $0x10, s19;
	vm1 =	vlt.s32 v8, $0x17F  }
0x15a: {  	v8 =	vnsel vm1, $0x17F, v8;
	v9 =	vld [tilespmem:s19+$0x0];
	_ =	sdelay $0x2  }
.Ltmp10:
0x15b: {  	(pc) =	sbr.rel @p2 .LBB2_17-.Ltmp10, $4  }
0x15c: {  	_ = 	snop  }
0x15d: {  	[tilespmem:v8+s30+$0x0] =	vst.idx.msk vm0, v9;
	v9 =	vor.u32 s21, v7;
	s21 =	smov.u32 s10  }
0x15e: {  	s9 =	sadd.s32 $0x10, s9;
	[tilespmem:v8+s31+$0x0] =	vst.idx.msk vm0, v9  }
0x15f: {  	s10 =	sadd.s32 $0x10, s10;
	v8 =	vld [tilespmem:s9+$0x0]  }
0x160: {  	_ =	sdelay $0x3  }
0x161: {  	(xrf0) =	vadd.scan.msk.s32 $0xffff, v8;
	_ =	sdelay $0x5  }
0x162: {  	s9 =	spop (v2sf);
	v9, _, _ =	vpop (xrf0)  }
0x163: {  	s9 =	sadd.s32 s20, s9;
	(v2sf) =	vpush v9, $0xF  }
0x164: {  	v10 =	vmov s9  }
0x165: {  	v10 =	vadd.s32 $0xFFFFFFFF, v10  }
0x166: {  	v10 =	vbroadcast v10, $0x0;
	_ =	sdelay $0x1  }
0x167: {  	v9 =	vadd.s32 v9, v10  }
0x168: {  	s22 =	sadd.s32 $0x10, s19;
	vm0 =	vne.s32 v8, $0x0;
	vm1 =	vlt.s32 v9, $0x17F  }
0x169: {  	v8 =	vnsel vm1, $0x17F, v9;
	v9 =	vld [tilespmem:s22+$0x0];
	_ =	sdelay $0x4  }
0x16a: {  	[tilespmem:v8+s30+$0x0] =	vst.idx.msk vm0, v9;
	v9 =	vor.u32 s21, v7  }
0x16b: {  	s10 =	rddreg [dreg:$0x2];
	s9 =	simm.s32 $0x0;
	[tilespmem:v8+s31+$0x0] =	vst.idx.msk vm0, v9  }
0x16c: {  	[tilespmem:s9], [sflag:$0x1] =	stream.linear.gather [hbm4b:s10+s9], $0x1000, $0x38;
	[tilespmem:$0x1B600] =	vst v63  }
0x16d: {  	s23 =	spop (v2sf)  }
0x16e: {  	_ =	swait.ge [sflag:s26], $0x1000  }
0x16f: {  	[sflag:s26] =	ssyncset.done $0x0  }
0x170: {  	s19 =	simm.s32 $0x0;
	[sflag:s26] =	ssyncadd.s32 $0xFFFFF000  }
0x171: {  	v8 =	vld [tilespmem:s19+$0x0];
	_ =	sdelay $0x4  }
0x172: {  	v9 =	vsub.s32 v8, v1;
	v10 =	vadd.s32 $0xFFFE7980, v8  }
0x173: {  	v11 =	vsub.s32 $0x1869, v9;
	vm13 =	vlt.s32 v10, $0x0  }
0x174: {  	s20 =	simm.s32 $0x10;
	v9 =	vor.u32 v9, v11;
	v10 =	vnsel vm13, $0xFFFE9280, v3  }
0x175: {  	vm14 =	vgt.s32 v9, $0xFFFFFFFF;
	v9 =	vadd.s32 v8, v10;
	v8 =	vld [tilespmem:s20+$0x0];
	_ =	sdelay $0x2  }
0x176: {  	v10 =	vsel vm14, $0x1, v5;
	vm15 =	vgt.s32 v9, $0x0  }
0x177: {  	s9 =	simm.s32 $0x80;
	[tilespmem:s19+$0x4000] =	vst v10;
	v9 =	vnsel vm15, $0x0, v9  }
.LBB2_19:
0x178: {  	s10 =	sshra.s32 s9, $0x2;
	p2 =	sne.s32 s9, $0x3FC0;
	s9 =	sadd.s32 $0x40, s9;
	v10 =	vsub.s32 v8, v1;
	v11 =	vadd.s32 $0xFFFE7980, v8;
	v9 =	vmin.u32 v9, $0x191F;
	v12 =	vmovc v8  }
.Ltmp11:
0x179: {  	v8 =	vld [tilespmem:s10+$0x0];
	v13 =	vsub.s32 $0x1869, v10;
	vm0 =	vlt.s32 v11, $0x0;
	[tilespmem:s19+$0x3000] =	vst v9;
	s19 =	smov.u32 s20;
	s20 =	smov.u32 s10;
	(pc) =	sbr.rel @p2 .LBB2_19-.Ltmp11, $4  }
0x17a: {  	v9 =	vor.u32 v10, v13;
	v10 =	vnsel vm0, $0xFFFE9280, v3  }
0x17b: {  	vm0 =	vgt.s32 v9, $0xFFFFFFFF;
	v9 =	vadd.s32 v12, v10  }
0x17c: {  	v10 =	vsel vm0, $0x1, v5;
	vm0 =	vgt.s32 v9, $0x0  }
0x17d: {  	[tilespmem:s19+$0x4000] =	vst v10;
	v9 =	vnsel vm0, $0x0, v9  }
0x17e: {  	v10 =	vadd.s32 $0xFFFE7980, v8  }
0x17f: {  	v11 =	vsub.s32 v8, v1;
	vm0 =	vlt.s32 v10, $0x0  }
0x180: {  	v10 =	vsub.s32 $0x1869, v11;
	v12 =	vnsel vm0, $0xFFFE9280, v3  }
0x181: {  	v10 =	vor.u32 v11, v10;
	v8 =	vadd.s32 v8, v12  }
0x182: {  	v9 =	vmin.u32 v9, $0x191F;
	vm13 =	vgt.s32 v10, $0xFFFFFFFF;
	vm1 =	vgt.s32 v8, $0x0  }
0x183: {  	[tilespmem:s19+$0x3000] =	vst v9;
	v9 =	vsel vm13, $0x1, v5;
	v8 =	vnsel vm1, $0x0, v8  }
0x184: {  	[tilespmem:s20+$0x4000] =	vst v9;
	v8 =	vmin.u32 v8, $0x191F  }
0x185: {  	[tilespmem:s20+$0x3000] =	vst v8  }
0x186: {  	[tilespmem:$0x5300] =	vst v5  }
0x187: {  	[tilespmem:$0x5480] =	vst v6  }
0x188: {  	[tilespmem:$0x5310] =	vst v5  }
0x189: {  	[tilespmem:$0x5490] =	vst v6  }
0x18a: {  	[tilespmem:$0x5320] =	vst v5  }
0x18b: {  	[tilespmem:$0x54A0] =	vst v6  }
0x18c: {  	[tilespmem:$0x5330] =	vst v5  }
0x18d: {  	[tilespmem:$0x54B0] =	vst v6  }
0x18e: {  	[tilespmem:$0x5340] =	vst v5  }
0x18f: {  	[tilespmem:$0x54C0] =	vst v6  }
0x190: {  	[tilespmem:$0x5350] =	vst v5  }
0x191: {  	[tilespmem:$0x54D0] =	vst v6  }
0x192: {  	[tilespmem:$0x5360] =	vst v5  }
0x193: {  	[tilespmem:$0x54E0] =	vst v6  }
0x194: {  	[tilespmem:$0x5370] =	vst v5  }
0x195: {  	[tilespmem:$0x54F0] =	vst v6  }
0x196: {  	[tilespmem:$0x5380] =	vst v5  }
0x197: {  	[tilespmem:$0x5500] =	vst v6  }
0x198: {  	[tilespmem:$0x5390] =	vst v5  }
0x199: {  	[tilespmem:$0x5510] =	vst v6  }
0x19a: {  	[tilespmem:$0x53A0] =	vst v5  }
0x19b: {  	[tilespmem:$0x5520] =	vst v6  }
0x19c: {  	[tilespmem:$0x53B0] =	vst v5  }
0x19d: {  	[tilespmem:$0x5530] =	vst v6  }
0x19e: {  	[tilespmem:$0x53C0] =	vst v5  }
0x19f: {  	[tilespmem:$0x5540] =	vst v6  }
0x1a0: {  	[tilespmem:$0x53D0] =	vst v5  }
0x1a1: {  	[tilespmem:$0x5550] =	vst v6  }
0x1a2: {  	[tilespmem:$0x53E0] =	vst v5  }
0x1a3: {  	[tilespmem:$0x5560] =	vst v6  }
0x1a4: {  	[tilespmem:$0x53F0] =	vst v5  }
0x1a5: {  	[tilespmem:$0x5570] =	vst v6  }
0x1a6: {  	[tilespmem:$0x5400] =	vst v5  }
0x1a7: {  	[tilespmem:$0x5580] =	vst v6  }
0x1a8: {  	[tilespmem:$0x5410] =	vst v5  }
0x1a9: {  	[tilespmem:$0x5590] =	vst v6  }
0x1aa: {  	[tilespmem:$0x5420] =	vst v5  }
0x1ab: {  	[tilespmem:$0x55A0] =	vst v6  }
0x1ac: {  	[tilespmem:$0x5430] =	vst v5  }
0x1ad: {  	[tilespmem:$0x55B0] =	vst v6  }
0x1ae: {  	[tilespmem:$0x5440] =	vst v5  }
0x1af: {  	[tilespmem:$0x55C0] =	vst v6  }
0x1b0: {  	[tilespmem:$0x5450] =	vst v5  }
0x1b1: {  	[tilespmem:$0x55D0] =	vst v6  }
0x1b2: {  	[tilespmem:$0x5460] =	vst v5  }
0x1b3: {  	[tilespmem:$0x55E0] =	vst v6  }
0x1b4: {  	[tilespmem:$0x5470] =	vst v5  }
0x1b5: {  	s9 =	simm.s32 $0x4000;
	[tilespmem:$0x55F0] =	vst v6  }
0x1b6: {  	v8 =	vld [tilespmem:s9+$0x0];
	_ =	sdelay $0x4  }
0x1b7: {  	(xrf0) =	vadd.scan.msk.s32 $0xffff, v8;
	_ =	sdelay $0x1  }
0x1b8: {  	s19 =	simm.s32 $0x0  }
0x1b9: {  	v9 =	vmov s19  }
0x1ba: {  	v9 =	vadd.s32 $0xFFFFFFFF, v9  }
0x1bb: {  	v9 =	vbroadcast v9, $0x0  }
0x1bc: {  	v10, _, _ =	vpop (xrf0)  }
0x1bd: {  	v9 =	vadd.s32 v10, v9;
	(v2sf) =	vpush v10, $0xF  }
0x1be: {  	s20 =	simm.s32 $0x3000;
	vm14 =	vne.s32 v8, $0x0;
	vm15 =	vlt.s32 v9, $0x17F  }
0x1bf: {  	v8 =	vnsel vm15, $0x17F, v9;
	v9 =	vld [tilespmem:s20+$0x0];
	_ =	sdelay $0x4  }
0x1c0: {  	[tilespmem:v8+s2+$0x0] =	vst.idx.msk vm14, v9;
	v9 =	vor.u32 s19, v7  }
0x1c1: {  	s9 =	simm.s32 $0x4010;
	[tilespmem:v8+s25+$0x0] =	vst.idx.msk vm14, v9  }
0x1c2: {  	s21 =	simm.s32 $0x10;
	s10 =	simm.s32 $0x20;
	s22 =	simm.s32 $0x0;
	v8 =	vld [tilespmem:s9+$0x0]  }
.LBB2_21:
0x1c3: {  	p2 =	sne.s32 s10, $0xFF0;
	_ =	sdelay $0x3  }
0x1c4: {  	vm0 =	vne.s32 v8, $0x0;
	(xrf0) =	vadd.scan.msk.s32 $0xffff, v8  }
0x1c5: {  	s11 =	spop (v2sf)  }
0x1c6: {  	s22 =	sadd.s32 s22, s11  }
0x1c7: {  	v8 =	vmov s22  }
0x1c8: {  	v8 =	vadd.s32 $0xFFFFFFFF, v8  }
0x1c9: {  	v8 =	vbroadcast v8, $0x0  }
0x1ca: {  	v9, _, _ =	vpop (xrf0)  }
0x1cb: {  	v8 =	vadd.s32 v9, v8;
	(v2sf) =	vpush v9, $0xF  }
0x1cc: {  	s20 =	sadd.s32 $0x10, s20;
	vm1 =	vlt.s32 v8, $0x17F  }
0x1cd: {  	v8 =	vnsel vm1, $0x17F, v8;
	v9 =	vld [tilespmem:s20+$0x0];
	_ =	sdelay $0x2  }
.Ltmp12:
0x1ce: {  	(pc) =	sbr.rel @p2 .LBB2_21-.Ltmp12, $4  }
0x1cf: {  	_ = 	snop  }
0x1d0: {  	[tilespmem:v8+s2+$0x0] =	vst.idx.msk vm0, v9;
	v9 =	vor.u32 s21, v7;
	s21 =	smov.u32 s10  }
0x1d1: {  	s9 =	sadd.s32 $0x10, s9;
	[tilespmem:v8+s25+$0x0] =	vst.idx.msk vm0, v9  }
0x1d2: {  	s10 =	sadd.s32 $0x10, s10;
	v8 =	vld [tilespmem:s9+$0x0]  }
0x1d3: {  	_ =	sdelay $0x3  }
0x1d4: {  	(xrf0) =	vadd.scan.msk.s32 $0xffff, v8;
	_ =	sdelay $0x5  }
0x1d5: {  	v9, _, _ =	vpop (xrf0)  }
0x1d6: {  	(v2sf) =	vpush v9, $0xF  }
0x1d7: {  	s9 =	spop (v2sf)  }
0x1d8: {  	s9 =	sadd.s32 s22, s9  }
0x1d9: {  	v10 =	vmov s9  }
0x1da: {  	v10 =	vadd.s32 $0xFFFFFFFF, v10  }
0x1db: {  	v10 =	vbroadcast v10, $0x0;
	_ =	sdelay $0x1  }
0x1dc: {  	v9 =	vadd.s32 v9, v10  }
0x1dd: {  	vm0 =	vne.s32 v8, $0x0;
	s22 =	sadd.s32 $0x10, s20;
	vm1 =	vlt.s32 v9, $0x17F  }
0x1de: {  	v62 =	vld [tilespmem:s22+$0x0];
	v8 =	vnsel vm1, $0x17F, v9;
	_ =	sdelay $0x4  }
0x1df: {  	v63 =	vor.u32 s21, v7;
	[tilespmem:v8+s2+$0x0] =	vst.idx.msk vm0, v62  }
0x1e0: {  	[tilespmem:v8+s25+$0x0] =	vst.idx.msk vm0, v63;
	s23 =	spop (v2sf)  }
.LBB2_23:
0x1e1: {  	s20 =	sadd.s32 s16, s19  }
0x1e2: {  	s9 =	sshrl.u32 s20, $0x3  }
0x1e3: {  	s10 =	sshll.u32 s19, $0x7;
	s9 =	smul.u32 $0xC3800, s9  }
0x1e4: {  	s10 =	sand.u32 $0x380, s10  }
0x1e5: {  	s9 =	sor.u32 s10, s9  }
0x1e6: {  	s9 =	sshrl.u32 s9, $0x3  }
0x1e7: {  	s11 =	simm.s32 @p1 $0x80;
	s9 =	sadd.s32 s5, s9  }
0x1e8: {  	s21 =	simm.s32 @p1 $0x400;
	s22 =	simm.s32 @p1 $0x15C00;
	s10 =	sadd.s32 @p1 $0x16E00, s9  }
0x1e9: {  	[tilespmem:s22], [sflag:$0x1] =	stream.strided.gather @p1 [hbm4b:s10+s11], $0x1880, s21, s11, $0x38;
	[tilespmem:$0x1B600] =	vst v63  }
0x1ea: {  	s10 =	simm.s32 @p1 $0x1  }
0x1eb: {  	_ =	swait.ge @p1 [sflag:s10], $0x1880  }
0x1ec: {  	s9 =	sadd.s32 @!p1 s24, s9;
	s11 =	simm.s32 @!p1 $0x400;
	[sflag:s10] =	ssyncset.done @p1 $0x0  }
0x1ed: {  	s21 =	simm.s32 @!p1 $0x15C00;
	[sflag:s10] =	ssyncadd.s32 @p1 $0xFFFFE780;
	s10 =	simm.s32 @!p1 $0x80  }
0x1ee: {  	[tilespmem:s21], [sflag:$0x1] =	stream.strided.gather @!p1 [hbm4b:s9+s10], $0x1900, s11, s10, $0x38;
	[tilespmem:$0x1B600] =	vst v63  }
0x1ef: {  	s9 =	simm.s32 @!p1 $0x1  }
0x1f0: {  	_ =	swait.ge @!p1 [sflag:s9], $0x1900  }
0x1f1: {  	s22 =	sshll.u32 s20, $0x7;
	[sflag:s9] =	ssyncset.done @!p1 $0x0  }
0x1f2: {  	s23 =	sand.u32 $0x3FFFFF80, s22;
	[sflag:s9] =	ssyncadd.s32 @!p1 $0xFFFFE700  }
0x1f3: {  	v8 =	vld [tilespmem:s23+$0x19580];
	_ =	sdelay $0x4  }
0x1f4: {  	[tilespmem:$0x17500] =	vst v8  }
0x1f5: {  	v8 =	vld [tilespmem:s23+$0x19590];
	_ =	sdelay $0x4  }
0x1f6: {  	s10 =	simm.s32 $0x0;
	s9 =	simm.s32 $0x40;
	[tilespmem:$0x17510] =	vst v8  }
.LBB2_24:
0x1f7: {  	p2 =	sne.s32 s9, $0x5C0;
	v8 =	vld [tilespmem:s10+$0x5000];
	_ =	sdelay $0x5  }
0x1f8: {  	v9 =	vld [tilespmem:s10+$0x5180];
	_ =	sdelay $0x1  }
0x1f9: {  	v8 =	vld.idx.msk [tilespmem:v8+s28+$0x0], $0xffff;
	_ =	sdelay $0x1  }
.Ltmp13:
0x1fa: {  	(pc) =	sbr.rel @p2 .LBB2_24-.Ltmp13, $2  }
0x1fb: {  	_ =	sdelay $0x2  }
0x1fc: {  	s10 =	sshra.s32 s9, $0x2;
	s9 =	sadd.s32 $0x40, s9;
	[tilespmem:v9+s7+$0x0] =	vst.idx.msk $0xffff, v8  }
0x1fd: {  	v8 =	vld [tilespmem:s10+$0x5000];
	_ =	sdelay $0x4  }
0x1fe: {  	v9 =	vld [tilespmem:s10+$0x5180];
	_ =	sdelay $0x2  }
0x1ff: {  	v8 =	vld.idx.msk [tilespmem:v8+s28+$0x0], $0xffff;
	_ =	sdelay $0x2  }
0x200: {  	s9 =	sshll.u32 s20, $0xD  }
0x201: {  	s9 =	sor.u32 s14, s9  }
0x202: {  	s23 =	sadd.s32 s12, s9;
	[tilespmem:v9+s7+$0x0] =	vst.idx.msk $0xffff, v8  }
0x203: {  	[hbm4b:s23+s0] =	stream.strided.scatter [tilespmem:s7], [sflag:$0x1], $0x1000, s1, s0, $0x38;
	[tilespmem:$0x1B600] =	vst v63  }
0x204: {  	_ =	swait.ge [sflag:s26], $0x1000  }
0x205: {  	[sflag:s26] =	ssyncset.done $0x0  }
0x206: {  	s20 =	simm.s32 $0x0;
	s10 =	simm.s32 $0x40;
	[sflag:s26] =	ssyncadd.s32 $0xFFFFF000  }
.LBB2_26:
0x207: {  	p2 =	sne.s32 s10, $0x5C0;
	v8 =	vld [tilespmem:s20+$0x5300];
	_ =	sdelay $0x5  }
0x208: {  	v9 =	vld [tilespmem:s20+$0x5480];
	_ =	sdelay $0x1  }
0x209: {  	v8 =	vld.idx.msk [tilespmem:v8+s28+$0x0], $0xffff;
	_ =	sdelay $0x1  }
.Ltmp14:
0x20a: {  	(pc) =	sbr.rel @p2 .LBB2_26-.Ltmp14, $2  }
0x20b: {  	_ =	sdelay $0x2  }
0x20c: {  	s20 =	sshra.s32 s10, $0x2;
	s10 =	sadd.s32 $0x40, s10;
	[tilespmem:v9+s7+$0x0] =	vst.idx.msk $0xffff, v8  }
0x20d: {  	v8 =	vld [tilespmem:s20+$0x5300];
	_ =	sdelay $0x4  }
0x20e: {  	v9 =	vld [tilespmem:s20+$0x5480];
	_ =	sdelay $0x2  }
0x20f: {  	v8 =	vld.idx.msk [tilespmem:v8+s28+$0x0], $0xffff;
	_ =	sdelay $0x2  }
0x210: {  	s19 =	sadd.s32 $0x1, s19  }
0x211: {  	p2 =	sne.s32 s19, $0x20  }
.Ltmp15:
0x212: {  	s9 =	sadd.s32 s13, s9;
	[tilespmem:v9+s7+$0x0] =	vst.idx.msk $0xffff, v8;
	(pc) =	sbr.rel @p2 .LBB2_23-.Ltmp15, $4  }
0x213: {  	[hbm4b:s9+s0] =	stream.strided.scatter [tilespmem:s7], [sflag:$0x1], $0x1000, s1, s0, $0x38;
	[tilespmem:$0x1B600] =	vst v63  }
0x214: {  	_ =	swait.ge [sflag:s26], $0x1000  }
0x215: {  	[sflag:s26] =	ssyncset.done $0x0  }
0x216: {  	[sflag:s26] =	ssyncadd.s32 $0xFFFFF000  }
.Ltmp16:
0x217: {  	(pc) =	sbr.rel @p0 .LBB2_34-.Ltmp16, $1  }
0x218: {  	_ =	sdelay $0x3  }
0x219: {  	s9 =	simm.s32 @p1 $0x0;
	s10 =	simm.s32 @p1 $0x15C00;
	s11 =	rddreg [dreg:$0xe]  }
0x21a: {  	[tilespmem:s10], [sflag:$0x1] =	stream.linear.gather @p1 [hbm4b:s11+s9], $0x1880, $0x38;
	[tilespmem:$0x1B600] =	vst v63  }
0x21b: {  	s9 =	simm.s32 @p1 $0x1  }
0x21c: {  	_ =	swait.ge @p1 [sflag:s9], $0x1880  }
0x21d: {  	s10 =	simm.s32 @!p1 $0x15C00;
	[sflag:s9] =	ssyncset.done @p1 $0x0  }
0x21e: {  	s11 =	rddreg [dreg:$0xd];
	[sflag:s9] =	ssyncadd.s32 @p1 $0xFFFFE780;
	s9 =	simm.s32 @!p1 $0x0  }
0x21f: {  	[tilespmem:s10], [sflag:$0x1] =	stream.linear.gather @!p1 [hbm4b:s11+s9], $0x1900, $0x38;
	[tilespmem:$0x1B600] =	vst v63  }
0x220: {  	s9 =	simm.s32 @!p1 $0x1  }
0x221: {  	_ =	swait.ge @!p1 [sflag:s9], $0x1900  }
0x222: {  	[sflag:s9] =	ssyncset.done @!p1 $0x0  }
0x223: {  	[sflag:s9] =	ssyncadd.s32 @!p1 $0xFFFFE700  }
0x224: {  	v8 =	vld [tilespmem:$0x1B580]  }
0x225: {  	v9 =	vld [tilespmem:$0x1B590];
	_ =	sdelay $0x3  }
0x226: {  	[tilespmem:$0x17500] =	vst v8  }
0x227: {  	s10 =	simm.s32 $0x0;
	s9 =	simm.s32 $0x40;
	[tilespmem:$0x17510] =	vst v9  }
.LBB2_30:
0x228: {  	p2 =	sne.s32 s9, $0x5C0;
	v8 =	vld [tilespmem:s10+$0x5000];
	_ =	sdelay $0x5  }
0x229: {  	v9 =	vld [tilespmem:s10+$0x5180];
	_ =	sdelay $0x1  }
0x22a: {  	v8 =	vld.idx.msk [tilespmem:v8+s28+$0x0], $0xffff;
	_ =	sdelay $0x1  }
.Ltmp17:
0x22b: {  	(pc) =	sbr.rel @p2 .LBB2_30-.Ltmp17, $2  }
0x22c: {  	_ =	sdelay $0x2  }
0x22d: {  	s10 =	sshra.s32 s9, $0x2;
	s9 =	sadd.s32 $0x40, s9;
	[tilespmem:v9+s7+$0x0] =	vst.idx.msk $0xffff, v8  }
0x22e: {  	v8 =	vld [tilespmem:s10+$0x5000];
	_ =	sdelay $0x4  }
0x22f: {  	v9 =	vld [tilespmem:s10+$0x5180];
	_ =	sdelay $0x2  }
0x230: {  	v8 =	vld.idx.msk [tilespmem:v8+s28+$0x0], $0xffff;
	_ =	sdelay $0x4  }
0x231: {  	s9 =	rddreg [dreg:$0xf];
	[tilespmem:v9+s7+$0x0] =	vst.idx.msk $0xffff, v8  }
0x232: {  	[hbm4b:s9+s0] =	stream.strided.scatter [tilespmem:s7], [sflag:$0x1], $0x1000, s1, s0, $0x38;
	[tilespmem:$0x1B600] =	vst v63  }
0x233: {  	_ =	swait.ge [sflag:s26], $0x1000  }
0x234: {  	[sflag:s26] =	ssyncset.done $0x0  }
0x235: {  	s10 =	simm.s32 $0x0;
	s9 =	simm.s32 $0x40;
	[sflag:s26] =	ssyncadd.s32 $0xFFFFF000  }
.LBB2_32:
0x236: {  	p2 =	sne.s32 s9, $0x5C0;
	v8 =	vld [tilespmem:s10+$0x5300];
	_ =	sdelay $0x5  }
0x237: {  	v9 =	vld [tilespmem:s10+$0x5480];
	_ =	sdelay $0x1  }
0x238: {  	v8 =	vld.idx.msk [tilespmem:v8+s28+$0x0], $0xffff;
	_ =	sdelay $0x1  }
.Ltmp18:
0x239: {  	(pc) =	sbr.rel @p2 .LBB2_32-.Ltmp18, $2  }
0x23a: {  	_ =	sdelay $0x2  }
0x23b: {  	s10 =	sshra.s32 s9, $0x2;
	s9 =	sadd.s32 $0x40, s9;
	[tilespmem:v9+s7+$0x0] =	vst.idx.msk $0xffff, v8  }
0x23c: {  	v8 =	vld [tilespmem:s10+$0x5300];
	_ =	sdelay $0x4  }
0x23d: {  	v9 =	vld [tilespmem:s10+$0x5480];
	_ =	sdelay $0x2  }
0x23e: {  	v8 =	vld.idx.msk [tilespmem:v8+s28+$0x0], $0xffff;
	_ =	sdelay $0x4  }
.Ltmp19:
0x23f: {  	s9 =	rddreg [dreg:$0x10];
	[tilespmem:v9+s7+$0x0] =	vst.idx.msk $0xffff, v8;
	(pc) =	sbr.rel .LBB2_34-.Ltmp19, $4  }
0x240: {  	[hbm4b:s9+s0] =	stream.strided.scatter [tilespmem:s7], [sflag:$0x1], $0x1000, s1, s0, $0x38;
	[tilespmem:$0x1B600] =	vst v63  }
0x241: {  	_ =	swait.ge [sflag:s26], $0x1000  }
0x242: {  	[sflag:s26] =	ssyncset.done $0x0  }
0x243: {  	[sflag:s26] =	ssyncadd.s32 $0xFFFFF000  }
.LBB2_35:
0x244: {  	_ =	sfence.sel $0x180000  }
0x245: {  	[bflag:$0x0] =	sbarrier.arrive $0xFFFF  }
0x246: {  	_ =	strace $0x90000047  }
0x247: {  	s0 =	stileid.u32;
	[bflag:$0x2] =	sbarrier.arrive $0xFFFF  }
0x248: {  	p0 =	sne.s32 s0, $0x0;
	s0 =	rddreg [dreg:$0x9]  }
0x249: {  	s0 =	sadd.s32 @!p0 $0x100000, s0  }
0x24a: {  	[sflag:s0] =	ssyncadd.tile.s32 @!p0 $0x1;
	_ =	shalt  }
.Lfunc_end2:
_tile_overlayer_lowered:
.L_overlay_start_2:
0x24b: {  	(tag) =	ssettag $0x2  }
0x24c: {  	s0 =	rddreg [dreg:$0x0];
	s2 =	stileid.u32  }
0x24d: {  	s1 =	rddreg [dreg:$0x1];
	p0 =	sne.s32 s2, $0x0  }
0x24e: {  	s3 =	rddreg [dreg:$0x2];
	[bflag:$0x3] =	sbarrier.arrive $0xFFFF;
	s2 =	simm.s32 @!p0 $0x1C01  }
0x24f: {  	[timem:s3], [sflag:s2] =	dma.local @!p0 [hbm:s0], s1  }
0x250: {  	s0 =	simm.s32 @!p0 $0x1  }
0x251: {  	_ =	swait.ge @!p0 [sflag:s0], s1  }
0x252: {  	s1 =	ssub.s32 @!p0 $0x0, s1;
	[sflag:s0] =	ssyncset.done @!p0 $0x0  }
0x253: {  	[sflag:s0] =	ssyncadd.s32 @!p0 s1  }
0x254: {  	[bflag:$0x3] =	sbarrier.arrive $0xFFFF  }
0x255: {  	_ =	shalt  }

</sc_bundles>
